<compile_context>
chip_gen: v7x
topology: tpu7x:2x2x1
jax: 0.10.2.dev20260603
libtpu: 0.0.44.dev20260713+nightly
codegen_flags: <defaults>
</compile_context>

<pallas_src>
import dataclasses
import functools

import jax
import jax.numpy as jnp
import numpy as np
from jax import lax
from jax.experimental import pallas as pl
from jax.experimental.pallas import tpu as pltpu
from jax.experimental.pallas import tpu_sc as plsc

N = 10000
ACC = 10240
IN_CH = 128
HID = 256
OUT_CH = 128
E = 320000
NC = 2
NS = 16
NW = NC * NS
W = 128
NWIN = 80
HN = NWIN // 2
RW = E // W
PADW = NW * NWIN - RW
BM = 5000

_PAD_SRC = np.arange(PADW * W, dtype=np.int32).reshape(PADW, W) % N
_PAD_DST = (N + np.arange(PADW * W, dtype=np.int32).reshape(PADW, W) % (ACC - N)).astype(np.int32)


def _mesh():
    return plsc.VectorSubcoreMesh(core_axis_name="c", subcore_axis_name="s")


def _sc_params():
    cp = pltpu.CompilerParams()
    if "needs_layout_passes" in pltpu.CompilerParams.__dataclass_fields__:
        cp = dataclasses.replace(cp, needs_layout_passes=False)
    return cp


def _sc_degree(ei_win):

    @functools.partial(
        pl.kernel,
        mesh=_mesh(),
        compiler_params=_sc_params(),
        out_type=jax.ShapeDtypeStruct((NC, ACC), jnp.float32),
        scratch_types=[
            pltpu.VMEM((NWIN, W), jnp.int32),
            pltpu.VMEM((ACC,), jnp.float32),
            pltpu.VMEM((640,), jnp.float32),
            pltpu.VMEM((640,), jnp.float32),
            pltpu.VMEM_SHARED((NS, ACC), jnp.float32),
            pltpu.SemaphoreType.DMA,
        ],
    )
    def k(ei_hbm, out_hbm, di_v, hist, tbuf, sbuf, stage, sem):
        cid = lax.axis_index("c")
        sid = lax.axis_index("s")
        wid = sid * NC + cid
        pltpu.sync_copy(ei_hbm.at[1, pl.ds(wid * NWIN, NWIN)], di_v)

        @pl.loop(0, ACC, step=16)
        def _(i):
            hist[pl.ds(i, 16)] = jnp.zeros((16,), jnp.float32)

        ones = jnp.ones((16,), jnp.float32)

        @pl.loop(0, NWIN)
        def _(j):
            @pl.loop(0, W, step=16)
            def _(c0):
                idx = di_v[j, pl.ds(c0, 16)]
                plsc.addupdate_scatter(hist, [idx], ones)

        pltpu.sync_copy(hist, stage.at[sid])
        plsc.subcore_barrier()

        base = sid * 640

        @pl.loop(0, 640, step=16)
        def _(i):
            sbuf[pl.ds(i, 16)] = jnp.zeros((16,), jnp.float32)

        @pl.loop(0, NS)
        def _(t):
            pltpu.sync_copy(stage.at[t, pl.ds(base, 640)], tbuf)

            @pl.loop(0, 640, step=16)
            def _(i):
                sbuf[pl.ds(i, 16)] = sbuf[pl.ds(i, 16)] + tbuf[pl.ds(i, 16)]

        pltpu.sync_copy(sbuf, out_hbm.at[cid, pl.ds(base, 640)])

    return k(ei_win)


_SC_SCATTER_CACHE = []


def _sc_scatter(values, ei_win):
    if _SC_SCATTER_CACHE:
        return _SC_SCATTER_CACHE[0](values, ei_win)

    @functools.partial(
        pl.kernel,
        mesh=_mesh(),
        compiler_params=_sc_params(),
        out_type=jax.ShapeDtypeStruct((NC, ACC, IN_CH), jnp.float32),
        scratch_types=[
            pltpu.VMEM((HN, W), jnp.int32),
            pltpu.VMEM((HN, W), jnp.int32),
            pltpu.VMEM((W, IN_CH), jnp.float32),
            pltpu.VMEM((W, IN_CH), jnp.float32),
            pltpu.SemaphoreType.DMA,
            pltpu.SemaphoreType.DMA,
            pltpu.VMEM_SHARED((ACC, IN_CH), jnp.float32),
        ],
    )
    def k(v_hbm, ei_hbm, out_hbm, si_v, di_v, buf0, buf1, sg0, sg1, acc):
        cid = lax.axis_index("c")
        sid = lax.axis_index("s")
        wid = sid * NC + cid

        @pl.loop(0, W)
        def _(r):
            @pl.loop(0, IN_CH, step=16)
            def _(c0):
                buf0[r, pl.ds(c0, 16)] = jnp.zeros((16,), jnp.float32)

        base = sid * 640

        @pl.loop(0, 5)
        def _(t):
            pltpu.sync_copy(buf0, acc.at[pl.ds(base + t * W, W)])

        plsc.subcore_barrier()

        for h in (0, 1):
            g0 = wid * NWIN + h * HN
            pltpu.sync_copy(ei_hbm.at[0, pl.ds(g0, HN)], si_v)
            pltpu.sync_copy(ei_hbm.at[1, pl.ds(g0, HN)], di_v)

            pltpu.async_copy(v_hbm.at[si_v.at[0]], buf0, sg0)
            pltpu.async_copy(v_hbm.at[si_v.at[1]], buf1, sg1)

            @pl.loop(0, HN - 2, step=2)
            def _(w):
                pltpu.make_async_copy(v_hbm.at[si_v.at[w]], buf0, sg0).wait()
                pltpu.sync_copy(buf0, acc.at[di_v.at[w]], add=True)
                pltpu.async_copy(v_hbm.at[si_v.at[w + 2]], buf0, sg0)
                pltpu.make_async_copy(v_hbm.at[si_v.at[w + 1]], buf1, sg1).wait()
                pltpu.sync_copy(buf1, acc.at[di_v.at[w + 1]], add=True)
                pltpu.async_copy(v_hbm.at[si_v.at[w + 3]], buf1, sg1)

            pltpu.make_async_copy(v_hbm.at[si_v.at[HN - 2]], buf0, sg0).wait()
            pltpu.sync_copy(buf0, acc.at[di_v.at[HN - 2]], add=True)
            pltpu.make_async_copy(v_hbm.at[si_v.at[HN - 1]], buf1, sg1).wait()
            pltpu.sync_copy(buf1, acc.at[di_v.at[HN - 1]], add=True)

        plsc.subcore_barrier()
        pltpu.sync_copy(acc.at[pl.ds(base, 640)], out_hbm.at[cid, pl.ds(base, 640)])

    _SC_SCATTER_CACHE.append(k)
    return k(values, ei_win)


def _tc_scale(x, deg_parts):

    def body(x_ref, d_ref, p_ref, dv_ref):
        deg = d_ref[0] + d_ref[1] + 1.0
        dinv = lax.rsqrt(deg)
        dv_ref[...] = dinv
        p_ref[...] = x_ref[...] * dinv

    return pl.pallas_call(
        body,
        grid=(N // BM,),
        in_specs=[
            pl.BlockSpec((BM, IN_CH), lambda i: (i, 0)),
            pl.BlockSpec((NC, BM, 1), lambda i: (0, i, 0)),
        ],
        out_specs=[
            pl.BlockSpec((BM, IN_CH), lambda i: (i, 0)),
            pl.BlockSpec((BM, 1), lambda i: (i, 0)),
        ],
        out_shape=[
            jax.ShapeDtypeStruct((N, IN_CH), jnp.float32),
            jax.ShapeDtypeStruct((N, 1), jnp.float32),
        ],
    )(x, deg_parts)


def _tc_mid(s1, p, dinv, W1, b1, W2):

    def body(s_ref, p_ref, d_ref, w1_ref, b1_ref, w2_ref, g_ref):
        a = (s_ref[0] + s_ref[1] + p_ref[...]) * d_ref[...]
        h = jnp.dot(a, w1_ref[...], preferred_element_type=jnp.float32)
        h = jnp.maximum(h + b1_ref[...], 0.0)
        g = jnp.dot(h, w2_ref[...], preferred_element_type=jnp.float32)
        g_ref[...] = g * d_ref[...]

    return pl.pallas_call(
        body,
        grid=(N // BM,),
        in_specs=[
            pl.BlockSpec((NC, BM, IN_CH), lambda i: (0, i, 0)),
            pl.BlockSpec((BM, IN_CH), lambda i: (i, 0)),
            pl.BlockSpec((BM, 1), lambda i: (i, 0)),
            pl.BlockSpec((IN_CH, HID), lambda i: (0, 0)),
            pl.BlockSpec((1, HID), lambda i: (0, 0)),
            pl.BlockSpec((HID, OUT_CH), lambda i: (0, 0)),
        ],
        out_specs=pl.BlockSpec((BM, OUT_CH), lambda i: (i, 0)),
        out_shape=jax.ShapeDtypeStruct((N, OUT_CH), jnp.float32),
    )(s1, p, dinv, W1, b1, W2)


def _tc_out(s2, g, dinv, b2):

    def body(s_ref, g_ref, d_ref, b2_ref, o_ref):
        o_ref[...] = (s_ref[0] + s_ref[1] + g_ref[...]) * d_ref[...] + b2_ref[...]

    return pl.pallas_call(
        body,
        grid=(N // BM,),
        in_specs=[
            pl.BlockSpec((NC, BM, OUT_CH), lambda i: (0, i, 0)),
            pl.BlockSpec((BM, OUT_CH), lambda i: (i, 0)),
            pl.BlockSpec((BM, 1), lambda i: (i, 0)),
            pl.BlockSpec((1, OUT_CH), lambda i: (0, 0)),
        ],
        out_specs=pl.BlockSpec((BM, OUT_CH), lambda i: (i, 0)),
        out_shape=jax.ShapeDtypeStruct((N, OUT_CH), jnp.float32),
    )(s2, g, dinv, b2)


def kernel(x, edge_index, W1, b1, W2, b2):
    ei_win = jnp.concatenate(
        [edge_index.astype(jnp.int32).reshape(2, RW, W),
         np.stack([_PAD_SRC, _PAD_DST])], axis=1)

    deg_parts = _sc_degree(ei_win)
    p, dinv = _tc_scale(x, deg_parts[:, :N, None])
    s1 = _sc_scatter(p, ei_win)
    g = _tc_mid(s1, p, dinv, W1, b1.reshape(1, HID), W2)
    s2 = _sc_scatter(g, ei_win)
    return _tc_out(s2, g, dinv, b2.reshape(1, OUT_CH))

# --- scband reference (transcript-rebuilt; emitter-appended) ---
"""Pipeline reference for scband-gcnencoder-21689584845069 (READ-ONLY COPY).

The authoritative reference and input builder live on the scoring server;
editing this copy changes nothing except your own understanding.
"""

import jax, jax.numpy as jnp
import numpy as np

N_NODES = 10000
IN_CH = 128
HID = 256  # 2 * out_channels
OUT_CH = 128
N_EDGES = 320000


def _add_self_loops(edge_index, num_nodes):
    loop = jnp.arange(num_nodes, dtype=edge_index.dtype)
    src = jnp.concatenate([edge_index[0], loop])
    dst = jnp.concatenate([edge_index[1], loop])
    return src, dst


def _gcn_conv(x, src, dst, W, b, num_nodes):
    # h = X W
    h = x @ W
    # symmetric normalization D^{-1/2} (A+I) D^{-1/2}
    ones = jnp.ones(src.shape[0], dtype=x.dtype)
    deg = jnp.zeros((num_nodes,), dtype=x.dtype).at[dst].add(ones)
    deg_inv_sqrt = jnp.where(deg > 0, deg ** -0.5, 0.0)
    norm = deg_inv_sqrt[src] * deg_inv_sqrt[dst]
    # gather messages from src, scale, scatter-add to dst
    msg = h[src] * norm[:, None]
    out = jnp.zeros((num_nodes, h.shape[1]), dtype=x.dtype).at[dst].add(msg)
    return out + b


def setup_inputs(seed: int = 0) -> dict:
    key = jax.random.key(seed)
    k1, k2, k3, k4, k5, k6 = jax.random.split(key, 6)
    x = jax.random.normal(k1, (N_NODES, IN_CH), dtype=jnp.float32)
    edge_index = jax.random.randint(k2, (2, N_EDGES), 0, N_NODES)
    # glorot-style init for GCNConv weights
    W1 = jax.random.normal(k3, (IN_CH, HID), dtype=jnp.float32) * (2.0 / (IN_CH + HID)) ** 0.5
    b1 = jnp.zeros((HID,), dtype=jnp.float32)
    W2 = jax.random.normal(k4, (HID, OUT_CH), dtype=jnp.float32) * (2.0 / (HID + OUT_CH)) ** 0.5
    b2 = jnp.zeros((OUT_CH,), dtype=jnp.float32)
    return {"x": x, "edge_index": edge_index, "W1": W1, "b1": b1, "W2": W2, "b2": b2}


def reference(x, edge_index, W1, b1, W2, b2):
    num_nodes = x.shape[0]
    src, dst = _add_self_loops(edge_index, num_nodes)
    h = _gcn_conv(x, src, dst, W1, b1, num_nodes)
    h = jax.nn.relu(h)
    out = _gcn_conv(h, src, dst, W2, b2, num_nodes)
    return out

if __name__ == "__main__":
    import jax
    _d = setup_inputs()
    print(jax.jit(kernel)(*tuple(_d.values())))

</pallas_src>

<mosaic_0001>
#map = affine_map<(d0, d1) -> (0, 0, 0)>
#map1 = affine_map<(d0, d1) -> (0, 0)>
module attributes {stable_mosaic.version = 14 : i64} {
  func.func @k(%arg0: i32, %arg1: i32, %arg2: memref<2x2560x128xi32, #tpu.memory_space<hbm>>, %arg3: memref<2x10240xf32, #tpu.memory_space<hbm>>, %arg4: memref<80x128xi32, #tpu.memory_space<vmem>>, %arg5: memref<10240xf32, #tpu.memory_space<vmem>>, %arg6: memref<640xf32, #tpu.memory_space<vmem>>, %arg7: memref<640xf32, #tpu.memory_space<vmem>>, %arg8: memref<16x10240xf32, #tpu.memory_space<vmem_shared>>, %arg9: memref<!tpu.dma_semaphore, #tpu.memory_space<semaphore_mem>>) attributes {dimension_semantics = [#tpu.dimension_semantics<core_parallel>, #tpu.dimension_semantics<subcore_parallel>], iteration_bounds = array<i64: 2, 16>, scalar_prefetch = 0 : i64, scratch_operands = 6 : i64, tpu.core_type = #tpu.core_type<sc_vector_subcore>, window_params = [{transform_indices = #map}, {transform_indices = #map1}]} {
    %mul3A = arith.constant 2 : i32
    %mul3A_0 = arith.muli %arg1, %mul3A : i32
    %add3A = arith.addi %mul3A_0, %arg0 : i32
    %mul3A_1 = arith.constant 80 : i32
    %mul3A_2 = arith.muli %add3A, %mul3A_1 : i32
    %run_scoped3A = arith.constant 1 : i32
    "tpu.region"() ({
      %run_scoped3A_25 = tpu.sem_alloc : memref<!tpu.dma_semaphore, #tpu.memory_space<semaphore_mem>>
      %dma_start3A = arith.constant 0 : i32
      %dma_start3A_26 = tpu.memref_slice %arg2[%run_scoped3A, %mul3A_2, %dma_start3A] : memref<2x2560x128xi32, #tpu.memory_space<hbm>> -> memref<1x80x128xi32, #tpu.memory_space<hbm>>
      %dma_start3A_27 = tpu.memref_squeeze %dma_start3A_26 : memref<1x80x128xi32, #tpu.memory_space<hbm>> -> memref<80x128xi32, #tpu.memory_space<hbm>>
      %dma_start3A_28 = arith.constant 0 : i32
      %dma_start3A_29 = tpu.memref_slice %arg2[%run_scoped3A, %mul3A_2, %dma_start3A_28] : memref<2x2560x128xi32, #tpu.memory_space<hbm>> -> memref<1x80x128xi32, #tpu.memory_space<hbm>>
      %dma_start3A_30 = tpu.memref_squeeze %dma_start3A_29 : memref<1x80x128xi32, #tpu.memory_space<hbm>> -> memref<80x128xi32, #tpu.memory_space<hbm>>
      tpu.enqueue_dma source(%dma_start3A_30 : memref<80x128xi32, #tpu.memory_space<hbm>>) target(%arg4 : memref<80x128xi32, #tpu.memory_space<vmem>>) target_semaphore(%run_scoped3A_25 : memref<!tpu.dma_semaphore, #tpu.memory_space<semaphore_mem>>)
      %dma_wait3A = arith.constant 0 : i32
      %dma_wait3A_31 = tpu.memref_slice %arg2[%run_scoped3A, %mul3A_2, %dma_wait3A] : memref<2x2560x128xi32, #tpu.memory_space<hbm>> -> memref<1x80x128xi32, #tpu.memory_space<hbm>>
      %dma_wait3A_32 = tpu.memref_squeeze %dma_wait3A_31 : memref<1x80x128xi32, #tpu.memory_space<hbm>> -> memref<80x128xi32, #tpu.memory_space<hbm>>
      %dma_wait3A_33 = arith.constant 0 : i32
      %dma_wait3A_34 = tpu.memref_slice %arg2[%run_scoped3A, %mul3A_2, %dma_wait3A_33] : memref<2x2560x128xi32, #tpu.memory_space<hbm>> -> memref<1x80x128xi32, #tpu.memory_space<hbm>>
      %dma_wait3A_35 = tpu.memref_squeeze %dma_wait3A_34 : memref<1x80x128xi32, #tpu.memory_space<hbm>> -> memref<80x128xi32, #tpu.memory_space<hbm>>
      tpu.wait_dma2 semaphore(%run_scoped3A_25 : memref<!tpu.dma_semaphore, #tpu.memory_space<semaphore_mem>>) src(%dma_wait3A_35 : memref<80x128xi32, #tpu.memory_space<hbm>>) dst(%arg4 : memref<80x128xi32, #tpu.memory_space<vmem>>)
      tpu.yield
    }) : () -> ()
    %scan3A = arith.constant 0 : i32
    %scan3A_3 = arith.constant 640 : i32
    %scan3A_4 = arith.addi %scan3A, %scan3A_3 : i32
    %scan3A_5 = arith.constant 1 : i32
    scf.for %scan3A_25 = %scan3A to %scan3A_4 step %scan3A_5  : i32 {
      %mul3A_26 = arith.constant 16 : i32
      %mul3A_27 = arith.muli %scan3A_25, %mul3A_26 : i32
      %add3A_28 = arith.constant 0 : i32
      %add3A_29 = arith.addi %add3A_28, %mul3A_27 : i32
      %broadcast_in_dim3A_30 = arith.constant 0.000000e+00 : f32
      %broadcast_in_dim3A_31 = vector.broadcast %broadcast_in_dim3A_30 : f32 to vector<16xf32>
      %swap3A = arith.index_cast %add3A_29 : i32 to index
      %swap3A_32 = tpu.vector_load %arg5[%swap3A] {strides = array<i32>} : memref<10240xf32, #tpu.memory_space<vmem>>, vector<16xf32>,
      tpu.vector_store %arg5[%swap3A], %broadcast_in_dim3A_31 {strides = array<i32>} : memref<10240xf32, #tpu.memory_space<vmem>>, vector<16xf32>,
    }
    %scan3A_6 = arith.constant 640 : i32
    %broadcast_in_dim3A = arith.constant 1.000000e+00 : f32
    %broadcast_in_dim3A_7 = vector.broadcast %broadcast_in_dim3A : f32 to vector<16xf32>
    %scan3A_8 = arith.constant 0 : i32
    %scan3A_9 = arith.constant 80 : i32
    %scan3A_10 = arith.addi %scan3A_8, %scan3A_9 : i32
    %scan3A_11 = arith.constant 1 : i32
    scf.for %scan3A_25 = %scan3A_8 to %scan3A_10 step %scan3A_11  : i32 {
      %mul3A_26 = arith.constant 1 : i32
      %mul3A_27 = arith.muli %scan3A_25, %mul3A_26 : i32
      %add3A_28 = arith.constant 0 : i32
      %add3A_29 = arith.addi %add3A_28, %mul3A_27 : i32
      %scan3A_30 = arith.constant 0 : i32
      %scan3A_31 = arith.constant 8 : i32
      %scan3A_32 = arith.addi %scan3A_30, %scan3A_31 : i32
      %scan3A_33 = arith.constant 1 : i32
      scf.for %scan3A_35 = %scan3A_30 to %scan3A_32 step %scan3A_33  : i32 {
        %mul3A_36 = arith.constant 16 : i32
        %mul3A_37 = arith.muli %scan3A_35, %mul3A_36 : i32
        %add3A_38 = arith.constant 0 : i32
        %add3A_39 = arith.addi %add3A_38, %mul3A_37 : i32
        %get3A = arith.index_cast %add3A_29 : i32 to index
        %get3A_40 = arith.index_cast %add3A_39 : i32 to index
        %get3A_41 = tpu.vector_load %arg4[%get3A, %get3A_40] {strides = array<i32>} : memref<80x128xi32, #tpu.memory_space<vmem>>, vector<16xi32>,
        tpu.vector_store_idx %arg5[%get3A_41], %broadcast_in_dim3A_7 {add = true} : memref<10240xf32, #tpu.memory_space<vmem>>[vector<16xi32>], vector<16xf32>,
      }
      %scan3A_34 = arith.constant 8 : i32
    }
    %scan3A_12 = arith.constant 80 : i32
    "tpu.region"() ({
      %run_scoped3A_25 = tpu.sem_alloc : memref<!tpu.dma_semaphore, #tpu.memory_space<semaphore_mem>>
      %dma_start3A = arith.constant 0 : i32
      %dma_start3A_26 = tpu.memref_slice %arg8[%arg1, %dma_start3A] : memref<16x10240xf32, #tpu.memory_space<vmem_shared>> -> memref<1x10240xf32, #tpu.memory_space<vmem_shared>>
      %dma_start3A_27 = tpu.memref_squeeze %dma_start3A_26 : memref<1x10240xf32, #tpu.memory_space<vmem_shared>> -> memref<10240xf32, #tpu.memory_space<vmem_shared>>
      %dma_start3A_28 = arith.constant 0 : i32
      %dma_start3A_29 = tpu.memref_slice %arg8[%arg1, %dma_start3A_28] : memref<16x10240xf32, #tpu.memory_space<vmem_shared>> -> memref<1x10240xf32, #tpu.memory_space<vmem_shared>>
      %dma_start3A_30 = tpu.memref_squeeze %dma_start3A_29 : memref<1x10240xf32, #tpu.memory_space<vmem_shared>> -> memref<10240xf32, #tpu.memory_space<vmem_shared>>
      tpu.enqueue_dma source(%arg5 : memref<10240xf32, #tpu.memory_space<vmem>>) target(%dma_start3A_30 : memref<10240xf32, #tpu.memory_space<vmem_shared>>) target_semaphore(%run_scoped3A_25 : memref<!tpu.dma_semaphore, #tpu.memory_space<semaphore_mem>>)
      %dma_wait3A = arith.constant 0 : i32
      %dma_wait3A_31 = tpu.memref_slice %arg8[%arg1, %dma_wait3A] : memref<16x10240xf32, #tpu.memory_space<vmem_shared>> -> memref<1x10240xf32, #tpu.memory_space<vmem_shared>>
      %dma_wait3A_32 = tpu.memref_squeeze %dma_wait3A_31 : memref<1x10240xf32, #tpu.memory_space<vmem_shared>> -> memref<10240xf32, #tpu.memory_space<vmem_shared>>
      %dma_wait3A_33 = arith.constant 0 : i32
      %dma_wait3A_34 = tpu.memref_slice %arg8[%arg1, %dma_wait3A_33] : memref<16x10240xf32, #tpu.memory_space<vmem_shared>> -> memref<1x10240xf32, #tpu.memory_space<vmem_shared>>
      %dma_wait3A_35 = tpu.memref_squeeze %dma_wait3A_34 : memref<1x10240xf32, #tpu.memory_space<vmem_shared>> -> memref<10240xf32, #tpu.memory_space<vmem_shared>>
      tpu.wait_dma2 semaphore(%run_scoped3A_25 : memref<!tpu.dma_semaphore, #tpu.memory_space<semaphore_mem>>) src(%arg5 : memref<10240xf32, #tpu.memory_space<vmem>>) dst(%dma_wait3A_35 : memref<10240xf32, #tpu.memory_space<vmem_shared>>)
      tpu.yield
    }) : () -> ()
    %barrier3A = arith.constant 0 : index
    tpu.barrier barrier_id(%barrier3A)
    %mul3A_13 = arith.constant 640 : i32
    %mul3A_14 = arith.muli %arg1, %mul3A_13 : i32
    %scan3A_15 = arith.constant 0 : i32
    %scan3A_16 = arith.constant 40 : i32
    %scan3A_17 = arith.addi %scan3A_15, %scan3A_16 : i32
    %scan3A_18 = arith.constant 1 : i32
    scf.for %scan3A_25 = %scan3A_15 to %scan3A_17 step %scan3A_18  : i32 {
      %mul3A_26 = arith.constant 16 : i32
      %mul3A_27 = arith.muli %scan3A_25, %mul3A_26 : i32
      %add3A_28 = arith.constant 0 : i32
      %add3A_29 = arith.addi %add3A_28, %mul3A_27 : i32
      %broadcast_in_dim3A_30 = arith.constant 0.000000e+00 : f32
      %broadcast_in_dim3A_31 = vector.broadcast %broadcast_in_dim3A_30 : f32 to vector<16xf32>
      %swap3A = arith.index_cast %add3A_29 : i32 to index
      %swap3A_32 = tpu.vector_load %arg7[%swap3A] {strides = array<i32>} : memref<640xf32, #tpu.memory_space<vmem>>, vector<16xf32>,
      tpu.vector_store %arg7[%swap3A], %broadcast_in_dim3A_31 {strides = array<i32>} : memref<640xf32, #tpu.memory_space<vmem>>, vector<16xf32>,
    }
    %scan3A_19 = arith.constant 40 : i32
    %scan3A_20 = arith.constant 0 : i32
    %scan3A_21 = arith.constant 16 : i32
    %scan3A_22 = arith.addi %scan3A_20, %scan3A_21 : i32
    %scan3A_23 = arith.constant 1 : i32
    scf.for %scan3A_25 = %scan3A_20 to %scan3A_22 step %scan3A_23  : i32 {
      %mul3A_26 = arith.constant 1 : i32
      %mul3A_27 = arith.muli %scan3A_25, %mul3A_26 : i32
      %add3A_28 = arith.constant 0 : i32
      %add3A_29 = arith.addi %add3A_28, %mul3A_27 : i32
      "tpu.region"() ({
        %run_scoped3A_35 = tpu.sem_alloc : memref<!tpu.dma_semaphore, #tpu.memory_space<semaphore_mem>>
        %dma_start3A = tpu.memref_slice %arg8[%add3A_29, %mul3A_14] : memref<16x10240xf32, #tpu.memory_space<vmem_shared>> -> memref<1x640xf32, #tpu.memory_space<vmem_shared>>
        %dma_start3A_36 = tpu.memref_squeeze %dma_start3A : memref<1x640xf32, #tpu.memory_space<vmem_shared>> -> memref<640xf32, #tpu.memory_space<vmem_shared>>
        %dma_start3A_37 = tpu.memref_slice %arg8[%add3A_29, %mul3A_14] : memref<16x10240xf32, #tpu.memory_space<vmem_shared>> -> memref<1x640xf32, #tpu.memory_space<vmem_shared>>
        %dma_start3A_38 = tpu.memref_squeeze %dma_start3A_37 : memref<1x640xf32, #tpu.memory_space<vmem_shared>> -> memref<640xf32, #tpu.memory_space<vmem_shared>>
        tpu.enqueue_dma source(%dma_start3A_38 : memref<640xf32, #tpu.memory_space<vmem_shared>>) target(%arg6 : memref<640xf32, #tpu.memory_space<vmem>>) target_semaphore(%run_scoped3A_35 : memref<!tpu.dma_semaphore, #tpu.memory_space<semaphore_mem>>)
        %dma_wait3A = tpu.memref_slice %arg8[%add3A_29, %mul3A_14] : memref<16x10240xf32, #tpu.memory_space<vmem_shared>> -> memref<1x640xf32, #tpu.memory_space<vmem_shared>>
        %dma_wait3A_39 = tpu.memref_squeeze %dma_wait3A : memref<1x640xf32, #tpu.memory_space<vmem_shared>> -> memref<640xf32, #tpu.memory_space<vmem_shared>>
        %dma_wait3A_40 = tpu.memref_slice %arg8[%add3A_29, %mul3A_14] : memref<16x10240xf32, #tpu.memory_space<vmem_shared>> -> memref<1x640xf32, #tpu.memory_space<vmem_shared>>
        %dma_wait3A_41 = tpu.memref_squeeze %dma_wait3A_40 : memref<1x640xf32, #tpu.memory_space<vmem_shared>> -> memref<640xf32, #tpu.memory_space<vmem_shared>>
        tpu.wait_dma2 semaphore(%run_scoped3A_35 : memref<!tpu.dma_semaphore, #tpu.memory_space<semaphore_mem>>) src(%dma_wait3A_41 : memref<640xf32, #tpu.memory_space<vmem_shared>>) dst(%arg6 : memref<640xf32, #tpu.memory_space<vmem>>)
        tpu.yield
      }) : () -> ()
      %scan3A_30 = arith.constant 0 : i32
      %scan3A_31 = arith.constant 40 : i32
      %scan3A_32 = arith.addi %scan3A_30, %scan3A_31 : i32
      %scan3A_33 = arith.constant 1 : i32
      scf.for %scan3A_35 = %scan3A_30 to %scan3A_32 step %scan3A_33  : i32 {
        %mul3A_36 = arith.constant 16 : i32
        %mul3A_37 = arith.muli %scan3A_35, %mul3A_36 : i32
        %add3A_38 = arith.constant 0 : i32
        %add3A_39 = arith.addi %add3A_38, %mul3A_37 : i32
        %get3A = arith.index_cast %add3A_39 : i32 to index
        %get3A_40 = tpu.vector_load %arg7[%get3A] {strides = array<i32>} : memref<640xf32, #tpu.memory_space<vmem>>, vector<16xf32>,
        %get3A_41 = arith.index_cast %add3A_39 : i32 to index
        %get3A_42 = tpu.vector_load %arg6[%get3A_41] {strides = array<i32>} : memref<640xf32, #tpu.memory_space<vmem>>, vector<16xf32>,
        %add3A_43 = arith.addf %get3A_40, %get3A_42 : vector<16xf32>
        %swap3A = arith.index_cast %add3A_39 : i32 to index
        %swap3A_44 = tpu.vector_load %arg7[%swap3A] {strides = array<i32>} : memref<640xf32, #tpu.memory_space<vmem>>, vector<16xf32>,
        tpu.vector_store %arg7[%swap3A], %add3A_43 {strides = array<i32>} : memref<640xf32, #tpu.memory_space<vmem>>, vector<16xf32>,
      }
      %scan3A_34 = arith.constant 40 : i32
    }
    %scan3A_24 = arith.constant 16 : i32
    "tpu.region"() ({
      %run_scoped3A_25 = tpu.sem_alloc : memref<!tpu.dma_semaphore, #tpu.memory_space<semaphore_mem>>
      %dma_start3A = tpu.memref_slice %arg3[%arg0, %mul3A_14] : memref<2x10240xf32, #tpu.memory_space<hbm>> -> memref<1x640xf32, #tpu.memory_space<hbm>>
      %dma_start3A_26 = tpu.memref_squeeze %dma_start3A : memref<1x640xf32, #tpu.memory_space<hbm>> -> memref<640xf32, #tpu.memory_space<hbm>>
      %dma_start3A_27 = tpu.memref_slice %arg3[%arg0, %mul3A_14] : memref<2x10240xf32, #tpu.memory_space<hbm>> -> memref<1x640xf32, #tpu.memory_space<hbm>>
      %dma_start3A_28 = tpu.memref_squeeze %dma_start3A_27 : memref<1x640xf32, #tpu.memory_space<hbm>> -> memref<640xf32, #tpu.memory_space<hbm>>
      tpu.enqueue_dma source(%arg7 : memref<640xf32, #tpu.memory_space<vmem>>) target(%dma_start3A_28 : memref<640xf32, #tpu.memory_space<hbm>>) target_semaphore(%run_scoped3A_25 : memref<!tpu.dma_semaphore, #tpu.memory_space<semaphore_mem>>)
      %dma_wait3A = tpu.memref_slice %arg3[%arg0, %mul3A_14] : memref<2x10240xf32, #tpu.memory_space<hbm>> -> memref<1x640xf32, #tpu.memory_space<hbm>>
      %dma_wait3A_29 = tpu.memref_squeeze %dma_wait3A : memref<1x640xf32, #tpu.memory_space<hbm>> -> memref<640xf32, #tpu.memory_space<hbm>>
      %dma_wait3A_30 = tpu.memref_slice %arg3[%arg0, %mul3A_14] : memref<2x10240xf32, #tpu.memory_space<hbm>> -> memref<1x640xf32, #tpu.memory_space<hbm>>
      %dma_wait3A_31 = tpu.memref_squeeze %dma_wait3A_30 : memref<1x640xf32, #tpu.memory_space<hbm>> -> memref<640xf32, #tpu.memory_space<hbm>>
      tpu.wait_dma2 semaphore(%run_scoped3A_25 : memref<!tpu.dma_semaphore, #tpu.memory_space<semaphore_mem>>) src(%arg7 : memref<640xf32, #tpu.memory_space<vmem>>) dst(%dma_wait3A_31 : memref<640xf32, #tpu.memory_space<hbm>>)
      tpu.yield
    }) : () -> ()
    return
  }
}

#map = affine_map<(d0, d1) -> (0, 0)>
#map1 = affine_map<(d0, d1) -> (0, 0, 0)>
module attributes {stable_mosaic.version = 14 : i64} {
  func.func @k(%arg0: i32, %arg1: i32, %arg2: memref<10000x128xf32, #tpu.memory_space<hbm>>, %arg3: memref<2x2560x128xi32, #tpu.memory_space<hbm>>, %arg4: memref<2x10240x128xf32, #tpu.memory_space<hbm>>, %arg5: memref<40x128xi32, #tpu.memory_space<vmem>>, %arg6: memref<40x128xi32, #tpu.memory_space<vmem>>, %arg7: memref<128x128xf32, #tpu.memory_space<vmem>>, %arg8: memref<128x128xf32, #tpu.memory_space<vmem>>, %arg9: memref<!tpu.dma_semaphore, #tpu.memory_space<semaphore_mem>>, %arg10: memref<!tpu.dma_semaphore, #tpu.memory_space<semaphore_mem>>, %arg11: memref<10240x128xf32, #tpu.memory_space<vmem_shared>>) attributes {dimension_semantics = [#tpu.dimension_semantics<core_parallel>, #tpu.dimension_semantics<subcore_parallel>], iteration_bounds = array<i64: 2, 16>, scalar_prefetch = 0 : i64, scratch_operands = 7 : i64, tpu.core_type = #tpu.core_type<sc_vector_subcore>, window_params = [{transform_indices = #map}, {transform_indices = #map1}, {transform_indices = #map1}]} {
    %mul3A = arith.constant 2 : i32
    %mul3A_0 = arith.muli %arg1, %mul3A : i32
    %add3A = arith.addi %mul3A_0, %arg0 : i32
    %scan3A = arith.constant 0 : i32
    %scan3A_1 = arith.constant 128 : i32
    %scan3A_2 = arith.addi %scan3A, %scan3A_1 : i32
    %scan3A_3 = arith.constant 1 : i32
    scf.for %scan3A_92 = %scan3A to %scan3A_2 step %scan3A_3  : i32 {
      %mul3A_93 = arith.constant 1 : i32
      %mul3A_94 = arith.muli %scan3A_92, %mul3A_93 : i32
      %add3A_95 = arith.constant 0 : i32
      %add3A_96 = arith.addi %add3A_95, %mul3A_94 : i32
      %scan3A_97 = arith.constant 0 : i32
      %scan3A_98 = arith.constant 8 : i32
      %scan3A_99 = arith.addi %scan3A_97, %scan3A_98 : i32
      %scan3A_100 = arith.constant 1 : i32
      scf.for %scan3A_102 = %scan3A_97 to %scan3A_99 step %scan3A_100  : i32 {
        %mul3A_103 = arith.constant 16 : i32
        %mul3A_104 = arith.muli %scan3A_102, %mul3A_103 : i32
        %add3A_105 = arith.constant 0 : i32
        %add3A_106 = arith.addi %add3A_105, %mul3A_104 : i32
        %broadcast_in_dim3A = arith.constant 0.000000e+00 : f32
        %broadcast_in_dim3A_107 = vector.broadcast %broadcast_in_dim3A : f32 to vector<16xf32>
        %swap3A = arith.index_cast %add3A_96 : i32 to index
        %swap3A_108 = arith.index_cast %add3A_106 : i32 to index
        %swap3A_109 = tpu.vector_load %arg7[%swap3A, %swap3A_108] {strides = array<i32>} : memref<128x128xf32, #tpu.memory_space<vmem>>, vector<16xf32>,
        tpu.vector_store %arg7[%swap3A, %swap3A_108], %broadcast_in_dim3A_107 {strides = array<i32>} : memref<128x128xf32, #tpu.memory_space<vmem>>, vector<16xf32>,
      }
      %scan3A_101 = arith.constant 8 : i32
    }
    %scan3A_4 = arith.constant 128 : i32
    %mul3A_5 = arith.constant 640 : i32
    %mul3A_6 = arith.muli %arg1, %mul3A_5 : i32
    %scan3A_7 = arith.constant 0 : i32
    %scan3A_8 = arith.constant 5 : i32
    %scan3A_9 = arith.addi %scan3A_7, %scan3A_8 : i32
    %scan3A_10 = arith.constant 1 : i32
    scf.for %scan3A_92 = %scan3A_7 to %scan3A_9 step %scan3A_10  : i32 {
      %mul3A_93 = arith.constant 1 : i32
      %mul3A_94 = arith.muli %scan3A_92, %mul3A_93 : i32
      %add3A_95 = arith.constant 0 : i32
      %add3A_96 = arith.addi %add3A_95, %mul3A_94 : i32
      %mul3A_97 = arith.constant 128 : i32
      %mul3A_98 = arith.muli %add3A_96, %mul3A_97 : i32
      %add3A_99 = arith.addi %mul3A_6, %mul3A_98 : i32
      "tpu.region"() ({
        %run_scoped3A_100 = tpu.sem_alloc : memref<!tpu.dma_semaphore, #tpu.memory_space<semaphore_mem>>
        %dma_start3A_101 = arith.constant 0 : i32
        %dma_start3A_102 = tpu.memref_slice %arg11[%add3A_99, %dma_start3A_101] : memref<10240x128xf32, #tpu.memory_space<vmem_shared>> -> memref<128x128xf32, #tpu.memory_space<vmem_shared>>
        %dma_start3A_103 = arith.constant 0 : i32
        %dma_start3A_104 = tpu.memref_slice %arg11[%add3A_99, %dma_start3A_103] : memref<10240x128xf32, #tpu.memory_space<vmem_shared>> -> memref<128x128xf32, #tpu.memory_space<vmem_shared>>
        tpu.enqueue_dma source(%arg7 : memref<128x128xf32, #tpu.memory_space<vmem>>) target(%dma_start3A_104 : memref<128x128xf32, #tpu.memory_space<vmem_shared>>) target_semaphore(%run_scoped3A_100 : memref<!tpu.dma_semaphore, #tpu.memory_space<semaphore_mem>>)
        %dma_wait3A_105 = arith.constant 0 : i32
        %dma_wait3A_106 = tpu.memref_slice %arg11[%add3A_99, %dma_wait3A_105] : memref<10240x128xf32, #tpu.memory_space<vmem_shared>> -> memref<128x128xf32, #tpu.memory_space<vmem_shared>>
        %dma_wait3A_107 = arith.constant 0 : i32
        %dma_wait3A_108 = tpu.memref_slice %arg11[%add3A_99, %dma_wait3A_107] : memref<10240x128xf32, #tpu.memory_space<vmem_shared>> -> memref<128x128xf32, #tpu.memory_space<vmem_shared>>
        tpu.wait_dma2 semaphore(%run_scoped3A_100 : memref<!tpu.dma_semaphore, #tpu.memory_space<semaphore_mem>>) src(%arg7 : memref<128x128xf32, #tpu.memory_space<vmem>>) dst(%dma_wait3A_108 : memref<128x128xf32, #tpu.memory_space<vmem_shared>>)
        tpu.yield
      }) : () -> ()
    }
    %scan3A_11 = arith.constant 5 : i32
    %barrier3A = arith.constant 0 : index
    tpu.barrier barrier_id(%barrier3A)
    %mul3A_12 = arith.constant 80 : i32
    %mul3A_13 = arith.muli %add3A, %mul3A_12 : i32
    %add3A_14 = arith.constant 0 : i32
    %add3A_15 = arith.addi %mul3A_13, %add3A_14 : i32
    %run_scoped3A = arith.constant 0 : i32
    "tpu.region"() ({
      %run_scoped3A_92 = tpu.sem_alloc : memref<!tpu.dma_semaphore, #tpu.memory_space<semaphore_mem>>
      %dma_start3A_93 = arith.constant 0 : i32
      %dma_start3A_94 = tpu.memref_slice %arg3[%run_scoped3A, %add3A_15, %dma_start3A_93] : memref<2x2560x128xi32, #tpu.memory_space<hbm>> -> memref<1x40x128xi32, #tpu.memory_space<hbm>>
      %dma_start3A_95 = tpu.memref_squeeze %dma_start3A_94 : memref<1x40x128xi32, #tpu.memory_space<hbm>> -> memref<40x128xi32, #tpu.memory_space<hbm>>
      %dma_start3A_96 = arith.constant 0 : i32
      %dma_start3A_97 = tpu.memref_slice %arg3[%run_scoped3A, %add3A_15, %dma_start3A_96] : memref<2x2560x128xi32, #tpu.memory_space<hbm>> -> memref<1x40x128xi32, #tpu.memory_space<hbm>>
      %dma_start3A_98 = tpu.memref_squeeze %dma_start3A_97 : memref<1x40x128xi32, #tpu.memory_space<hbm>> -> memref<40x128xi32, #tpu.memory_space<hbm>>
      tpu.enqueue_dma source(%dma_start3A_98 : memref<40x128xi32, #tpu.memory_space<hbm>>) target(%arg5 : memref<40x128xi32, #tpu.memory_space<vmem>>) target_semaphore(%run_scoped3A_92 : memref<!tpu.dma_semaphore, #tpu.memory_space<semaphore_mem>>)
      %dma_wait3A_99 = arith.constant 0 : i32
      %dma_wait3A_100 = tpu.memref_slice %arg3[%run_scoped3A, %add3A_15, %dma_wait3A_99] : memref<2x2560x128xi32, #tpu.memory_space<hbm>> -> memref<1x40x128xi32, #tpu.memory_space<hbm>>
      %dma_wait3A_101 = tpu.memref_squeeze %dma_wait3A_100 : memref<1x40x128xi32, #tpu.memory_space<hbm>> -> memref<40x128xi32, #tpu.memory_space<hbm>>
      %dma_wait3A_102 = arith.constant 0 : i32
      %dma_wait3A_103 = tpu.memref_slice %arg3[%run_scoped3A, %add3A_15, %dma_wait3A_102] : memref<2x2560x128xi32, #tpu.memory_space<hbm>> -> memref<1x40x128xi32, #tpu.memory_space<hbm>>
      %dma_wait3A_104 = tpu.memref_squeeze %dma_wait3A_103 : memref<1x40x128xi32, #tpu.memory_space<hbm>> -> memref<40x128xi32, #tpu.memory_space<hbm>>
      tpu.wait_dma2 semaphore(%run_scoped3A_92 : memref<!tpu.dma_semaphore, #tpu.memory_space<semaphore_mem>>) src(%dma_wait3A_104 : memref<40x128xi32, #tpu.memory_space<hbm>>) dst(%arg5 : memref<40x128xi32, #tpu.memory_space<vmem>>)
      tpu.yield
    }) : () -> ()
    %run_scoped3A_16 = arith.constant 1 : i32
    "tpu.region"() ({
      %run_scoped3A_92 = tpu.sem_alloc : memref<!tpu.dma_semaphore, #tpu.memory_space<semaphore_mem>>
      %dma_start3A_93 = arith.constant 0 : i32
      %dma_start3A_94 = tpu.memref_slice %arg3[%run_scoped3A_16, %add3A_15, %dma_start3A_93] : memref<2x2560x128xi32, #tpu.memory_space<hbm>> -> memref<1x40x128xi32, #tpu.memory_space<hbm>>
      %dma_start3A_95 = tpu.memref_squeeze %dma_start3A_94 : memref<1x40x128xi32, #tpu.memory_space<hbm>> -> memref<40x128xi32, #tpu.memory_space<hbm>>
      %dma_start3A_96 = arith.constant 0 : i32
      %dma_start3A_97 = tpu.memref_slice %arg3[%run_scoped3A_16, %add3A_15, %dma_start3A_96] : memref<2x2560x128xi32, #tpu.memory_space<hbm>> -> memref<1x40x128xi32, #tpu.memory_space<hbm>>
      %dma_start3A_98 = tpu.memref_squeeze %dma_start3A_97 : memref<1x40x128xi32, #tpu.memory_space<hbm>> -> memref<40x128xi32, #tpu.memory_space<hbm>>
      tpu.enqueue_dma source(%dma_start3A_98 : memref<40x128xi32, #tpu.memory_space<hbm>>) target(%arg6 : memref<40x128xi32, #tpu.memory_space<vmem>>) target_semaphore(%run_scoped3A_92 : memref<!tpu.dma_semaphore, #tpu.memory_space<semaphore_mem>>)
      %dma_wait3A_99 = arith.constant 0 : i32
      %dma_wait3A_100 = tpu.memref_slice %arg3[%run_scoped3A_16, %add3A_15, %dma_wait3A_99] : memref<2x2560x128xi32, #tpu.memory_space<hbm>> -> memref<1x40x128xi32, #tpu.memory_space<hbm>>
      %dma_wait3A_101 = tpu.memref_squeeze %dma_wait3A_100 : memref<1x40x128xi32, #tpu.memory_space<hbm>> -> memref<40x128xi32, #tpu.memory_space<hbm>>
      %dma_wait3A_102 = arith.constant 0 : i32
      %dma_wait3A_103 = tpu.memref_slice %arg3[%run_scoped3A_16, %add3A_15, %dma_wait3A_102] : memref<2x2560x128xi32, #tpu.memory_space<hbm>> -> memref<1x40x128xi32, #tpu.memory_space<hbm>>
      %dma_wait3A_104 = tpu.memref_squeeze %dma_wait3A_103 : memref<1x40x128xi32, #tpu.memory_space<hbm>> -> memref<40x128xi32, #tpu.memory_space<hbm>>
      tpu.wait_dma2 semaphore(%run_scoped3A_92 : memref<!tpu.dma_semaphore, #tpu.memory_space<semaphore_mem>>) src(%dma_wait3A_104 : memref<40x128xi32, #tpu.memory_space<hbm>>) dst(%arg6 : memref<40x128xi32, #tpu.memory_space<vmem>>)
      tpu.yield
    }) : () -> ()
    %dma_start3A = arith.constant 0 : i32
    %dma_start3A_17 = arith.constant 0 : i32
    %dma_start3A_18 = tpu.memref_slice %arg5[%dma_start3A, %dma_start3A_17] : memref<40x128xi32, #tpu.memory_space<vmem>> -> memref<1x128xi32, #tpu.memory_space<vmem>>
    %dma_start3A_19 = tpu.memref_squeeze %dma_start3A_18 : memref<1x128xi32, #tpu.memory_space<vmem>> -> memref<128xi32, #tpu.memory_space<vmem>>
    %dma_start3A_20 = arith.constant 0 : i32
    %dma_start3A_21 = arith.constant 0 : i32
    %dma_start3A_22 = tpu.memref_slice %arg2[%dma_start3A_20, %dma_start3A_21] : memref<10000x128xf32, #tpu.memory_space<hbm>> -> memref<10000x128xf32, #tpu.memory_space<hbm>>
    tpu.enqueue_indirect_dma source(%dma_start3A_22 : memref<10000x128xf32, #tpu.memory_space<hbm>>) target(%arg7 : memref<128x128xf32, #tpu.memory_space<vmem>>) offsets(%dma_start3A_19 : memref<128xi32, #tpu.memory_space<vmem>>) semaphore(%arg9 : memref<!tpu.dma_semaphore, #tpu.memory_space<semaphore_mem>>)
    %dma_start3A_23 = arith.constant 1 : i32
    %dma_start3A_24 = arith.constant 0 : i32
    %dma_start3A_25 = tpu.memref_slice %arg5[%dma_start3A_23, %dma_start3A_24] : memref<40x128xi32, #tpu.memory_space<vmem>> -> memref<1x128xi32, #tpu.memory_space<vmem>>
    %dma_start3A_26 = tpu.memref_squeeze %dma_start3A_25 : memref<1x128xi32, #tpu.memory_space<vmem>> -> memref<128xi32, #tpu.memory_space<vmem>>
    %dma_start3A_27 = arith.constant 0 : i32
    %dma_start3A_28 = arith.constant 0 : i32
    %dma_start3A_29 = tpu.memref_slice %arg2[%dma_start3A_27, %dma_start3A_28] : memref<10000x128xf32, #tpu.memory_space<hbm>> -> memref<10000x128xf32, #tpu.memory_space<hbm>>
    tpu.enqueue_indirect_dma source(%dma_start3A_29 : memref<10000x128xf32, #tpu.memory_space<hbm>>) target(%arg8 : memref<128x128xf32, #tpu.memory_space<vmem>>) offsets(%dma_start3A_26 : memref<128xi32, #tpu.memory_space<vmem>>) semaphore(%arg10 : memref<!tpu.dma_semaphore, #tpu.memory_space<semaphore_mem>>)
    %scan3A_30 = arith.constant 0 : i32
    %scan3A_31 = arith.constant 19 : i32
    %scan3A_32 = arith.addi %scan3A_30, %scan3A_31 : i32
    %scan3A_33 = arith.constant 1 : i32
    scf.for %scan3A_92 = %scan3A_30 to %scan3A_32 step %scan3A_33  : i32 {
      %mul3A_93 = arith.constant 2 : i32
      %mul3A_94 = arith.muli %scan3A_92, %mul3A_93 : i32
      %add3A_95 = arith.constant 0 : i32
      %add3A_96 = arith.addi %add3A_95, %mul3A_94 : i32
      %dma_wait3A_97 = arith.constant 0 : i32
      %dma_wait3A_98 = tpu.memref_slice %arg5[%add3A_96, %dma_wait3A_97] : memref<40x128xi32, #tpu.memory_space<vmem>> -> memref<1x128xi32, #tpu.memory_space<vmem>>
      %dma_wait3A_99 = tpu.memref_squeeze %dma_wait3A_98 : memref<1x128xi32, #tpu.memory_space<vmem>> -> memref<128xi32, #tpu.memory_space<vmem>>
      %dma_wait3A_100 = arith.constant 0 : i32
      %dma_wait3A_101 = arith.constant 0 : i32
      %dma_wait3A_102 = tpu.memref_slice %arg2[%dma_wait3A_100, %dma_wait3A_101] : memref<10000x128xf32, #tpu.memory_space<hbm>> -> memref<10000x128xf32, #tpu.memory_space<hbm>>
      tpu.wait_indirect_dma semaphore(%arg9 : memref<!tpu.dma_semaphore, #tpu.memory_space<semaphore_mem>>) src(%dma_wait3A_102 : memref<10000x128xf32, #tpu.memory_space<hbm>>) dst(%arg7 : memref<128x128xf32, #tpu.memory_space<vmem>>)
      "tpu.region"() ({
        %run_scoped3A_129 = tpu.sem_alloc : memref<!tpu.dma_semaphore, #tpu.memory_space<semaphore_mem>>
        %dma_start3A_130 = arith.constant 0 : i32
        %dma_start3A_131 = tpu.memref_slice %arg6[%add3A_96, %dma_start3A_130] : memref<40x128xi32, #tpu.memory_space<vmem>> -> memref<1x128xi32, #tpu.memory_space<vmem>>
        %dma_start3A_132 = tpu.memref_squeeze %dma_start3A_131 : memref<1x128xi32, #tpu.memory_space<vmem>> -> memref<128xi32, #tpu.memory_space<vmem>>
        %dma_start3A_133 = arith.constant 0 : i32
        %dma_start3A_134 = arith.constant 0 : i32
        %dma_start3A_135 = tpu.memref_slice %arg11[%dma_start3A_133, %dma_start3A_134] : memref<10240x128xf32, #tpu.memory_space<vmem_shared>> -> memref<10240x128xf32, #tpu.memory_space<vmem_shared>>
        tpu.enqueue_indirect_dma source(%arg7 : memref<128x128xf32, #tpu.memory_space<vmem>>) target(%dma_start3A_135 : memref<10240x128xf32, #tpu.memory_space<vmem_shared>>) offsets(%dma_start3A_132 : memref<128xi32, #tpu.memory_space<vmem>>) semaphore(%run_scoped3A_129 : memref<!tpu.dma_semaphore, #tpu.memory_space<semaphore_mem>>) {add = true}
        %dma_wait3A_136 = arith.constant 0 : i32
        %dma_wait3A_137 = tpu.memref_slice %arg6[%add3A_96, %dma_wait3A_136] : memref<40x128xi32, #tpu.memory_space<vmem>> -> memref<1x128xi32, #tpu.memory_space<vmem>>
        %dma_wait3A_138 = tpu.memref_squeeze %dma_wait3A_137 : memref<1x128xi32, #tpu.memory_space<vmem>> -> memref<128xi32, #tpu.memory_space<vmem>>
        %dma_wait3A_139 = arith.constant 0 : i32
        %dma_wait3A_140 = arith.constant 0 : i32
        %dma_wait3A_141 = tpu.memref_slice %arg11[%dma_wait3A_139, %dma_wait3A_140] : memref<10240x128xf32, #tpu.memory_space<vmem_shared>> -> memref<10240x128xf32, #tpu.memory_space<vmem_shared>>
        tpu.wait_indirect_dma semaphore(%run_scoped3A_129 : memref<!tpu.dma_semaphore, #tpu.memory_space<semaphore_mem>>) src(%arg7 : memref<128x128xf32, #tpu.memory_space<vmem>>) dst(%dma_wait3A_141 : memref<10240x128xf32, #tpu.memory_space<vmem_shared>>)
        tpu.yield
      }) : () -> ()
      %add3A_103 = arith.constant 2 : i32
      %add3A_104 = arith.addi %add3A_96, %add3A_103 : i32
      %dma_start3A_105 = arith.constant 0 : i32
      %dma_start3A_106 = tpu.memref_slice %arg5[%add3A_104, %dma_start3A_105] : memref<40x128xi32, #tpu.memory_space<vmem>> -> memref<1x128xi32, #tpu.memory_space<vmem>>
      %dma_start3A_107 = tpu.memref_squeeze %dma_start3A_106 : memref<1x128xi32, #tpu.memory_space<vmem>> -> memref<128xi32, #tpu.memory_space<vmem>>
      %dma_start3A_108 = arith.constant 0 : i32
      %dma_start3A_109 = arith.constant 0 : i32
      %dma_start3A_110 = tpu.memref_slice %arg2[%dma_start3A_108, %dma_start3A_109] : memref<10000x128xf32, #tpu.memory_space<hbm>> -> memref<10000x128xf32, #tpu.memory_space<hbm>>
      tpu.enqueue_indirect_dma source(%dma_start3A_110 : memref<10000x128xf32, #tpu.memory_space<hbm>>) target(%arg7 : memref<128x128xf32, #tpu.memory_space<vmem>>) offsets(%dma_start3A_107 : memref<128xi32, #tpu.memory_space<vmem>>) semaphore(%arg9 : memref<!tpu.dma_semaphore, #tpu.memory_space<semaphore_mem>>)
      %add3A_111 = arith.constant 1 : i32
      %add3A_112 = arith.addi %add3A_96, %add3A_111 : i32
      %dma_wait3A_113 = arith.constant 0 : i32
      %dma_wait3A_114 = tpu.memref_slice %arg5[%add3A_112, %dma_wait3A_113] : memref<40x128xi32, #tpu.memory_space<vmem>> -> memref<1x128xi32, #tpu.memory_space<vmem>>
      %dma_wait3A_115 = tpu.memref_squeeze %dma_wait3A_114 : memref<1x128xi32, #tpu.memory_space<vmem>> -> memref<128xi32, #tpu.memory_space<vmem>>
      %dma_wait3A_116 = arith.constant 0 : i32
      %dma_wait3A_117 = arith.constant 0 : i32
      %dma_wait3A_118 = tpu.memref_slice %arg2[%dma_wait3A_116, %dma_wait3A_117] : memref<10000x128xf32, #tpu.memory_space<hbm>> -> memref<10000x128xf32, #tpu.memory_space<hbm>>
      tpu.wait_indirect_dma semaphore(%arg10 : memref<!tpu.dma_semaphore, #tpu.memory_space<semaphore_mem>>) src(%dma_wait3A_118 : memref<10000x128xf32, #tpu.memory_space<hbm>>) dst(%arg8 : memref<128x128xf32, #tpu.memory_space<vmem>>)
      %add3A_119 = arith.constant 1 : i32
      %add3A_120 = arith.addi %add3A_96, %add3A_119 : i32
      "tpu.region"() ({
        %run_scoped3A_129 = tpu.sem_alloc : memref<!tpu.dma_semaphore, #tpu.memory_space<semaphore_mem>>
        %dma_start3A_130 = arith.constant 0 : i32
        %dma_start3A_131 = tpu.memref_slice %arg6[%add3A_120, %dma_start3A_130] : memref<40x128xi32, #tpu.memory_space<vmem>> -> memref<1x128xi32, #tpu.memory_space<vmem>>
        %dma_start3A_132 = tpu.memref_squeeze %dma_start3A_131 : memref<1x128xi32, #tpu.memory_space<vmem>> -> memref<128xi32, #tpu.memory_space<vmem>>
        %dma_start3A_133 = arith.constant 0 : i32
        %dma_start3A_134 = arith.constant 0 : i32
        %dma_start3A_135 = tpu.memref_slice %arg11[%dma_start3A_133, %dma_start3A_134] : memref<10240x128xf32, #tpu.memory_space<vmem_shared>> -> memref<10240x128xf32, #tpu.memory_space<vmem_shared>>
        tpu.enqueue_indirect_dma source(%arg8 : memref<128x128xf32, #tpu.memory_space<vmem>>) target(%dma_start3A_135 : memref<10240x128xf32, #tpu.memory_space<vmem_shared>>) offsets(%dma_start3A_132 : memref<128xi32, #tpu.memory_space<vmem>>) semaphore(%run_scoped3A_129 : memref<!tpu.dma_semaphore, #tpu.memory_space<semaphore_mem>>) {add = true}
        %dma_wait3A_136 = arith.constant 0 : i32
        %dma_wait3A_137 = tpu.memref_slice %arg6[%add3A_120, %dma_wait3A_136] : memref<40x128xi32, #tpu.memory_space<vmem>> -> memref<1x128xi32, #tpu.memory_space<vmem>>
        %dma_wait3A_138 = tpu.memref_squeeze %dma_wait3A_137 : memref<1x128xi32, #tpu.memory_space<vmem>> -> memref<128xi32, #tpu.memory_space<vmem>>
        %dma_wait3A_139 = arith.constant 0 : i32
        %dma_wait3A_140 = arith.constant 0 : i32
        %dma_wait3A_141 = tpu.memref_slice %arg11[%dma_wait3A_139, %dma_wait3A_140] : memref<10240x128xf32, #tpu.memory_space<vmem_shared>> -> memref<10240x128xf32, #tpu.memory_space<vmem_shared>>
        tpu.wait_indirect_dma semaphore(%run_scoped3A_129 : memref<!tpu.dma_semaphore, #tpu.memory_space<semaphore_mem>>) src(%arg8 : memref<128x128xf32, #tpu.memory_space<vmem>>) dst(%dma_wait3A_141 : memref<10240x128xf32, #tpu.memory_space<vmem_shared>>)
        tpu.yield
      }) : () -> ()
      %add3A_121 = arith.constant 3 : i32
      %add3A_122 = arith.addi %add3A_96, %add3A_121 : i32
      %dma_start3A_123 = arith.constant 0 : i32
      %dma_start3A_124 = tpu.memref_slice %arg5[%add3A_122, %dma_start3A_123] : memref<40x128xi32, #tpu.memory_space<vmem>> -> memref<1x128xi32, #tpu.memory_space<vmem>>
      %dma_start3A_125 = tpu.memref_squeeze %dma_start3A_124 : memref<1x128xi32, #tpu.memory_space<vmem>> -> memref<128xi32, #tpu.memory_space<vmem>>
      %dma_start3A_126 = arith.constant 0 : i32
      %dma_start3A_127 = arith.constant 0 : i32
      %dma_start3A_128 = tpu.memref_slice %arg2[%dma_start3A_126, %dma_start3A_127] : memref<10000x128xf32, #tpu.memory_space<hbm>> -> memref<10000x128xf32, #tpu.memory_space<hbm>>
      tpu.enqueue_indirect_dma source(%dma_start3A_128 : memref<10000x128xf32, #tpu.memory_space<hbm>>) target(%arg8 : memref<128x128xf32, #tpu.memory_space<vmem>>) offsets(%dma_start3A_125 : memref<128xi32, #tpu.memory_space<vmem>>) semaphore(%arg10 : memref<!tpu.dma_semaphore, #tpu.memory_space<semaphore_mem>>)
    }
    %scan3A_34 = arith.constant 19 : i32
    %dma_wait3A = arith.constant 38 : i32
    %dma_wait3A_35 = arith.constant 0 : i32
    %dma_wait3A_36 = tpu.memref_slice %arg5[%dma_wait3A, %dma_wait3A_35] : memref<40x128xi32, #tpu.memory_space<vmem>> -> memref<1x128xi32, #tpu.memory_space<vmem>>
    %dma_wait3A_37 = tpu.memref_squeeze %dma_wait3A_36 : memref<1x128xi32, #tpu.memory_space<vmem>> -> memref<128xi32, #tpu.memory_space<vmem>>
    %dma_wait3A_38 = arith.constant 0 : i32
    %dma_wait3A_39 = arith.constant 0 : i32
    %dma_wait3A_40 = tpu.memref_slice %arg2[%dma_wait3A_38, %dma_wait3A_39] : memref<10000x128xf32, #tpu.memory_space<hbm>> -> memref<10000x128xf32, #tpu.memory_space<hbm>>
    tpu.wait_indirect_dma semaphore(%arg9 : memref<!tpu.dma_semaphore, #tpu.memory_space<semaphore_mem>>) src(%dma_wait3A_40 : memref<10000x128xf32, #tpu.memory_space<hbm>>) dst(%arg7 : memref<128x128xf32, #tpu.memory_space<vmem>>)
    %run_scoped3A_41 = arith.constant 38 : i32
    "tpu.region"() ({
      %run_scoped3A_92 = tpu.sem_alloc : memref<!tpu.dma_semaphore, #tpu.memory_space<semaphore_mem>>
      %dma_start3A_93 = arith.constant 0 : i32
      %dma_start3A_94 = tpu.memref_slice %arg6[%run_scoped3A_41, %dma_start3A_93] : memref<40x128xi32, #tpu.memory_space<vmem>> -> memref<1x128xi32, #tpu.memory_space<vmem>>
      %dma_start3A_95 = tpu.memref_squeeze %dma_start3A_94 : memref<1x128xi32, #tpu.memory_space<vmem>> -> memref<128xi32, #tpu.memory_space<vmem>>
      %dma_start3A_96 = arith.constant 0 : i32
      %dma_start3A_97 = arith.constant 0 : i32
      %dma_start3A_98 = tpu.memref_slice %arg11[%dma_start3A_96, %dma_start3A_97] : memref<10240x128xf32, #tpu.memory_space<vmem_shared>> -> memref<10240x128xf32, #tpu.memory_space<vmem_shared>>
      tpu.enqueue_indirect_dma source(%arg7 : memref<128x128xf32, #tpu.memory_space<vmem>>) target(%dma_start3A_98 : memref<10240x128xf32, #tpu.memory_space<vmem_shared>>) offsets(%dma_start3A_95 : memref<128xi32, #tpu.memory_space<vmem>>) semaphore(%run_scoped3A_92 : memref<!tpu.dma_semaphore, #tpu.memory_space<semaphore_mem>>) {add = true}
      %dma_wait3A_99 = arith.constant 0 : i32
      %dma_wait3A_100 = tpu.memref_slice %arg6[%run_scoped3A_41, %dma_wait3A_99] : memref<40x128xi32, #tpu.memory_space<vmem>> -> memref<1x128xi32, #tpu.memory_space<vmem>>
      %dma_wait3A_101 = tpu.memref_squeeze %dma_wait3A_100 : memref<1x128xi32, #tpu.memory_space<vmem>> -> memref<128xi32, #tpu.memory_space<vmem>>
      %dma_wait3A_102 = arith.constant 0 : i32
      %dma_wait3A_103 = arith.constant 0 : i32
      %dma_wait3A_104 = tpu.memref_slice %arg11[%dma_wait3A_102, %dma_wait3A_103] : memref<10240x128xf32, #tpu.memory_space<vmem_shared>> -> memref<10240x128xf32, #tpu.memory_space<vmem_shared>>
      tpu.wait_indirect_dma semaphore(%run_scoped3A_92 : memref<!tpu.dma_semaphore, #tpu.memory_space<semaphore_mem>>) src(%arg7 : memref<128x128xf32, #tpu.memory_space<vmem>>) dst(%dma_wait3A_104 : memref<10240x128xf32, #tpu.memory_space<vmem_shared>>)
      tpu.yield
    }) : () -> ()
    %dma_wait3A_42 = arith.constant 39 : i32
    %dma_wait3A_43 = arith.constant 0 : i32
    %dma_wait3A_44 = tpu.memref_slice %arg5[%dma_wait3A_42, %dma_wait3A_43] : memref<40x128xi32, #tpu.memory_space<vmem>> -> memref<1x128xi32, #tpu.memory_space<vmem>>
    %dma_wait3A_45 = tpu.memref_squeeze %dma_wait3A_44 : memref<1x128xi32, #tpu.memory_space<vmem>> -> memref<128xi32, #tpu.memory_space<vmem>>
    %dma_wait3A_46 = arith.constant 0 : i32
    %dma_wait3A_47 = arith.constant 0 : i32
    %dma_wait3A_48 = tpu.memref_slice %arg2[%dma_wait3A_46, %dma_wait3A_47] : memref<10000x128xf32, #tpu.memory_space<hbm>> -> memref<10000x128xf32, #tpu.memory_space<hbm>>
    tpu.wait_indirect_dma semaphore(%arg10 : memref<!tpu.dma_semaphore, #tpu.memory_space<semaphore_mem>>) src(%dma_wait3A_48 : memref<10000x128xf32, #tpu.memory_space<hbm>>) dst(%arg8 : memref<128x128xf32, #tpu.memory_space<vmem>>)
    %run_scoped3A_49 = arith.constant 39 : i32
    "tpu.region"() ({
      %run_scoped3A_92 = tpu.sem_alloc : memref<!tpu.dma_semaphore, #tpu.memory_space<semaphore_mem>>
      %dma_start3A_93 = arith.constant 0 : i32
      %dma_start3A_94 = tpu.memref_slice %arg6[%run_scoped3A_49, %dma_start3A_93] : memref<40x128xi32, #tpu.memory_space<vmem>> -> memref<1x128xi32, #tpu.memory_space<vmem>>
      %dma_start3A_95 = tpu.memref_squeeze %dma_start3A_94 : memref<1x128xi32, #tpu.memory_space<vmem>> -> memref<128xi32, #tpu.memory_space<vmem>>
      %dma_start3A_96 = arith.constant 0 : i32
      %dma_start3A_97 = arith.constant 0 : i32
      %dma_start3A_98 = tpu.memref_slice %arg11[%dma_start3A_96, %dma_start3A_97] : memref<10240x128xf32, #tpu.memory_space<vmem_shared>> -> memref<10240x128xf32, #tpu.memory_space<vmem_shared>>
      tpu.enqueue_indirect_dma source(%arg8 : memref<128x128xf32, #tpu.memory_space<vmem>>) target(%dma_start3A_98 : memref<10240x128xf32, #tpu.memory_space<vmem_shared>>) offsets(%dma_start3A_95 : memref<128xi32, #tpu.memory_space<vmem>>) semaphore(%run_scoped3A_92 : memref<!tpu.dma_semaphore, #tpu.memory_space<semaphore_mem>>) {add = true}
      %dma_wait3A_99 = arith.constant 0 : i32
      %dma_wait3A_100 = tpu.memref_slice %arg6[%run_scoped3A_49, %dma_wait3A_99] : memref<40x128xi32, #tpu.memory_space<vmem>> -> memref<1x128xi32, #tpu.memory_space<vmem>>
      %dma_wait3A_101 = tpu.memref_squeeze %dma_wait3A_100 : memref<1x128xi32, #tpu.memory_space<vmem>> -> memref<128xi32, #tpu.memory_space<vmem>>
      %dma_wait3A_102 = arith.constant 0 : i32
      %dma_wait3A_103 = arith.constant 0 : i32
      %dma_wait3A_104 = tpu.memref_slice %arg11[%dma_wait3A_102, %dma_wait3A_103] : memref<10240x128xf32, #tpu.memory_space<vmem_shared>> -> memref<10240x128xf32, #tpu.memory_space<vmem_shared>>
      tpu.wait_indirect_dma semaphore(%run_scoped3A_92 : memref<!tpu.dma_semaphore, #tpu.memory_space<semaphore_mem>>) src(%arg8 : memref<128x128xf32, #tpu.memory_space<vmem>>) dst(%dma_wait3A_104 : memref<10240x128xf32, #tpu.memory_space<vmem_shared>>)
      tpu.yield
    }) : () -> ()
    %mul3A_50 = arith.constant 80 : i32
    %mul3A_51 = arith.muli %add3A, %mul3A_50 : i32
    %add3A_52 = arith.constant 40 : i32
    %add3A_53 = arith.addi %mul3A_51, %add3A_52 : i32
    %run_scoped3A_54 = arith.constant 0 : i32
    "tpu.region"() ({
      %run_scoped3A_92 = tpu.sem_alloc : memref<!tpu.dma_semaphore, #tpu.memory_space<semaphore_mem>>
      %dma_start3A_93 = arith.constant 0 : i32
      %dma_start3A_94 = tpu.memref_slice %arg3[%run_scoped3A_54, %add3A_53, %dma_start3A_93] : memref<2x2560x128xi32, #tpu.memory_space<hbm>> -> memref<1x40x128xi32, #tpu.memory_space<hbm>>
      %dma_start3A_95 = tpu.memref_squeeze %dma_start3A_94 : memref<1x40x128xi32, #tpu.memory_space<hbm>> -> memref<40x128xi32, #tpu.memory_space<hbm>>
      %dma_start3A_96 = arith.constant 0 : i32
      %dma_start3A_97 = tpu.memref_slice %arg3[%run_scoped3A_54, %add3A_53, %dma_start3A_96] : memref<2x2560x128xi32, #tpu.memory_space<hbm>> -> memref<1x40x128xi32, #tpu.memory_space<hbm>>
      %dma_start3A_98 = tpu.memref_squeeze %dma_start3A_97 : memref<1x40x128xi32, #tpu.memory_space<hbm>> -> memref<40x128xi32, #tpu.memory_space<hbm>>
      tpu.enqueue_dma source(%dma_start3A_98 : memref<40x128xi32, #tpu.memory_space<hbm>>) target(%arg5 : memref<40x128xi32, #tpu.memory_space<vmem>>) target_semaphore(%run_scoped3A_92 : memref<!tpu.dma_semaphore, #tpu.memory_space<semaphore_mem>>)
      %dma_wait3A_99 = arith.constant 0 : i32
      %dma_wait3A_100 = tpu.memref_slice %arg3[%run_scoped3A_54, %add3A_53, %dma_wait3A_99] : memref<2x2560x128xi32, #tpu.memory_space<hbm>> -> memref<1x40x128xi32, #tpu.memory_space<hbm>>
      %dma_wait3A_101 = tpu.memref_squeeze %dma_wait3A_100 : memref<1x40x128xi32, #tpu.memory_space<hbm>> -> memref<40x128xi32, #tpu.memory_space<hbm>>
      %dma_wait3A_102 = arith.constant 0 : i32
      %dma_wait3A_103 = tpu.memref_slice %arg3[%run_scoped3A_54, %add3A_53, %dma_wait3A_102] : memref<2x2560x128xi32, #tpu.memory_space<hbm>> -> memref<1x40x128xi32, #tpu.memory_space<hbm>>
      %dma_wait3A_104 = tpu.memref_squeeze %dma_wait3A_103 : memref<1x40x128xi32, #tpu.memory_space<hbm>> -> memref<40x128xi32, #tpu.memory_space<hbm>>
      tpu.wait_dma2 semaphore(%run_scoped3A_92 : memref<!tpu.dma_semaphore, #tpu.memory_space<semaphore_mem>>) src(%dma_wait3A_104 : memref<40x128xi32, #tpu.memory_space<hbm>>) dst(%arg5 : memref<40x128xi32, #tpu.memory_space<vmem>>)
      tpu.yield
    }) : () -> ()
    %run_scoped3A_55 = arith.constant 1 : i32
    "tpu.region"() ({
      %run_scoped3A_92 = tpu.sem_alloc : memref<!tpu.dma_semaphore, #tpu.memory_space<semaphore_mem>>
      %dma_start3A_93 = arith.constant 0 : i32
      %dma_start3A_94 = tpu.memref_slice %arg3[%run_scoped3A_55, %add3A_53, %dma_start3A_93] : memref<2x2560x128xi32, #tpu.memory_space<hbm>> -> memref<1x40x128xi32, #tpu.memory_space<hbm>>
      %dma_start3A_95 = tpu.memref_squeeze %dma_start3A_94 : memref<1x40x128xi32, #tpu.memory_space<hbm>> -> memref<40x128xi32, #tpu.memory_space<hbm>>
      %dma_start3A_96 = arith.constant 0 : i32
      %dma_start3A_97 = tpu.memref_slice %arg3[%run_scoped3A_55, %add3A_53, %dma_start3A_96] : memref<2x2560x128xi32, #tpu.memory_space<hbm>> -> memref<1x40x128xi32, #tpu.memory_space<hbm>>
      %dma_start3A_98 = tpu.memref_squeeze %dma_start3A_97 : memref<1x40x128xi32, #tpu.memory_space<hbm>> -> memref<40x128xi32, #tpu.memory_space<hbm>>
      tpu.enqueue_dma source(%dma_start3A_98 : memref<40x128xi32, #tpu.memory_space<hbm>>) target(%arg6 : memref<40x128xi32, #tpu.memory_space<vmem>>) target_semaphore(%run_scoped3A_92 : memref<!tpu.dma_semaphore, #tpu.memory_space<semaphore_mem>>)
      %dma_wait3A_99 = arith.constant 0 : i32
      %dma_wait3A_100 = tpu.memref_slice %arg3[%run_scoped3A_55, %add3A_53, %dma_wait3A_99] : memref<2x2560x128xi32, #tpu.memory_space<hbm>> -> memref<1x40x128xi32, #tpu.memory_space<hbm>>
      %dma_wait3A_101 = tpu.memref_squeeze %dma_wait3A_100 : memref<1x40x128xi32, #tpu.memory_space<hbm>> -> memref<40x128xi32, #tpu.memory_space<hbm>>
      %dma_wait3A_102 = arith.constant 0 : i32
      %dma_wait3A_103 = tpu.memref_slice %arg3[%run_scoped3A_55, %add3A_53, %dma_wait3A_102] : memref<2x2560x128xi32, #tpu.memory_space<hbm>> -> memref<1x40x128xi32, #tpu.memory_space<hbm>>
      %dma_wait3A_104 = tpu.memref_squeeze %dma_wait3A_103 : memref<1x40x128xi32, #tpu.memory_space<hbm>> -> memref<40x128xi32, #tpu.memory_space<hbm>>
      tpu.wait_dma2 semaphore(%run_scoped3A_92 : memref<!tpu.dma_semaphore, #tpu.memory_space<semaphore_mem>>) src(%dma_wait3A_104 : memref<40x128xi32, #tpu.memory_space<hbm>>) dst(%arg6 : memref<40x128xi32, #tpu.memory_space<vmem>>)
      tpu.yield
    }) : () -> ()
    %dma_start3A_56 = arith.constant 0 : i32
    %dma_start3A_57 = arith.constant 0 : i32
    %dma_start3A_58 = tpu.memref_slice %arg5[%dma_start3A_56, %dma_start3A_57] : memref<40x128xi32, #tpu.memory_space<vmem>> -> memref<1x128xi32, #tpu.memory_space<vmem>>
    %dma_start3A_59 = tpu.memref_squeeze %dma_start3A_58 : memref<1x128xi32, #tpu.memory_space<vmem>> -> memref<128xi32, #tpu.memory_space<vmem>>
    %dma_start3A_60 = arith.constant 0 : i32
    %dma_start3A_61 = arith.constant 0 : i32
    %dma_start3A_62 = tpu.memref_slice %arg2[%dma_start3A_60, %dma_start3A_61] : memref<10000x128xf32, #tpu.memory_space<hbm>> -> memref<10000x128xf32, #tpu.memory_space<hbm>>
    tpu.enqueue_indirect_dma source(%dma_start3A_62 : memref<10000x128xf32, #tpu.memory_space<hbm>>) target(%arg7 : memref<128x128xf32, #tpu.memory_space<vmem>>) offsets(%dma_start3A_59 : memref<128xi32, #tpu.memory_space<vmem>>) semaphore(%arg9 : memref<!tpu.dma_semaphore, #tpu.memory_space<semaphore_mem>>)
    %dma_start3A_63 = arith.constant 1 : i32
    %dma_start3A_64 = arith.constant 0 : i32
    %dma_start3A_65 = tpu.memref_slice %arg5[%dma_start3A_63, %dma_start3A_64] : memref<40x128xi32, #tpu.memory_space<vmem>> -> memref<1x128xi32, #tpu.memory_space<vmem>>
    %dma_start3A_66 = tpu.memref_squeeze %dma_start3A_65 : memref<1x128xi32, #tpu.memory_space<vmem>> -> memref<128xi32, #tpu.memory_space<vmem>>
    %dma_start3A_67 = arith.constant 0 : i32
    %dma_start3A_68 = arith.constant 0 : i32
    %dma_start3A_69 = tpu.memref_slice %arg2[%dma_start3A_67, %dma_start3A_68] : memref<10000x128xf32, #tpu.memory_space<hbm>> -> memref<10000x128xf32, #tpu.memory_space<hbm>>
    tpu.enqueue_indirect_dma source(%dma_start3A_69 : memref<10000x128xf32, #tpu.memory_space<hbm>>) target(%arg8 : memref<128x128xf32, #tpu.memory_space<vmem>>) offsets(%dma_start3A_66 : memref<128xi32, #tpu.memory_space<vmem>>) semaphore(%arg10 : memref<!tpu.dma_semaphore, #tpu.memory_space<semaphore_mem>>)
    %scan3A_70 = arith.constant 0 : i32
    %scan3A_71 = arith.constant 19 : i32
    %scan3A_72 = arith.addi %scan3A_70, %scan3A_71 : i32
    %scan3A_73 = arith.constant 1 : i32
    scf.for %scan3A_92 = %scan3A_70 to %scan3A_72 step %scan3A_73  : i32 {
      %mul3A_93 = arith.constant 2 : i32
      %mul3A_94 = arith.muli %scan3A_92, %mul3A_93 : i32
      %add3A_95 = arith.constant 0 : i32
      %add3A_96 = arith.addi %add3A_95, %mul3A_94 : i32
      %dma_wait3A_97 = arith.constant 0 : i32
      %dma_wait3A_98 = tpu.memref_slice %arg5[%add3A_96, %dma_wait3A_97] : memref<40x128xi32, #tpu.memory_space<vmem>> -> memref<1x128xi32, #tpu.memory_space<vmem>>
      %dma_wait3A_99 = tpu.memref_squeeze %dma_wait3A_98 : memref<1x128xi32, #tpu.memory_space<vmem>> -> memref<128xi32, #tpu.memory_space<vmem>>
      %dma_wait3A_100 = arith.constant 0 : i32
      %dma_wait3A_101 = arith.constant 0 : i32
      %dma_wait3A_102 = tpu.memref_slice %arg2[%dma_wait3A_100, %dma_wait3A_101] : memref<10000x128xf32, #tpu.memory_space<hbm>> -> memref<10000x128xf32, #tpu.memory_space<hbm>>
      tpu.wait_indirect_dma semaphore(%arg9 : memref<!tpu.dma_semaphore, #tpu.memory_space<semaphore_mem>>) src(%dma_wait3A_102 : memref<10000x128xf32, #tpu.memory_space<hbm>>) dst(%arg7 : memref<128x128xf32, #tpu.memory_space<vmem>>)
      "tpu.region"() ({
        %run_scoped3A_129 = tpu.sem_alloc : memref<!tpu.dma_semaphore, #tpu.memory_space<semaphore_mem>>
        %dma_start3A_130 = arith.constant 0 : i32
        %dma_start3A_131 = tpu.memref_slice %arg6[%add3A_96, %dma_start3A_130] : memref<40x128xi32, #tpu.memory_space<vmem>> -> memref<1x128xi32, #tpu.memory_space<vmem>>
        %dma_start3A_132 = tpu.memref_squeeze %dma_start3A_131 : memref<1x128xi32, #tpu.memory_space<vmem>> -> memref<128xi32, #tpu.memory_space<vmem>>
        %dma_start3A_133 = arith.constant 0 : i32
        %dma_start3A_134 = arith.constant 0 : i32
        %dma_start3A_135 = tpu.memref_slice %arg11[%dma_start3A_133, %dma_start3A_134] : memref<10240x128xf32, #tpu.memory_space<vmem_shared>> -> memref<10240x128xf32, #tpu.memory_space<vmem_shared>>
        tpu.enqueue_indirect_dma source(%arg7 : memref<128x128xf32, #tpu.memory_space<vmem>>) target(%dma_start3A_135 : memref<10240x128xf32, #tpu.memory_space<vmem_shared>>) offsets(%dma_start3A_132 : memref<128xi32, #tpu.memory_space<vmem>>) semaphore(%run_scoped3A_129 : memref<!tpu.dma_semaphore, #tpu.memory_space<semaphore_mem>>) {add = true}
        %dma_wait3A_136 = arith.constant 0 : i32
        %dma_wait3A_137 = tpu.memref_slice %arg6[%add3A_96, %dma_wait3A_136] : memref<40x128xi32, #tpu.memory_space<vmem>> -> memref<1x128xi32, #tpu.memory_space<vmem>>
        %dma_wait3A_138 = tpu.memref_squeeze %dma_wait3A_137 : memref<1x128xi32, #tpu.memory_space<vmem>> -> memref<128xi32, #tpu.memory_space<vmem>>
        %dma_wait3A_139 = arith.constant 0 : i32
        %dma_wait3A_140 = arith.constant 0 : i32
        %dma_wait3A_141 = tpu.memref_slice %arg11[%dma_wait3A_139, %dma_wait3A_140] : memref<10240x128xf32, #tpu.memory_space<vmem_shared>> -> memref<10240x128xf32, #tpu.memory_space<vmem_shared>>
        tpu.wait_indirect_dma semaphore(%run_scoped3A_129 : memref<!tpu.dma_semaphore, #tpu.memory_space<semaphore_mem>>) src(%arg7 : memref<128x128xf32, #tpu.memory_space<vmem>>) dst(%dma_wait3A_141 : memref<10240x128xf32, #tpu.memory_space<vmem_shared>>)
        tpu.yield
      }) : () -> ()
      %add3A_103 = arith.constant 2 : i32
      %add3A_104 = arith.addi %add3A_96, %add3A_103 : i32
      %dma_start3A_105 = arith.constant 0 : i32
      %dma_start3A_106 = tpu.memref_slice %arg5[%add3A_104, %dma_start3A_105] : memref<40x128xi32, #tpu.memory_space<vmem>> -> memref<1x128xi32, #tpu.memory_space<vmem>>
      %dma_start3A_107 = tpu.memref_squeeze %dma_start3A_106 : memref<1x128xi32, #tpu.memory_space<vmem>> -> memref<128xi32, #tpu.memory_space<vmem>>
      %dma_start3A_108 = arith.constant 0 : i32
      %dma_start3A_109 = arith.constant 0 : i32
      %dma_start3A_110 = tpu.memref_slice %arg2[%dma_start3A_108, %dma_start3A_109] : memref<10000x128xf32, #tpu.memory_space<hbm>> -> memref<10000x128xf32, #tpu.memory_space<hbm>>
      tpu.enqueue_indirect_dma source(%dma_start3A_110 : memref<10000x128xf32, #tpu.memory_space<hbm>>) target(%arg7 : memref<128x128xf32, #tpu.memory_space<vmem>>) offsets(%dma_start3A_107 : memref<128xi32, #tpu.memory_space<vmem>>) semaphore(%arg9 : memref<!tpu.dma_semaphore, #tpu.memory_space<semaphore_mem>>)
      %add3A_111 = arith.constant 1 : i32
      %add3A_112 = arith.addi %add3A_96, %add3A_111 : i32
      %dma_wait3A_113 = arith.constant 0 : i32
      %dma_wait3A_114 = tpu.memref_slice %arg5[%add3A_112, %dma_wait3A_113] : memref<40x128xi32, #tpu.memory_space<vmem>> -> memref<1x128xi32, #tpu.memory_space<vmem>>
      %dma_wait3A_115 = tpu.memref_squeeze %dma_wait3A_114 : memref<1x128xi32, #tpu.memory_space<vmem>> -> memref<128xi32, #tpu.memory_space<vmem>>
      %dma_wait3A_116 = arith.constant 0 : i32
      %dma_wait3A_117 = arith.constant 0 : i32
      %dma_wait3A_118 = tpu.memref_slice %arg2[%dma_wait3A_116, %dma_wait3A_117] : memref<10000x128xf32, #tpu.memory_space<hbm>> -> memref<10000x128xf32, #tpu.memory_space<hbm>>
      tpu.wait_indirect_dma semaphore(%arg10 : memref<!tpu.dma_semaphore, #tpu.memory_space<semaphore_mem>>) src(%dma_wait3A_118 : memref<10000x128xf32, #tpu.memory_space<hbm>>) dst(%arg8 : memref<128x128xf32, #tpu.memory_space<vmem>>)
      %add3A_119 = arith.constant 1 : i32
      %add3A_120 = arith.addi %add3A_96, %add3A_119 : i32
      "tpu.region"() ({
        %run_scoped3A_129 = tpu.sem_alloc : memref<!tpu.dma_semaphore, #tpu.memory_space<semaphore_mem>>
        %dma_start3A_130 = arith.constant 0 : i32
        %dma_start3A_131 = tpu.memref_slice %arg6[%add3A_120, %dma_start3A_130] : memref<40x128xi32, #tpu.memory_space<vmem>> -> memref<1x128xi32, #tpu.memory_space<vmem>>
        %dma_start3A_132 = tpu.memref_squeeze %dma_start3A_131 : memref<1x128xi32, #tpu.memory_space<vmem>> -> memref<128xi32, #tpu.memory_space<vmem>>
        %dma_start3A_133 = arith.constant 0 : i32
        %dma_start3A_134 = arith.constant 0 : i32
        %dma_start3A_135 = tpu.memref_slice %arg11[%dma_start3A_133, %dma_start3A_134] : memref<10240x128xf32, #tpu.memory_space<vmem_shared>> -> memref<10240x128xf32, #tpu.memory_space<vmem_shared>>
        tpu.enqueue_indirect_dma source(%arg8 : memref<128x128xf32, #tpu.memory_space<vmem>>) target(%dma_start3A_135 : memref<10240x128xf32, #tpu.memory_space<vmem_shared>>) offsets(%dma_start3A_132 : memref<128xi32, #tpu.memory_space<vmem>>) semaphore(%run_scoped3A_129 : memref<!tpu.dma_semaphore, #tpu.memory_space<semaphore_mem>>) {add = true}
        %dma_wait3A_136 = arith.constant 0 : i32
        %dma_wait3A_137 = tpu.memref_slice %arg6[%add3A_120, %dma_wait3A_136] : memref<40x128xi32, #tpu.memory_space<vmem>> -> memref<1x128xi32, #tpu.memory_space<vmem>>
        %dma_wait3A_138 = tpu.memref_squeeze %dma_wait3A_137 : memref<1x128xi32, #tpu.memory_space<vmem>> -> memref<128xi32, #tpu.memory_space<vmem>>
        %dma_wait3A_139 = arith.constant 0 : i32
        %dma_wait3A_140 = arith.constant 0 : i32
        %dma_wait3A_141 = tpu.memref_slice %arg11[%dma_wait3A_139, %dma_wait3A_140] : memref<10240x128xf32, #tpu.memory_space<vmem_shared>> -> memref<10240x128xf32, #tpu.memory_space<vmem_shared>>
        tpu.wait_indirect_dma semaphore(%run_scoped3A_129 : memref<!tpu.dma_semaphore, #tpu.memory_space<semaphore_mem>>) src(%arg8 : memref<128x128xf32, #tpu.memory_space<vmem>>) dst(%dma_wait3A_141 : memref<10240x128xf32, #tpu.memory_space<vmem_shared>>)
        tpu.yield
      }) : () -> ()
      %add3A_121 = arith.constant 3 : i32
      %add3A_122 = arith.addi %add3A_96, %add3A_121 : i32
      %dma_start3A_123 = arith.constant 0 : i32
      %dma_start3A_124 = tpu.memref_slice %arg5[%add3A_122, %dma_start3A_123] : memref<40x128xi32, #tpu.memory_space<vmem>> -> memref<1x128xi32, #tpu.memory_space<vmem>>
      %dma_start3A_125 = tpu.memref_squeeze %dma_start3A_124 : memref<1x128xi32, #tpu.memory_space<vmem>> -> memref<128xi32, #tpu.memory_space<vmem>>
      %dma_start3A_126 = arith.constant 0 : i32
      %dma_start3A_127 = arith.constant 0 : i32
      %dma_start3A_128 = tpu.memref_slice %arg2[%dma_start3A_126, %dma_start3A_127] : memref<10000x128xf32, #tpu.memory_space<hbm>> -> memref<10000x128xf32, #tpu.memory_space<hbm>>
      tpu.enqueue_indirect_dma source(%dma_start3A_128 : memref<10000x128xf32, #tpu.memory_space<hbm>>) target(%arg8 : memref<128x128xf32, #tpu.memory_space<vmem>>) offsets(%dma_start3A_125 : memref<128xi32, #tpu.memory_space<vmem>>) semaphore(%arg10 : memref<!tpu.dma_semaphore, #tpu.memory_space<semaphore_mem>>)
    }
    %scan3A_74 = arith.constant 19 : i32
    %dma_wait3A_75 = arith.constant 38 : i32
    %dma_wait3A_76 = arith.constant 0 : i32
    %dma_wait3A_77 = tpu.memref_slice %arg5[%dma_wait3A_75, %dma_wait3A_76] : memref<40x128xi32, #tpu.memory_space<vmem>> -> memref<1x128xi32, #tpu.memory_space<vmem>>
    %dma_wait3A_78 = tpu.memref_squeeze %dma_wait3A_77 : memref<1x128xi32, #tpu.memory_space<vmem>> -> memref<128xi32, #tpu.memory_space<vmem>>
    %dma_wait3A_79 = arith.constant 0 : i32
    %dma_wait3A_80 = arith.constant 0 : i32
    %dma_wait3A_81 = tpu.memref_slice %arg2[%dma_wait3A_79, %dma_wait3A_80] : memref<10000x128xf32, #tpu.memory_space<hbm>> -> memref<10000x128xf32, #tpu.memory_space<hbm>>
    tpu.wait_indirect_dma semaphore(%arg9 : memref<!tpu.dma_semaphore, #tpu.memory_space<semaphore_mem>>) src(%dma_wait3A_81 : memref<10000x128xf32, #tpu.memory_space<hbm>>) dst(%arg7 : memref<128x128xf32, #tpu.memory_space<vmem>>)
    %run_scoped3A_82 = arith.constant 38 : i32
    "tpu.region"() ({
      %run_scoped3A_92 = tpu.sem_alloc : memref<!tpu.dma_semaphore, #tpu.memory_space<semaphore_mem>>
      %dma_start3A_93 = arith.constant 0 : i32
      %dma_start3A_94 = tpu.memref_slice %arg6[%run_scoped3A_82, %dma_start3A_93] : memref<40x128xi32, #tpu.memory_space<vmem>> -> memref<1x128xi32, #tpu.memory_space<vmem>>
      %dma_start3A_95 = tpu.memref_squeeze %dma_start3A_94 : memref<1x128xi32, #tpu.memory_space<vmem>> -> memref<128xi32, #tpu.memory_space<vmem>>
      %dma_start3A_96 = arith.constant 0 : i32
      %dma_start3A_97 = arith.constant 0 : i32
      %dma_start3A_98 = tpu.memref_slice %arg11[%dma_start3A_96, %dma_start3A_97] : memref<10240x128xf32, #tpu.memory_space<vmem_shared>> -> memref<10240x128xf32, #tpu.memory_space<vmem_shared>>
      tpu.enqueue_indirect_dma source(%arg7 : memref<128x128xf32, #tpu.memory_space<vmem>>) target(%dma_start3A_98 : memref<10240x128xf32, #tpu.memory_space<vmem_shared>>) offsets(%dma_start3A_95 : memref<128xi32, #tpu.memory_space<vmem>>) semaphore(%run_scoped3A_92 : memref<!tpu.dma_semaphore, #tpu.memory_space<semaphore_mem>>) {add = true}
      %dma_wait3A_99 = arith.constant 0 : i32
      %dma_wait3A_100 = tpu.memref_slice %arg6[%run_scoped3A_82, %dma_wait3A_99] : memref<40x128xi32, #tpu.memory_space<vmem>> -> memref<1x128xi32, #tpu.memory_space<vmem>>
      %dma_wait3A_101 = tpu.memref_squeeze %dma_wait3A_100 : memref<1x128xi32, #tpu.memory_space<vmem>> -> memref<128xi32, #tpu.memory_space<vmem>>
      %dma_wait3A_102 = arith.constant 0 : i32
      %dma_wait3A_103 = arith.constant 0 : i32
      %dma_wait3A_104 = tpu.memref_slice %arg11[%dma_wait3A_102, %dma_wait3A_103] : memref<10240x128xf32, #tpu.memory_space<vmem_shared>> -> memref<10240x128xf32, #tpu.memory_space<vmem_shared>>
      tpu.wait_indirect_dma semaphore(%run_scoped3A_92 : memref<!tpu.dma_semaphore, #tpu.memory_space<semaphore_mem>>) src(%arg7 : memref<128x128xf32, #tpu.memory_space<vmem>>) dst(%dma_wait3A_104 : memref<10240x128xf32, #tpu.memory_space<vmem_shared>>)
      tpu.yield
    }) : () -> ()
    %dma_wait3A_83 = arith.constant 39 : i32
    %dma_wait3A_84 = arith.constant 0 : i32
    %dma_wait3A_85 = tpu.memref_slice %arg5[%dma_wait3A_83, %dma_wait3A_84] : memref<40x128xi32, #tpu.memory_space<vmem>> -> memref<1x128xi32, #tpu.memory_space<vmem>>
    %dma_wait3A_86 = tpu.memref_squeeze %dma_wait3A_85 : memref<1x128xi32, #tpu.memory_space<vmem>> -> memref<128xi32, #tpu.memory_space<vmem>>
    %dma_wait3A_87 = arith.constant 0 : i32
    %dma_wait3A_88 = arith.constant 0 : i32
    %dma_wait3A_89 = tpu.memref_slice %arg2[%dma_wait3A_87, %dma_wait3A_88] : memref<10000x128xf32, #tpu.memory_space<hbm>> -> memref<10000x128xf32, #tpu.memory_space<hbm>>
    tpu.wait_indirect_dma semaphore(%arg10 : memref<!tpu.dma_semaphore, #tpu.memory_space<semaphore_mem>>) src(%dma_wait3A_89 : memref<10000x128xf32, #tpu.memory_space<hbm>>) dst(%arg8 : memref<128x128xf32, #tpu.memory_space<vmem>>)
    %run_scoped3A_90 = arith.constant 39 : i32
    "tpu.region"() ({
      %run_scoped3A_92 = tpu.sem_alloc : memref<!tpu.dma_semaphore, #tpu.memory_space<semaphore_mem>>
      %dma_start3A_93 = arith.constant 0 : i32
      %dma_start3A_94 = tpu.memref_slice %arg6[%run_scoped3A_90, %dma_start3A_93] : memref<40x128xi32, #tpu.memory_space<vmem>> -> memref<1x128xi32, #tpu.memory_space<vmem>>
      %dma_start3A_95 = tpu.memref_squeeze %dma_start3A_94 : memref<1x128xi32, #tpu.memory_space<vmem>> -> memref<128xi32, #tpu.memory_space<vmem>>
      %dma_start3A_96 = arith.constant 0 : i32
      %dma_start3A_97 = arith.constant 0 : i32
      %dma_start3A_98 = tpu.memref_slice %arg11[%dma_start3A_96, %dma_start3A_97] : memref<10240x128xf32, #tpu.memory_space<vmem_shared>> -> memref<10240x128xf32, #tpu.memory_space<vmem_shared>>
      tpu.enqueue_indirect_dma source(%arg8 : memref<128x128xf32, #tpu.memory_space<vmem>>) target(%dma_start3A_98 : memref<10240x128xf32, #tpu.memory_space<vmem_shared>>) offsets(%dma_start3A_95 : memref<128xi32, #tpu.memory_space<vmem>>) semaphore(%run_scoped3A_92 : memref<!tpu.dma_semaphore, #tpu.memory_space<semaphore_mem>>) {add = true}
      %dma_wait3A_99 = arith.constant 0 : i32
      %dma_wait3A_100 = tpu.memref_slice %arg6[%run_scoped3A_90, %dma_wait3A_99] : memref<40x128xi32, #tpu.memory_space<vmem>> -> memref<1x128xi32, #tpu.memory_space<vmem>>
      %dma_wait3A_101 = tpu.memref_squeeze %dma_wait3A_100 : memref<1x128xi32, #tpu.memory_space<vmem>> -> memref<128xi32, #tpu.memory_space<vmem>>
      %dma_wait3A_102 = arith.constant 0 : i32
      %dma_wait3A_103 = arith.constant 0 : i32
      %dma_wait3A_104 = tpu.memref_slice %arg11[%dma_wait3A_102, %dma_wait3A_103] : memref<10240x128xf32, #tpu.memory_space<vmem_shared>> -> memref<10240x128xf32, #tpu.memory_space<vmem_shared>>
      tpu.wait_indirect_dma semaphore(%run_scoped3A_92 : memref<!tpu.dma_semaphore, #tpu.memory_space<semaphore_mem>>) src(%arg8 : memref<128x128xf32, #tpu.memory_space<vmem>>) dst(%dma_wait3A_104 : memref<10240x128xf32, #tpu.memory_space<vmem_shared>>)
      tpu.yield
    }) : () -> ()
    %barrier3A_91 = arith.constant 0 : index
    tpu.barrier barrier_id(%barrier3A_91)
    "tpu.region"() ({
      %run_scoped3A_92 = tpu.sem_alloc : memref<!tpu.dma_semaphore, #tpu.memory_space<semaphore_mem>>
      %dma_start3A_93 = arith.constant 0 : i32
      %dma_start3A_94 = tpu.memref_slice %arg4[%arg0, %mul3A_6, %dma_start3A_93] : memref<2x10240x128xf32, #tpu.memory_space<hbm>> -> memref<1x640x128xf32, #tpu.memory_space<hbm>>
      %dma_start3A_95 = tpu.memref_squeeze %dma_start3A_94 : memref<1x640x128xf32, #tpu.memory_space<hbm>> -> memref<640x128xf32, #tpu.memory_space<hbm>>
      %dma_start3A_96 = arith.constant 0 : i32
      %dma_start3A_97 = tpu.memref_slice %arg11[%mul3A_6, %dma_start3A_96] : memref<10240x128xf32, #tpu.memory_space<vmem_shared>> -> memref<640x128xf32, #tpu.memory_space<vmem_shared>>
      tpu.enqueue_dma source(%dma_start3A_97 : memref<640x128xf32, #tpu.memory_space<vmem_shared>>) target(%dma_start3A_95 : memref<640x128xf32, #tpu.memory_space<hbm>>) target_semaphore(%run_scoped3A_92 : memref<!tpu.dma_semaphore, #tpu.memory_space<semaphore_mem>>)
      %dma_wait3A_98 = arith.constant 0 : i32
      %dma_wait3A_99 = tpu.memref_slice %arg4[%arg0, %mul3A_6, %dma_wait3A_98] : memref<2x10240x128xf32, #tpu.memory_space<hbm>> -> memref<1x640x128xf32, #tpu.memory_space<hbm>>
      %dma_wait3A_100 = tpu.memref_squeeze %dma_wait3A_99 : memref<1x640x128xf32, #tpu.memory_space<hbm>> -> memref<640x128xf32, #tpu.memory_space<hbm>>
      %dma_wait3A_101 = arith.constant 0 : i32
      %dma_wait3A_102 = tpu.memref_slice %arg11[%mul3A_6, %dma_wait3A_101] : memref<10240x128xf32, #tpu.memory_space<vmem_shared>> -> memref<640x128xf32, #tpu.memory_space<vmem_shared>>
      tpu.wait_dma2 semaphore(%run_scoped3A_92 : memref<!tpu.dma_semaphore, #tpu.memory_space<semaphore_mem>>) src(%dma_wait3A_102 : memref<640x128xf32, #tpu.memory_space<vmem_shared>>) dst(%dma_wait3A_100 : memref<640x128xf32, #tpu.memory_space<hbm>>)
      tpu.yield
    }) : () -> ()
    return
  }
}

#map = affine_map<(d0, d1) -> (0, 0)>
#map1 = affine_map<(d0, d1) -> (0, 0, 0)>
module attributes {stable_mosaic.version = 14 : i64} {
  func.func @k(%arg0: i32, %arg1: i32, %arg2: memref<10000x128xf32, #tpu.memory_space<hbm>>, %arg3: memref<2x2560x128xi32, #tpu.memory_space<hbm>>, %arg4: memref<2x10240x128xf32, #tpu.memory_space<hbm>>, %arg5: memref<40x128xi32, #tpu.memory_space<vmem>>, %arg6: memref<40x128xi32, #tpu.memory_space<vmem>>, %arg7: memref<128x128xf32, #tpu.memory_space<vmem>>, %arg8: memref<128x128xf32, #tpu.memory_space<vmem>>, %arg9: memref<!tpu.dma_semaphore, #tpu.memory_space<semaphore_mem>>, %arg10: memref<!tpu.dma_semaphore, #tpu.memory_space<semaphore_mem>>, %arg11: memref<10240x128xf32, #tpu.memory_space<vmem_shared>>) attributes {dimension_semantics = [#tpu.dimension_semantics<core_parallel>, #tpu.dimension_semantics<subcore_parallel>], iteration_bounds = array<i64: 2, 16>, scalar_prefetch = 0 : i64, scratch_operands = 7 : i64, tpu.core_type = #tpu.core_type<sc_vector_subcore>, window_params = [{transform_indices = #map}, {transform_indices = #map1}, {transform_indices = #map1}]} {
    %mul3A = arith.constant 2 : i32
    %mul3A_0 = arith.muli %arg1, %mul3A : i32
    %add3A = arith.addi %mul3A_0, %arg0 : i32
    %scan3A = arith.constant 0 : i32
    %scan3A_1 = arith.constant 128 : i32
    %scan3A_2 = arith.addi %scan3A, %scan3A_1 : i32
    %scan3A_3 = arith.constant 1 : i32
    scf.for %scan3A_92 = %scan3A to %scan3A_2 step %scan3A_3  : i32 {
      %mul3A_93 = arith.constant 1 : i32
      %mul3A_94 = arith.muli %scan3A_92, %mul3A_93 : i32
      %add3A_95 = arith.constant 0 : i32
      %add3A_96 = arith.addi %add3A_95, %mul3A_94 : i32
      %scan3A_97 = arith.constant 0 : i32
      %scan3A_98 = arith.constant 8 : i32
      %scan3A_99 = arith.addi %scan3A_97, %scan3A_98 : i32
      %scan3A_100 = arith.constant 1 : i32
      scf.for %scan3A_102 = %scan3A_97 to %scan3A_99 step %scan3A_100  : i32 {
        %mul3A_103 = arith.constant 16 : i32
        %mul3A_104 = arith.muli %scan3A_102, %mul3A_103 : i32
        %add3A_105 = arith.constant 0 : i32
        %add3A_106 = arith.addi %add3A_105, %mul3A_104 : i32
        %broadcast_in_dim3A = arith.constant 0.000000e+00 : f32
        %broadcast_in_dim3A_107 = vector.broadcast %broadcast_in_dim3A : f32 to vector<16xf32>
        %swap3A = arith.index_cast %add3A_96 : i32 to index
        %swap3A_108 = arith.index_cast %add3A_106 : i32 to index
        %swap3A_109 = tpu.vector_load %arg7[%swap3A, %swap3A_108] {strides = array<i32>} : memref<128x128xf32, #tpu.memory_space<vmem>>, vector<16xf32>,
        tpu.vector_store %arg7[%swap3A, %swap3A_108], %broadcast_in_dim3A_107 {strides = array<i32>} : memref<128x128xf32, #tpu.memory_space<vmem>>, vector<16xf32>,
      }
      %scan3A_101 = arith.constant 8 : i32
    }
    %scan3A_4 = arith.constant 128 : i32
    %mul3A_5 = arith.constant 640 : i32
    %mul3A_6 = arith.muli %arg1, %mul3A_5 : i32
    %scan3A_7 = arith.constant 0 : i32
    %scan3A_8 = arith.constant 5 : i32
    %scan3A_9 = arith.addi %scan3A_7, %scan3A_8 : i32
    %scan3A_10 = arith.constant 1 : i32
    scf.for %scan3A_92 = %scan3A_7 to %scan3A_9 step %scan3A_10  : i32 {
      %mul3A_93 = arith.constant 1 : i32
      %mul3A_94 = arith.muli %scan3A_92, %mul3A_93 : i32
      %add3A_95 = arith.constant 0 : i32
      %add3A_96 = arith.addi %add3A_95, %mul3A_94 : i32
      %mul3A_97 = arith.constant 128 : i32
      %mul3A_98 = arith.muli %add3A_96, %mul3A_97 : i32
      %add3A_99 = arith.addi %mul3A_6, %mul3A_98 : i32
      "tpu.region"() ({
        %run_scoped3A_100 = tpu.sem_alloc : memref<!tpu.dma_semaphore, #tpu.memory_space<semaphore_mem>>
        %dma_start3A_101 = arith.constant 0 : i32
        %dma_start3A_102 = tpu.memref_slice %arg11[%add3A_99, %dma_start3A_101] : memref<10240x128xf32, #tpu.memory_space<vmem_shared>> -> memref<128x128xf32, #tpu.memory_space<vmem_shared>>
        %dma_start3A_103 = arith.constant 0 : i32
        %dma_start3A_104 = tpu.memref_slice %arg11[%add3A_99, %dma_start3A_103] : memref<10240x128xf32, #tpu.memory_space<vmem_shared>> -> memref<128x128xf32, #tpu.memory_space<vmem_shared>>
        tpu.enqueue_dma source(%arg7 : memref<128x128xf32, #tpu.memory_space<vmem>>) target(%dma_start3A_104 : memref<128x128xf32, #tpu.memory_space<vmem_shared>>) target_semaphore(%run_scoped3A_100 : memref<!tpu.dma_semaphore, #tpu.memory_space<semaphore_mem>>)
        %dma_wait3A_105 = arith.constant 0 : i32
        %dma_wait3A_106 = tpu.memref_slice %arg11[%add3A_99, %dma_wait3A_105] : memref<10240x128xf32, #tpu.memory_space<vmem_shared>> -> memref<128x128xf32, #tpu.memory_space<vmem_shared>>
        %dma_wait3A_107 = arith.constant 0 : i32
        %dma_wait3A_108 = tpu.memref_slice %arg11[%add3A_99, %dma_wait3A_107] : memref<10240x128xf32, #tpu.memory_space<vmem_shared>> -> memref<128x128xf32, #tpu.memory_space<vmem_shared>>
        tpu.wait_dma2 semaphore(%run_scoped3A_100 : memref<!tpu.dma_semaphore, #tpu.memory_space<semaphore_mem>>) src(%arg7 : memref<128x128xf32, #tpu.memory_space<vmem>>) dst(%dma_wait3A_108 : memref<128x128xf32, #tpu.memory_space<vmem_shared>>)
        tpu.yield
      }) : () -> ()
    }
    %scan3A_11 = arith.constant 5 : i32
    %barrier3A = arith.constant 0 : index
    tpu.barrier barrier_id(%barrier3A)
    %mul3A_12 = arith.constant 80 : i32
    %mul3A_13 = arith.muli %add3A, %mul3A_12 : i32
    %add3A_14 = arith.constant 0 : i32
    %add3A_15 = arith.addi %mul3A_13, %add3A_14 : i32
    %run_scoped3A = arith.constant 0 : i32
    "tpu.region"() ({
      %run_scoped3A_92 = tpu.sem_alloc : memref<!tpu.dma_semaphore, #tpu.memory_space<semaphore_mem>>
      %dma_start3A_93 = arith.constant 0 : i32
      %dma_start3A_94 = tpu.memref_slice %arg3[%run_scoped3A, %add3A_15, %dma_start3A_93] : memref<2x2560x128xi32, #tpu.memory_space<hbm>> -> memref<1x40x128xi32, #tpu.memory_space<hbm>>
      %dma_start3A_95 = tpu.memref_squeeze %dma_start3A_94 : memref<1x40x128xi32, #tpu.memory_space<hbm>> -> memref<40x128xi32, #tpu.memory_space<hbm>>
      %dma_start3A_96 = arith.constant 0 : i32
      %dma_start3A_97 = tpu.memref_slice %arg3[%run_scoped3A, %add3A_15, %dma_start3A_96] : memref<2x2560x128xi32, #tpu.memory_space<hbm>> -> memref<1x40x128xi32, #tpu.memory_space<hbm>>
      %dma_start3A_98 = tpu.memref_squeeze %dma_start3A_97 : memref<1x40x128xi32, #tpu.memory_space<hbm>> -> memref<40x128xi32, #tpu.memory_space<hbm>>
      tpu.enqueue_dma source(%dma_start3A_98 : memref<40x128xi32, #tpu.memory_space<hbm>>) target(%arg5 : memref<40x128xi32, #tpu.memory_space<vmem>>) target_semaphore(%run_scoped3A_92 : memref<!tpu.dma_semaphore, #tpu.memory_space<semaphore_mem>>)
      %dma_wait3A_99 = arith.constant 0 : i32
      %dma_wait3A_100 = tpu.memref_slice %arg3[%run_scoped3A, %add3A_15, %dma_wait3A_99] : memref<2x2560x128xi32, #tpu.memory_space<hbm>> -> memref<1x40x128xi32, #tpu.memory_space<hbm>>
      %dma_wait3A_101 = tpu.memref_squeeze %dma_wait3A_100 : memref<1x40x128xi32, #tpu.memory_space<hbm>> -> memref<40x128xi32, #tpu.memory_space<hbm>>
      %dma_wait3A_102 = arith.constant 0 : i32
      %dma_wait3A_103 = tpu.memref_slice %arg3[%run_scoped3A, %add3A_15, %dma_wait3A_102] : memref<2x2560x128xi32, #tpu.memory_space<hbm>> -> memref<1x40x128xi32, #tpu.memory_space<hbm>>
      %dma_wait3A_104 = tpu.memref_squeeze %dma_wait3A_103 : memref<1x40x128xi32, #tpu.memory_space<hbm>> -> memref<40x128xi32, #tpu.memory_space<hbm>>
      tpu.wait_dma2 semaphore(%run_scoped3A_92 : memref<!tpu.dma_semaphore, #tpu.memory_space<semaphore_mem>>) src(%dma_wait3A_104 : memref<40x128xi32, #tpu.memory_space<hbm>>) dst(%arg5 : memref<40x128xi32, #tpu.memory_space<vmem>>)
      tpu.yield
    }) : () -> ()
    %run_scoped3A_16 = arith.constant 1 : i32
    "tpu.region"() ({
      %run_scoped3A_92 = tpu.sem_alloc : memref<!tpu.dma_semaphore, #tpu.memory_space<semaphore_mem>>
      %dma_start3A_93 = arith.constant 0 : i32
      %dma_start3A_94 = tpu.memref_slice %arg3[%run_scoped3A_16, %add3A_15, %dma_start3A_93] : memref<2x2560x128xi32, #tpu.memory_space<hbm>> -> memref<1x40x128xi32, #tpu.memory_space<hbm>>
      %dma_start3A_95 = tpu.memref_squeeze %dma_start3A_94 : memref<1x40x128xi32, #tpu.memory_space<hbm>> -> memref<40x128xi32, #tpu.memory_space<hbm>>
      %dma_start3A_96 = arith.constant 0 : i32
      %dma_start3A_97 = tpu.memref_slice %arg3[%run_scoped3A_16, %add3A_15, %dma_start3A_96] : memref<2x2560x128xi32, #tpu.memory_space<hbm>> -> memref<1x40x128xi32, #tpu.memory_space<hbm>>
      %dma_start3A_98 = tpu.memref_squeeze %dma_start3A_97 : memref<1x40x128xi32, #tpu.memory_space<hbm>> -> memref<40x128xi32, #tpu.memory_space<hbm>>
      tpu.enqueue_dma source(%dma_start3A_98 : memref<40x128xi32, #tpu.memory_space<hbm>>) target(%arg6 : memref<40x128xi32, #tpu.memory_space<vmem>>) target_semaphore(%run_scoped3A_92 : memref<!tpu.dma_semaphore, #tpu.memory_space<semaphore_mem>>)
      %dma_wait3A_99 = arith.constant 0 : i32
      %dma_wait3A_100 = tpu.memref_slice %arg3[%run_scoped3A_16, %add3A_15, %dma_wait3A_99] : memref<2x2560x128xi32, #tpu.memory_space<hbm>> -> memref<1x40x128xi32, #tpu.memory_space<hbm>>
      %dma_wait3A_101 = tpu.memref_squeeze %dma_wait3A_100 : memref<1x40x128xi32, #tpu.memory_space<hbm>> -> memref<40x128xi32, #tpu.memory_space<hbm>>
      %dma_wait3A_102 = arith.constant 0 : i32
      %dma_wait3A_103 = tpu.memref_slice %arg3[%run_scoped3A_16, %add3A_15, %dma_wait3A_102] : memref<2x2560x128xi32, #tpu.memory_space<hbm>> -> memref<1x40x128xi32, #tpu.memory_space<hbm>>
      %dma_wait3A_104 = tpu.memref_squeeze %dma_wait3A_103 : memref<1x40x128xi32, #tpu.memory_space<hbm>> -> memref<40x128xi32, #tpu.memory_space<hbm>>
      tpu.wait_dma2 semaphore(%run_scoped3A_92 : memref<!tpu.dma_semaphore, #tpu.memory_space<semaphore_mem>>) src(%dma_wait3A_104 : memref<40x128xi32, #tpu.memory_space<hbm>>) dst(%arg6 : memref<40x128xi32, #tpu.memory_space<vmem>>)
      tpu.yield
    }) : () -> ()
    %dma_start3A = arith.constant 0 : i32
    %dma_start3A_17 = arith.constant 0 : i32
    %dma_start3A_18 = tpu.memref_slice %arg5[%dma_start3A, %dma_start3A_17] : memref<40x128xi32, #tpu.memory_space<vmem>> -> memref<1x128xi32, #tpu.memory_space<vmem>>
    %dma_start3A_19 = tpu.memref_squeeze %dma_start3A_18 : memref<1x128xi32, #tpu.memory_space<vmem>> -> memref<128xi32, #tpu.memory_space<vmem>>
    %dma_start3A_20 = arith.constant 0 : i32
    %dma_start3A_21 = arith.constant 0 : i32
    %dma_start3A_22 = tpu.memref_slice %arg2[%dma_start3A_20, %dma_start3A_21] : memref<10000x128xf32, #tpu.memory_space<hbm>> -> memref<10000x128xf32, #tpu.memory_space<hbm>>
    tpu.enqueue_indirect_dma source(%dma_start3A_22 : memref<10000x128xf32, #tpu.memory_space<hbm>>) target(%arg7 : memref<128x128xf32, #tpu.memory_space<vmem>>) offsets(%dma_start3A_19 : memref<128xi32, #tpu.memory_space<vmem>>) semaphore(%arg9 : memref<!tpu.dma_semaphore, #tpu.memory_space<semaphore_mem>>)
    %dma_start3A_23 = arith.constant 1 : i32
    %dma_start3A_24 = arith.constant 0 : i32
    %dma_start3A_25 = tpu.memref_slice %arg5[%dma_start3A_23, %dma_start3A_24] : memref<40x128xi32, #tpu.memory_space<vmem>> -> memref<1x128xi32, #tpu.memory_space<vmem>>
    %dma_start3A_26 = tpu.memref_squeeze %dma_start3A_25 : memref<1x128xi32, #tpu.memory_space<vmem>> -> memref<128xi32, #tpu.memory_space<vmem>>
    %dma_start3A_27 = arith.constant 0 : i32
    %dma_start3A_28 = arith.constant 0 : i32
    %dma_start3A_29 = tpu.memref_slice %arg2[%dma_start3A_27, %dma_start3A_28] : memref<10000x128xf32, #tpu.memory_space<hbm>> -> memref<10000x128xf32, #tpu.memory_space<hbm>>
    tpu.enqueue_indirect_dma source(%dma_start3A_29 : memref<10000x128xf32, #tpu.memory_space<hbm>>) target(%arg8 : memref<128x128xf32, #tpu.memory_space<vmem>>) offsets(%dma_start3A_26 : memref<128xi32, #tpu.memory_space<vmem>>) semaphore(%arg10 : memref<!tpu.dma_semaphore, #tpu.memory_space<semaphore_mem>>)
    %scan3A_30 = arith.constant 0 : i32
    %scan3A_31 = arith.constant 19 : i32
    %scan3A_32 = arith.addi %scan3A_30, %scan3A_31 : i32
    %scan3A_33 = arith.constant 1 : i32
    scf.for %scan3A_92 = %scan3A_30 to %scan3A_32 step %scan3A_33  : i32 {
      %mul3A_93 = arith.constant 2 : i32
      %mul3A_94 = arith.muli %scan3A_92, %mul3A_93 : i32
      %add3A_95 = arith.constant 0 : i32
      %add3A_96 = arith.addi %add3A_95, %mul3A_94 : i32
      %dma_wait3A_97 = arith.constant 0 : i32
      %dma_wait3A_98 = tpu.memref_slice %arg5[%add3A_96, %dma_wait3A_97] : memref<40x128xi32, #tpu.memory_space<vmem>> -> memref<1x128xi32, #tpu.memory_space<vmem>>
      %dma_wait3A_99 = tpu.memref_squeeze %dma_wait3A_98 : memref<1x128xi32, #tpu.memory_space<vmem>> -> memref<128xi32, #tpu.memory_space<vmem>>
      %dma_wait3A_100 = arith.constant 0 : i32
      %dma_wait3A_101 = arith.constant 0 : i32
      %dma_wait3A_102 = tpu.memref_slice %arg2[%dma_wait3A_100, %dma_wait3A_101] : memref<10000x128xf32, #tpu.memory_space<hbm>> -> memref<10000x128xf32, #tpu.memory_space<hbm>>
      tpu.wait_indirect_dma semaphore(%arg9 : memref<!tpu.dma_semaphore, #tpu.memory_space<semaphore_mem>>) src(%dma_wait3A_102 : memref<10000x128xf32, #tpu.memory_space<hbm>>) dst(%arg7 : memref<128x128xf32, #tpu.memory_space<vmem>>)
      "tpu.region"() ({
        %run_scoped3A_129 = tpu.sem_alloc : memref<!tpu.dma_semaphore, #tpu.memory_space<semaphore_mem>>
        %dma_start3A_130 = arith.constant 0 : i32
        %dma_start3A_131 = tpu.memref_slice %arg6[%add3A_96, %dma_start3A_130] : memref<40x128xi32, #tpu.memory_space<vmem>> -> memref<1x128xi32, #tpu.memory_space<vmem>>
        %dma_start3A_132 = tpu.memref_squeeze %dma_start3A_131 : memref<1x128xi32, #tpu.memory_space<vmem>> -> memref<128xi32, #tpu.memory_space<vmem>>
        %dma_start3A_133 = arith.constant 0 : i32
        %dma_start3A_134 = arith.constant 0 : i32
        %dma_start3A_135 = tpu.memref_slice %arg11[%dma_start3A_133, %dma_start3A_134] : memref<10240x128xf32, #tpu.memory_space<vmem_shared>> -> memref<10240x128xf32, #tpu.memory_space<vmem_shared>>
        tpu.enqueue_indirect_dma source(%arg7 : memref<128x128xf32, #tpu.memory_space<vmem>>) target(%dma_start3A_135 : memref<10240x128xf32, #tpu.memory_space<vmem_shared>>) offsets(%dma_start3A_132 : memref<128xi32, #tpu.memory_space<vmem>>) semaphore(%run_scoped3A_129 : memref<!tpu.dma_semaphore, #tpu.memory_space<semaphore_mem>>) {add = true}
        %dma_wait3A_136 = arith.constant 0 : i32
        %dma_wait3A_137 = tpu.memref_slice %arg6[%add3A_96, %dma_wait3A_136] : memref<40x128xi32, #tpu.memory_space<vmem>> -> memref<1x128xi32, #tpu.memory_space<vmem>>
        %dma_wait3A_138 = tpu.memref_squeeze %dma_wait3A_137 : memref<1x128xi32, #tpu.memory_space<vmem>> -> memref<128xi32, #tpu.memory_space<vmem>>
        %dma_wait3A_139 = arith.constant 0 : i32
        %dma_wait3A_140 = arith.constant 0 : i32
        %dma_wait3A_141 = tpu.memref_slice %arg11[%dma_wait3A_139, %dma_wait3A_140] : memref<10240x128xf32, #tpu.memory_space<vmem_shared>> -> memref<10240x128xf32, #tpu.memory_space<vmem_shared>>
        tpu.wait_indirect_dma semaphore(%run_scoped3A_129 : memref<!tpu.dma_semaphore, #tpu.memory_space<semaphore_mem>>) src(%arg7 : memref<128x128xf32, #tpu.memory_space<vmem>>) dst(%dma_wait3A_141 : memref<10240x128xf32, #tpu.memory_space<vmem_shared>>)
        tpu.yield
      }) : () -> ()
      %add3A_103 = arith.constant 2 : i32
      %add3A_104 = arith.addi %add3A_96, %add3A_103 : i32
      %dma_start3A_105 = arith.constant 0 : i32
      %dma_start3A_106 = tpu.memref_slice %arg5[%add3A_104, %dma_start3A_105] : memref<40x128xi32, #tpu.memory_space<vmem>> -> memref<1x128xi32, #tpu.memory_space<vmem>>
      %dma_start3A_107 = tpu.memref_squeeze %dma_start3A_106 : memref<1x128xi32, #tpu.memory_space<vmem>> -> memref<128xi32, #tpu.memory_space<vmem>>
      %dma_start3A_108 = arith.constant 0 : i32
      %dma_start3A_109 = arith.constant 0 : i32
      %dma_start3A_110 = tpu.memref_slice %arg2[%dma_start3A_108, %dma_start3A_109] : memref<10000x128xf32, #tpu.memory_space<hbm>> -> memref<10000x128xf32, #tpu.memory_space<hbm>>
      tpu.enqueue_indirect_dma source(%dma_start3A_110 : memref<10000x128xf32, #tpu.memory_space<hbm>>) target(%arg7 : memref<128x128xf32, #tpu.memory_space<vmem>>) offsets(%dma_start3A_107 : memref<128xi32, #tpu.memory_space<vmem>>) semaphore(%arg9 : memref<!tpu.dma_semaphore, #tpu.memory_space<semaphore_mem>>)
      %add3A_111 = arith.constant 1 : i32
      %add3A_112 = arith.addi %add3A_96, %add3A_111 : i32
      %dma_wait3A_113 = arith.constant 0 : i32
      %dma_wait3A_114 = tpu.memref_slice %arg5[%add3A_112, %dma_wait3A_113] : memref<40x128xi32, #tpu.memory_space<vmem>> -> memref<1x128xi32, #tpu.memory_space<vmem>>
      %dma_wait3A_115 = tpu.memref_squeeze %dma_wait3A_114 : memref<1x128xi32, #tpu.memory_space<vmem>> -> memref<128xi32, #tpu.memory_space<vmem>>
      %dma_wait3A_116 = arith.constant 0 : i32
      %dma_wait3A_117 = arith.constant 0 : i32
      %dma_wait3A_118 = tpu.memref_slice %arg2[%dma_wait3A_116, %dma_wait3A_117] : memref<10000x128xf32, #tpu.memory_space<hbm>> -> memref<10000x128xf32, #tpu.memory_space<hbm>>
      tpu.wait_indirect_dma semaphore(%arg10 : memref<!tpu.dma_semaphore, #tpu.memory_space<semaphore_mem>>) src(%dma_wait3A_118 : memref<10000x128xf32, #tpu.memory_space<hbm>>) dst(%arg8 : memref<128x128xf32, #tpu.memory_space<vmem>>)
      %add3A_119 = arith.constant 1 : i32
      %add3A_120 = arith.addi %add3A_96, %add3A_119 : i32
      "tpu.region"() ({
        %run_scoped3A_129 = tpu.sem_alloc : memref<!tpu.dma_semaphore, #tpu.memory_space<semaphore_mem>>
        %dma_start3A_130 = arith.constant 0 : i32
        %dma_start3A_131 = tpu.memref_slice %arg6[%add3A_120, %dma_start3A_130] : memref<40x128xi32, #tpu.memory_space<vmem>> -> memref<1x128xi32, #tpu.memory_space<vmem>>
        %dma_start3A_132 = tpu.memref_squeeze %dma_start3A_131 : memref<1x128xi32, #tpu.memory_space<vmem>> -> memref<128xi32, #tpu.memory_space<vmem>>
        %dma_start3A_133 = arith.constant 0 : i32
        %dma_start3A_134 = arith.constant 0 : i32
        %dma_start3A_135 = tpu.memref_slice %arg11[%dma_start3A_133, %dma_start3A_134] : memref<10240x128xf32, #tpu.memory_space<vmem_shared>> -> memref<10240x128xf32, #tpu.memory_space<vmem_shared>>
        tpu.enqueue_indirect_dma source(%arg8 : memref<128x128xf32, #tpu.memory_space<vmem>>) target(%dma_start3A_135 : memref<10240x128xf32, #tpu.memory_space<vmem_shared>>) offsets(%dma_start3A_132 : memref<128xi32, #tpu.memory_space<vmem>>) semaphore(%run_scoped3A_129 : memref<!tpu.dma_semaphore, #tpu.memory_space<semaphore_mem>>) {add = true}
        %dma_wait3A_136 = arith.constant 0 : i32
        %dma_wait3A_137 = tpu.memref_slice %arg6[%add3A_120, %dma_wait3A_136] : memref<40x128xi32, #tpu.memory_space<vmem>> -> memref<1x128xi32, #tpu.memory_space<vmem>>
        %dma_wait3A_138 = tpu.memref_squeeze %dma_wait3A_137 : memref<1x128xi32, #tpu.memory_space<vmem>> -> memref<128xi32, #tpu.memory_space<vmem>>
        %dma_wait3A_139 = arith.constant 0 : i32
        %dma_wait3A_140 = arith.constant 0 : i32
        %dma_wait3A_141 = tpu.memref_slice %arg11[%dma_wait3A_139, %dma_wait3A_140] : memref<10240x128xf32, #tpu.memory_space<vmem_shared>> -> memref<10240x128xf32, #tpu.memory_space<vmem_shared>>
        tpu.wait_indirect_dma semaphore(%run_scoped3A_129 : memref<!tpu.dma_semaphore, #tpu.memory_space<semaphore_mem>>) src(%arg8 : memref<128x128xf32, #tpu.memory_space<vmem>>) dst(%dma_wait3A_141 : memref<10240x128xf32, #tpu.memory_space<vmem_shared>>)
        tpu.yield
      }) : () -> ()
      %add3A_121 = arith.constant 3 : i32
      %add3A_122 = arith.addi %add3A_96, %add3A_121 : i32
      %dma_start3A_123 = arith.constant 0 : i32
      %dma_start3A_124 = tpu.memref_slice %arg5[%add3A_122, %dma_start3A_123] : memref<40x128xi32, #tpu.memory_space<vmem>> -> memref<1x128xi32, #tpu.memory_space<vmem>>
      %dma_start3A_125 = tpu.memref_squeeze %dma_start3A_124 : memref<1x128xi32, #tpu.memory_space<vmem>> -> memref<128xi32, #tpu.memory_space<vmem>>
      %dma_start3A_126 = arith.constant 0 : i32
      %dma_start3A_127 = arith.constant 0 : i32
      %dma_start3A_128 = tpu.memref_slice %arg2[%dma_start3A_126, %dma_start3A_127] : memref<10000x128xf32, #tpu.memory_space<hbm>> -> memref<10000x128xf32, #tpu.memory_space<hbm>>
      tpu.enqueue_indirect_dma source(%dma_start3A_128 : memref<10000x128xf32, #tpu.memory_space<hbm>>) target(%arg8 : memref<128x128xf32, #tpu.memory_space<vmem>>) offsets(%dma_start3A_125 : memref<128xi32, #tpu.memory_space<vmem>>) semaphore(%arg10 : memref<!tpu.dma_semaphore, #tpu.memory_space<semaphore_mem>>)
    }
    %scan3A_34 = arith.constant 19 : i32
    %dma_wait3A = arith.constant 38 : i32
    %dma_wait3A_35 = arith.constant 0 : i32
    %dma_wait3A_36 = tpu.memref_slice %arg5[%dma_wait3A, %dma_wait3A_35] : memref<40x128xi32, #tpu.memory_space<vmem>> -> memref<1x128xi32, #tpu.memory_space<vmem>>
    %dma_wait3A_37 = tpu.memref_squeeze %dma_wait3A_36 : memref<1x128xi32, #tpu.memory_space<vmem>> -> memref<128xi32, #tpu.memory_space<vmem>>
    %dma_wait3A_38 = arith.constant 0 : i32
    %dma_wait3A_39 = arith.constant 0 : i32
    %dma_wait3A_40 = tpu.memref_slice %arg2[%dma_wait3A_38, %dma_wait3A_39] : memref<10000x128xf32, #tpu.memory_space<hbm>> -> memref<10000x128xf32, #tpu.memory_space<hbm>>
    tpu.wait_indirect_dma semaphore(%arg9 : memref<!tpu.dma_semaphore, #tpu.memory_space<semaphore_mem>>) src(%dma_wait3A_40 : memref<10000x128xf32, #tpu.memory_space<hbm>>) dst(%arg7 : memref<128x128xf32, #tpu.memory_space<vmem>>)
    %run_scoped3A_41 = arith.constant 38 : i32
    "tpu.region"() ({
      %run_scoped3A_92 = tpu.sem_alloc : memref<!tpu.dma_semaphore, #tpu.memory_space<semaphore_mem>>
      %dma_start3A_93 = arith.constant 0 : i32
      %dma_start3A_94 = tpu.memref_slice %arg6[%run_scoped3A_41, %dma_start3A_93] : memref<40x128xi32, #tpu.memory_space<vmem>> -> memref<1x128xi32, #tpu.memory_space<vmem>>
      %dma_start3A_95 = tpu.memref_squeeze %dma_start3A_94 : memref<1x128xi32, #tpu.memory_space<vmem>> -> memref<128xi32, #tpu.memory_space<vmem>>
      %dma_start3A_96 = arith.constant 0 : i32
      %dma_start3A_97 = arith.constant 0 : i32
      %dma_start3A_98 = tpu.memref_slice %arg11[%dma_start3A_96, %dma_start3A_97] : memref<10240x128xf32, #tpu.memory_space<vmem_shared>> -> memref<10240x128xf32, #tpu.memory_space<vmem_shared>>
      tpu.enqueue_indirect_dma source(%arg7 : memref<128x128xf32, #tpu.memory_space<vmem>>) target(%dma_start3A_98 : memref<10240x128xf32, #tpu.memory_space<vmem_shared>>) offsets(%dma_start3A_95 : memref<128xi32, #tpu.memory_space<vmem>>) semaphore(%run_scoped3A_92 : memref<!tpu.dma_semaphore, #tpu.memory_space<semaphore_mem>>) {add = true}
      %dma_wait3A_99 = arith.constant 0 : i32
      %dma_wait3A_100 = tpu.memref_slice %arg6[%run_scoped3A_41, %dma_wait3A_99] : memref<40x128xi32, #tpu.memory_space<vmem>> -> memref<1x128xi32, #tpu.memory_space<vmem>>
      %dma_wait3A_101 = tpu.memref_squeeze %dma_wait3A_100 : memref<1x128xi32, #tpu.memory_space<vmem>> -> memref<128xi32, #tpu.memory_space<vmem>>
      %dma_wait3A_102 = arith.constant 0 : i32
      %dma_wait3A_103 = arith.constant 0 : i32
      %dma_wait3A_104 = tpu.memref_slice %arg11[%dma_wait3A_102, %dma_wait3A_103] : memref<10240x128xf32, #tpu.memory_space<vmem_shared>> -> memref<10240x128xf32, #tpu.memory_space<vmem_shared>>
      tpu.wait_indirect_dma semaphore(%run_scoped3A_92 : memref<!tpu.dma_semaphore, #tpu.memory_space<semaphore_mem>>) src(%arg7 : memref<128x128xf32, #tpu.memory_space<vmem>>) dst(%dma_wait3A_104 : memref<10240x128xf32, #tpu.memory_space<vmem_shared>>)
      tpu.yield
    }) : () -> ()
    %dma_wait3A_42 = arith.constant 39 : i32
    %dma_wait3A_43 = arith.constant 0 : i32
    %dma_wait3A_44 = tpu.memref_slice %arg5[%dma_wait3A_42, %dma_wait3A_43] : memref<40x128xi32, #tpu.memory_space<vmem>> -> memref<1x128xi32, #tpu.memory_space<vmem>>
    %dma_wait3A_45 = tpu.memref_squeeze %dma_wait3A_44 : memref<1x128xi32, #tpu.memory_space<vmem>> -> memref<128xi32, #tpu.memory_space<vmem>>
    %dma_wait3A_46 = arith.constant 0 : i32
    %dma_wait3A_47 = arith.constant 0 : i32
    %dma_wait3A_48 = tpu.memref_slice %arg2[%dma_wait3A_46, %dma_wait3A_47] : memref<10000x128xf32, #tpu.memory_space<hbm>> -> memref<10000x128xf32, #tpu.memory_space<hbm>>
    tpu.wait_indirect_dma semaphore(%arg10 : memref<!tpu.dma_semaphore, #tpu.memory_space<semaphore_mem>>) src(%dma_wait3A_48 : memref<10000x128xf32, #tpu.memory_space<hbm>>) dst(%arg8 : memref<128x128xf32, #tpu.memory_space<vmem>>)
    %run_scoped3A_49 = arith.constant 39 : i32
    "tpu.region"() ({
      %run_scoped3A_92 = tpu.sem_alloc : memref<!tpu.dma_semaphore, #tpu.memory_space<semaphore_mem>>
      %dma_start3A_93 = arith.constant 0 : i32
      %dma_start3A_94 = tpu.memref_slice %arg6[%run_scoped3A_49, %dma_start3A_93] : memref<40x128xi32, #tpu.memory_space<vmem>> -> memref<1x128xi32, #tpu.memory_space<vmem>>
      %dma_start3A_95 = tpu.memref_squeeze %dma_start3A_94 : memref<1x128xi32, #tpu.memory_space<vmem>> -> memref<128xi32, #tpu.memory_space<vmem>>
      %dma_start3A_96 = arith.constant 0 : i32
      %dma_start3A_97 = arith.constant 0 : i32
      %dma_start3A_98 = tpu.memref_slice %arg11[%dma_start3A_96, %dma_start3A_97] : memref<10240x128xf32, #tpu.memory_space<vmem_shared>> -> memref<10240x128xf32, #tpu.memory_space<vmem_shared>>
      tpu.enqueue_indirect_dma source(%arg8 : memref<128x128xf32, #tpu.memory_space<vmem>>) target(%dma_start3A_98 : memref<10240x128xf32, #tpu.memory_space<vmem_shared>>) offsets(%dma_start3A_95 : memref<128xi32, #tpu.memory_space<vmem>>) semaphore(%run_scoped3A_92 : memref<!tpu.dma_semaphore, #tpu.memory_space<semaphore_mem>>) {add = true}
      %dma_wait3A_99 = arith.constant 0 : i32
      %dma_wait3A_100 = tpu.memref_slice %arg6[%run_scoped3A_49, %dma_wait3A_99] : memref<40x128xi32, #tpu.memory_space<vmem>> -> memref<1x128xi32, #tpu.memory_space<vmem>>
      %dma_wait3A_101 = tpu.memref_squeeze %dma_wait3A_100 : memref<1x128xi32, #tpu.memory_space<vmem>> -> memref<128xi32, #tpu.memory_space<vmem>>
      %dma_wait3A_102 = arith.constant 0 : i32
      %dma_wait3A_103 = arith.constant 0 : i32
      %dma_wait3A_104 = tpu.memref_slice %arg11[%dma_wait3A_102, %dma_wait3A_103] : memref<10240x128xf32, #tpu.memory_space<vmem_shared>> -> memref<10240x128xf32, #tpu.memory_space<vmem_shared>>
      tpu.wait_indirect_dma semaphore(%run_scoped3A_92 : memref<!tpu.dma_semaphore, #tpu.memory_space<semaphore_mem>>) src(%arg8 : memref<128x128xf32, #tpu.memory_space<vmem>>) dst(%dma_wait3A_104 : memref<10240x128xf32, #tpu.memory_space<vmem_shared>>)
      tpu.yield
    }) : () -> ()
    %mul3A_50 = arith.constant 80 : i32
    %mul3A_51 = arith.muli %add3A, %mul3A_50 : i32
    %add3A_52 = arith.constant 40 : i32
    %add3A_53 = arith.addi %mul3A_51, %add3A_52 : i32
    %run_scoped3A_54 = arith.constant 0 : i32
    "tpu.region"() ({
      %run_scoped3A_92 = tpu.sem_alloc : memref<!tpu.dma_semaphore, #tpu.memory_space<semaphore_mem>>
      %dma_start3A_93 = arith.constant 0 : i32
      %dma_start3A_94 = tpu.memref_slice %arg3[%run_scoped3A_54, %add3A_53, %dma_start3A_93] : memref<2x2560x128xi32, #tpu.memory_space<hbm>> -> memref<1x40x128xi32, #tpu.memory_space<hbm>>
      %dma_start3A_95 = tpu.memref_squeeze %dma_start3A_94 : memref<1x40x128xi32, #tpu.memory_space<hbm>> -> memref<40x128xi32, #tpu.memory_space<hbm>>
      %dma_start3A_96 = arith.constant 0 : i32
      %dma_start3A_97 = tpu.memref_slice %arg3[%run_scoped3A_54, %add3A_53, %dma_start3A_96] : memref<2x2560x128xi32, #tpu.memory_space<hbm>> -> memref<1x40x128xi32, #tpu.memory_space<hbm>>
      %dma_start3A_98 = tpu.memref_squeeze %dma_start3A_97 : memref<1x40x128xi32, #tpu.memory_space<hbm>> -> memref<40x128xi32, #tpu.memory_space<hbm>>
      tpu.enqueue_dma source(%dma_start3A_98 : memref<40x128xi32, #tpu.memory_space<hbm>>) target(%arg5 : memref<40x128xi32, #tpu.memory_space<vmem>>) target_semaphore(%run_scoped3A_92 : memref<!tpu.dma_semaphore, #tpu.memory_space<semaphore_mem>>)
      %dma_wait3A_99 = arith.constant 0 : i32
      %dma_wait3A_100 = tpu.memref_slice %arg3[%run_scoped3A_54, %add3A_53, %dma_wait3A_99] : memref<2x2560x128xi32, #tpu.memory_space<hbm>> -> memref<1x40x128xi32, #tpu.memory_space<hbm>>
      %dma_wait3A_101 = tpu.memref_squeeze %dma_wait3A_100 : memref<1x40x128xi32, #tpu.memory_space<hbm>> -> memref<40x128xi32, #tpu.memory_space<hbm>>
      %dma_wait3A_102 = arith.constant 0 : i32
      %dma_wait3A_103 = tpu.memref_slice %arg3[%run_scoped3A_54, %add3A_53, %dma_wait3A_102] : memref<2x2560x128xi32, #tpu.memory_space<hbm>> -> memref<1x40x128xi32, #tpu.memory_space<hbm>>
      %dma_wait3A_104 = tpu.memref_squeeze %dma_wait3A_103 : memref<1x40x128xi32, #tpu.memory_space<hbm>> -> memref<40x128xi32, #tpu.memory_space<hbm>>
      tpu.wait_dma2 semaphore(%run_scoped3A_92 : memref<!tpu.dma_semaphore, #tpu.memory_space<semaphore_mem>>) src(%dma_wait3A_104 : memref<40x128xi32, #tpu.memory_space<hbm>>) dst(%arg5 : memref<40x128xi32, #tpu.memory_space<vmem>>)
      tpu.yield
    }) : () -> ()
    %run_scoped3A_55 = arith.constant 1 : i32
    "tpu.region"() ({
      %run_scoped3A_92 = tpu.sem_alloc : memref<!tpu.dma_semaphore, #tpu.memory_space<semaphore_mem>>
      %dma_start3A_93 = arith.constant 0 : i32
      %dma_start3A_94 = tpu.memref_slice %arg3[%run_scoped3A_55, %add3A_53, %dma_start3A_93] : memref<2x2560x128xi32, #tpu.memory_space<hbm>> -> memref<1x40x128xi32, #tpu.memory_space<hbm>>
      %dma_start3A_95 = tpu.memref_squeeze %dma_start3A_94 : memref<1x40x128xi32, #tpu.memory_space<hbm>> -> memref<40x128xi32, #tpu.memory_space<hbm>>
      %dma_start3A_96 = arith.constant 0 : i32
      %dma_start3A_97 = tpu.memref_slice %arg3[%run_scoped3A_55, %add3A_53, %dma_start3A_96] : memref<2x2560x128xi32, #tpu.memory_space<hbm>> -> memref<1x40x128xi32, #tpu.memory_space<hbm>>
      %dma_start3A_98 = tpu.memref_squeeze %dma_start3A_97 : memref<1x40x128xi32, #tpu.memory_space<hbm>> -> memref<40x128xi32, #tpu.memory_space<hbm>>
      tpu.enqueue_dma source(%dma_start3A_98 : memref<40x128xi32, #tpu.memory_space<hbm>>) target(%arg6 : memref<40x128xi32, #tpu.memory_space<vmem>>) target_semaphore(%run_scoped3A_92 : memref<!tpu.dma_semaphore, #tpu.memory_space<semaphore_mem>>)
      %dma_wait3A_99 = arith.constant 0 : i32
      %dma_wait3A_100 = tpu.memref_slice %arg3[%run_scoped3A_55, %add3A_53, %dma_wait3A_99] : memref<2x2560x128xi32, #tpu.memory_space<hbm>> -> memref<1x40x128xi32, #tpu.memory_space<hbm>>
      %dma_wait3A_101 = tpu.memref_squeeze %dma_wait3A_100 : memref<1x40x128xi32, #tpu.memory_space<hbm>> -> memref<40x128xi32, #tpu.memory_space<hbm>>
      %dma_wait3A_102 = arith.constant 0 : i32
      %dma_wait3A_103 = tpu.memref_slice %arg3[%run_scoped3A_55, %add3A_53, %dma_wait3A_102] : memref<2x2560x128xi32, #tpu.memory_space<hbm>> -> memref<1x40x128xi32, #tpu.memory_space<hbm>>
      %dma_wait3A_104 = tpu.memref_squeeze %dma_wait3A_103 : memref<1x40x128xi32, #tpu.memory_space<hbm>> -> memref<40x128xi32, #tpu.memory_space<hbm>>
      tpu.wait_dma2 semaphore(%run_scoped3A_92 : memref<!tpu.dma_semaphore, #tpu.memory_space<semaphore_mem>>) src(%dma_wait3A_104 : memref<40x128xi32, #tpu.memory_space<hbm>>) dst(%arg6 : memref<40x128xi32, #tpu.memory_space<vmem>>)
      tpu.yield
    }) : () -> ()
    %dma_start3A_56 = arith.constant 0 : i32
    %dma_start3A_57 = arith.constant 0 : i32
    %dma_start3A_58 = tpu.memref_slice %arg5[%dma_start3A_56, %dma_start3A_57] : memref<40x128xi32, #tpu.memory_space<vmem>> -> memref<1x128xi32, #tpu.memory_space<vmem>>
    %dma_start3A_59 = tpu.memref_squeeze %dma_start3A_58 : memref<1x128xi32, #tpu.memory_space<vmem>> -> memref<128xi32, #tpu.memory_space<vmem>>
    %dma_start3A_60 = arith.constant 0 : i32
    %dma_start3A_61 = arith.constant 0 : i32
    %dma_start3A_62 = tpu.memref_slice %arg2[%dma_start3A_60, %dma_start3A_61] : memref<10000x128xf32, #tpu.memory_space<hbm>> -> memref<10000x128xf32, #tpu.memory_space<hbm>>
    tpu.enqueue_indirect_dma source(%dma_start3A_62 : memref<10000x128xf32, #tpu.memory_space<hbm>>) target(%arg7 : memref<128x128xf32, #tpu.memory_space<vmem>>) offsets(%dma_start3A_59 : memref<128xi32, #tpu.memory_space<vmem>>) semaphore(%arg9 : memref<!tpu.dma_semaphore, #tpu.memory_space<semaphore_mem>>)
    %dma_start3A_63 = arith.constant 1 : i32
    %dma_start3A_64 = arith.constant 0 : i32
    %dma_start3A_65 = tpu.memref_slice %arg5[%dma_start3A_63, %dma_start3A_64] : memref<40x128xi32, #tpu.memory_space<vmem>> -> memref<1x128xi32, #tpu.memory_space<vmem>>
    %dma_start3A_66 = tpu.memref_squeeze %dma_start3A_65 : memref<1x128xi32, #tpu.memory_space<vmem>> -> memref<128xi32, #tpu.memory_space<vmem>>
    %dma_start3A_67 = arith.constant 0 : i32
    %dma_start3A_68 = arith.constant 0 : i32
    %dma_start3A_69 = tpu.memref_slice %arg2[%dma_start3A_67, %dma_start3A_68] : memref<10000x128xf32, #tpu.memory_space<hbm>> -> memref<10000x128xf32, #tpu.memory_space<hbm>>
    tpu.enqueue_indirect_dma source(%dma_start3A_69 : memref<10000x128xf32, #tpu.memory_space<hbm>>) target(%arg8 : memref<128x128xf32, #tpu.memory_space<vmem>>) offsets(%dma_start3A_66 : memref<128xi32, #tpu.memory_space<vmem>>) semaphore(%arg10 : memref<!tpu.dma_semaphore, #tpu.memory_space<semaphore_mem>>)
    %scan3A_70 = arith.constant 0 : i32
    %scan3A_71 = arith.constant 19 : i32
    %scan3A_72 = arith.addi %scan3A_70, %scan3A_71 : i32
    %scan3A_73 = arith.constant 1 : i32
    scf.for %scan3A_92 = %scan3A_70 to %scan3A_72 step %scan3A_73  : i32 {
      %mul3A_93 = arith.constant 2 : i32
      %mul3A_94 = arith.muli %scan3A_92, %mul3A_93 : i32
      %add3A_95 = arith.constant 0 : i32
      %add3A_96 = arith.addi %add3A_95, %mul3A_94 : i32
      %dma_wait3A_97 = arith.constant 0 : i32
      %dma_wait3A_98 = tpu.memref_slice %arg5[%add3A_96, %dma_wait3A_97] : memref<40x128xi32, #tpu.memory_space<vmem>> -> memref<1x128xi32, #tpu.memory_space<vmem>>
      %dma_wait3A_99 = tpu.memref_squeeze %dma_wait3A_98 : memref<1x128xi32, #tpu.memory_space<vmem>> -> memref<128xi32, #tpu.memory_space<vmem>>
      %dma_wait3A_100 = arith.constant 0 : i32
      %dma_wait3A_101 = arith.constant 0 : i32
      %dma_wait3A_102 = tpu.memref_slice %arg2[%dma_wait3A_100, %dma_wait3A_101] : memref<10000x128xf32, #tpu.memory_space<hbm>> -> memref<10000x128xf32, #tpu.memory_space<hbm>>
      tpu.wait_indirect_dma semaphore(%arg9 : memref<!tpu.dma_semaphore, #tpu.memory_space<semaphore_mem>>) src(%dma_wait3A_102 : memref<10000x128xf32, #tpu.memory_space<hbm>>) dst(%arg7 : memref<128x128xf32, #tpu.memory_space<vmem>>)
      "tpu.region"() ({
        %run_scoped3A_129 = tpu.sem_alloc : memref<!tpu.dma_semaphore, #tpu.memory_space<semaphore_mem>>
        %dma_start3A_130 = arith.constant 0 : i32
        %dma_start3A_131 = tpu.memref_slice %arg6[%add3A_96, %dma_start3A_130] : memref<40x128xi32, #tpu.memory_space<vmem>> -> memref<1x128xi32, #tpu.memory_space<vmem>>
        %dma_start3A_132 = tpu.memref_squeeze %dma_start3A_131 : memref<1x128xi32, #tpu.memory_space<vmem>> -> memref<128xi32, #tpu.memory_space<vmem>>
        %dma_start3A_133 = arith.constant 0 : i32
        %dma_start3A_134 = arith.constant 0 : i32
        %dma_start3A_135 = tpu.memref_slice %arg11[%dma_start3A_133, %dma_start3A_134] : memref<10240x128xf32, #tpu.memory_space<vmem_shared>> -> memref<10240x128xf32, #tpu.memory_space<vmem_shared>>
        tpu.enqueue_indirect_dma source(%arg7 : memref<128x128xf32, #tpu.memory_space<vmem>>) target(%dma_start3A_135 : memref<10240x128xf32, #tpu.memory_space<vmem_shared>>) offsets(%dma_start3A_132 : memref<128xi32, #tpu.memory_space<vmem>>) semaphore(%run_scoped3A_129 : memref<!tpu.dma_semaphore, #tpu.memory_space<semaphore_mem>>) {add = true}
        %dma_wait3A_136 = arith.constant 0 : i32
        %dma_wait3A_137 = tpu.memref_slice %arg6[%add3A_96, %dma_wait3A_136] : memref<40x128xi32, #tpu.memory_space<vmem>> -> memref<1x128xi32, #tpu.memory_space<vmem>>
        %dma_wait3A_138 = tpu.memref_squeeze %dma_wait3A_137 : memref<1x128xi32, #tpu.memory_space<vmem>> -> memref<128xi32, #tpu.memory_space<vmem>>
        %dma_wait3A_139 = arith.constant 0 : i32
        %dma_wait3A_140 = arith.constant 0 : i32
        %dma_wait3A_141 = tpu.memref_slice %arg11[%dma_wait3A_139, %dma_wait3A_140] : memref<10240x128xf32, #tpu.memory_space<vmem_shared>> -> memref<10240x128xf32, #tpu.memory_space<vmem_shared>>
        tpu.wait_indirect_dma semaphore(%run_scoped3A_129 : memref<!tpu.dma_semaphore, #tpu.memory_space<semaphore_mem>>) src(%arg7 : memref<128x128xf32, #tpu.memory_space<vmem>>) dst(%dma_wait3A_141 : memref<10240x128xf32, #tpu.memory_space<vmem_shared>>)
        tpu.yield
      }) : () -> ()
      %add3A_103 = arith.constant 2 : i32
      %add3A_104 = arith.addi %add3A_96, %add3A_103 : i32
      %dma_start3A_105 = arith.constant 0 : i32
      %dma_start3A_106 = tpu.memref_slice %arg5[%add3A_104, %dma_start3A_105] : memref<40x128xi32, #tpu.memory_space<vmem>> -> memref<1x128xi32, #tpu.memory_space<vmem>>
      %dma_start3A_107 = tpu.memref_squeeze %dma_start3A_106 : memref<1x128xi32, #tpu.memory_space<vmem>> -> memref<128xi32, #tpu.memory_space<vmem>>
      %dma_start3A_108 = arith.constant 0 : i32
      %dma_start3A_109 = arith.constant 0 : i32
      %dma_start3A_110 = tpu.memref_slice %arg2[%dma_start3A_108, %dma_start3A_109] : memref<10000x128xf32, #tpu.memory_space<hbm>> -> memref<10000x128xf32, #tpu.memory_space<hbm>>
      tpu.enqueue_indirect_dma source(%dma_start3A_110 : memref<10000x128xf32, #tpu.memory_space<hbm>>) target(%arg7 : memref<128x128xf32, #tpu.memory_space<vmem>>) offsets(%dma_start3A_107 : memref<128xi32, #tpu.memory_space<vmem>>) semaphore(%arg9 : memref<!tpu.dma_semaphore, #tpu.memory_space<semaphore_mem>>)
      %add3A_111 = arith.constant 1 : i32
      %add3A_112 = arith.addi %add3A_96, %add3A_111 : i32
      %dma_wait3A_113 = arith.constant 0 : i32
      %dma_wait3A_114 = tpu.memref_slice %arg5[%add3A_112, %dma_wait3A_113] : memref<40x128xi32, #tpu.memory_space<vmem>> -> memref<1x128xi32, #tpu.memory_space<vmem>>
      %dma_wait3A_115 = tpu.memref_squeeze %dma_wait3A_114 : memref<1x128xi32, #tpu.memory_space<vmem>> -> memref<128xi32, #tpu.memory_space<vmem>>
      %dma_wait3A_116 = arith.constant 0 : i32
      %dma_wait3A_117 = arith.constant 0 : i32
      %dma_wait3A_118 = tpu.memref_slice %arg2[%dma_wait3A_116, %dma_wait3A_117] : memref<10000x128xf32, #tpu.memory_space<hbm>> -> memref<10000x128xf32, #tpu.memory_space<hbm>>
      tpu.wait_indirect_dma semaphore(%arg10 : memref<!tpu.dma_semaphore, #tpu.memory_space<semaphore_mem>>) src(%dma_wait3A_118 : memref<10000x128xf32, #tpu.memory_space<hbm>>) dst(%arg8 : memref<128x128xf32, #tpu.memory_space<vmem>>)
      %add3A_119 = arith.constant 1 : i32
      %add3A_120 = arith.addi %add3A_96, %add3A_119 : i32
      "tpu.region"() ({
        %run_scoped3A_129 = tpu.sem_alloc : memref<!tpu.dma_semaphore, #tpu.memory_space<semaphore_mem>>
        %dma_start3A_130 = arith.constant 0 : i32
        %dma_start3A_131 = tpu.memref_slice %arg6[%add3A_120, %dma_start3A_130] : memref<40x128xi32, #tpu.memory_space<vmem>> -> memref<1x128xi32, #tpu.memory_space<vmem>>
        %dma_start3A_132 = tpu.memref_squeeze %dma_start3A_131 : memref<1x128xi32, #tpu.memory_space<vmem>> -> memref<128xi32, #tpu.memory_space<vmem>>
        %dma_start3A_133 = arith.constant 0 : i32
        %dma_start3A_134 = arith.constant 0 : i32
        %dma_start3A_135 = tpu.memref_slice %arg11[%dma_start3A_133, %dma_start3A_134] : memref<10240x128xf32, #tpu.memory_space<vmem_shared>> -> memref<10240x128xf32, #tpu.memory_space<vmem_shared>>
        tpu.enqueue_indirect_dma source(%arg8 : memref<128x128xf32, #tpu.memory_space<vmem>>) target(%dma_start3A_135 : memref<10240x128xf32, #tpu.memory_space<vmem_shared>>) offsets(%dma_start3A_132 : memref<128xi32, #tpu.memory_space<vmem>>) semaphore(%run_scoped3A_129 : memref<!tpu.dma_semaphore, #tpu.memory_space<semaphore_mem>>) {add = true}
        %dma_wait3A_136 = arith.constant 0 : i32
        %dma_wait3A_137 = tpu.memref_slice %arg6[%add3A_120, %dma_wait3A_136] : memref<40x128xi32, #tpu.memory_space<vmem>> -> memref<1x128xi32, #tpu.memory_space<vmem>>
        %dma_wait3A_138 = tpu.memref_squeeze %dma_wait3A_137 : memref<1x128xi32, #tpu.memory_space<vmem>> -> memref<128xi32, #tpu.memory_space<vmem>>
        %dma_wait3A_139 = arith.constant 0 : i32
        %dma_wait3A_140 = arith.constant 0 : i32
        %dma_wait3A_141 = tpu.memref_slice %arg11[%dma_wait3A_139, %dma_wait3A_140] : memref<10240x128xf32, #tpu.memory_space<vmem_shared>> -> memref<10240x128xf32, #tpu.memory_space<vmem_shared>>
        tpu.wait_indirect_dma semaphore(%run_scoped3A_129 : memref<!tpu.dma_semaphore, #tpu.memory_space<semaphore_mem>>) src(%arg8 : memref<128x128xf32, #tpu.memory_space<vmem>>) dst(%dma_wait3A_141 : memref<10240x128xf32, #tpu.memory_space<vmem_shared>>)
        tpu.yield
      }) : () -> ()
      %add3A_121 = arith.constant 3 : i32
      %add3A_122 = arith.addi %add3A_96, %add3A_121 : i32
      %dma_start3A_123 = arith.constant 0 : i32
      %dma_start3A_124 = tpu.memref_slice %arg5[%add3A_122, %dma_start3A_123] : memref<40x128xi32, #tpu.memory_space<vmem>> -> memref<1x128xi32, #tpu.memory_space<vmem>>
      %dma_start3A_125 = tpu.memref_squeeze %dma_start3A_124 : memref<1x128xi32, #tpu.memory_space<vmem>> -> memref<128xi32, #tpu.memory_space<vmem>>
      %dma_start3A_126 = arith.constant 0 : i32
      %dma_start3A_127 = arith.constant 0 : i32
      %dma_start3A_128 = tpu.memref_slice %arg2[%dma_start3A_126, %dma_start3A_127] : memref<10000x128xf32, #tpu.memory_space<hbm>> -> memref<10000x128xf32, #tpu.memory_space<hbm>>
      tpu.enqueue_indirect_dma source(%dma_start3A_128 : memref<10000x128xf32, #tpu.memory_space<hbm>>) target(%arg8 : memref<128x128xf32, #tpu.memory_space<vmem>>) offsets(%dma_start3A_125 : memref<128xi32, #tpu.memory_space<vmem>>) semaphore(%arg10 : memref<!tpu.dma_semaphore, #tpu.memory_space<semaphore_mem>>)
    }
    %scan3A_74 = arith.constant 19 : i32
    %dma_wait3A_75 = arith.constant 38 : i32
    %dma_wait3A_76 = arith.constant 0 : i32
    %dma_wait3A_77 = tpu.memref_slice %arg5[%dma_wait3A_75, %dma_wait3A_76] : memref<40x128xi32, #tpu.memory_space<vmem>> -> memref<1x128xi32, #tpu.memory_space<vmem>>
    %dma_wait3A_78 = tpu.memref_squeeze %dma_wait3A_77 : memref<1x128xi32, #tpu.memory_space<vmem>> -> memref<128xi32, #tpu.memory_space<vmem>>
    %dma_wait3A_79 = arith.constant 0 : i32
    %dma_wait3A_80 = arith.constant 0 : i32
    %dma_wait3A_81 = tpu.memref_slice %arg2[%dma_wait3A_79, %dma_wait3A_80] : memref<10000x128xf32, #tpu.memory_space<hbm>> -> memref<10000x128xf32, #tpu.memory_space<hbm>>
    tpu.wait_indirect_dma semaphore(%arg9 : memref<!tpu.dma_semaphore, #tpu.memory_space<semaphore_mem>>) src(%dma_wait3A_81 : memref<10000x128xf32, #tpu.memory_space<hbm>>) dst(%arg7 : memref<128x128xf32, #tpu.memory_space<vmem>>)
    %run_scoped3A_82 = arith.constant 38 : i32
    "tpu.region"() ({
      %run_scoped3A_92 = tpu.sem_alloc : memref<!tpu.dma_semaphore, #tpu.memory_space<semaphore_mem>>
      %dma_start3A_93 = arith.constant 0 : i32
      %dma_start3A_94 = tpu.memref_slice %arg6[%run_scoped3A_82, %dma_start3A_93] : memref<40x128xi32, #tpu.memory_space<vmem>> -> memref<1x128xi32, #tpu.memory_space<vmem>>
      %dma_start3A_95 = tpu.memref_squeeze %dma_start3A_94 : memref<1x128xi32, #tpu.memory_space<vmem>> -> memref<128xi32, #tpu.memory_space<vmem>>
      %dma_start3A_96 = arith.constant 0 : i32
      %dma_start3A_97 = arith.constant 0 : i32
      %dma_start3A_98 = tpu.memref_slice %arg11[%dma_start3A_96, %dma_start3A_97] : memref<10240x128xf32, #tpu.memory_space<vmem_shared>> -> memref<10240x128xf32, #tpu.memory_space<vmem_shared>>
      tpu.enqueue_indirect_dma source(%arg7 : memref<128x128xf32, #tpu.memory_space<vmem>>) target(%dma_start3A_98 : memref<10240x128xf32, #tpu.memory_space<vmem_shared>>) offsets(%dma_start3A_95 : memref<128xi32, #tpu.memory_space<vmem>>) semaphore(%run_scoped3A_92 : memref<!tpu.dma_semaphore, #tpu.memory_space<semaphore_mem>>) {add = true}
      %dma_wait3A_99 = arith.constant 0 : i32
      %dma_wait3A_100 = tpu.memref_slice %arg6[%run_scoped3A_82, %dma_wait3A_99] : memref<40x128xi32, #tpu.memory_space<vmem>> -> memref<1x128xi32, #tpu.memory_space<vmem>>
      %dma_wait3A_101 = tpu.memref_squeeze %dma_wait3A_100 : memref<1x128xi32, #tpu.memory_space<vmem>> -> memref<128xi32, #tpu.memory_space<vmem>>
      %dma_wait3A_102 = arith.constant 0 : i32
      %dma_wait3A_103 = arith.constant 0 : i32
      %dma_wait3A_104 = tpu.memref_slice %arg11[%dma_wait3A_102, %dma_wait3A_103] : memref<10240x128xf32, #tpu.memory_space<vmem_shared>> -> memref<10240x128xf32, #tpu.memory_space<vmem_shared>>
      tpu.wait_indirect_dma semaphore(%run_scoped3A_92 : memref<!tpu.dma_semaphore, #tpu.memory_space<semaphore_mem>>) src(%arg7 : memref<128x128xf32, #tpu.memory_space<vmem>>) dst(%dma_wait3A_104 : memref<10240x128xf32, #tpu.memory_space<vmem_shared>>)
      tpu.yield
    }) : () -> ()
    %dma_wait3A_83 = arith.constant 39 : i32
    %dma_wait3A_84 = arith.constant 0 : i32
    %dma_wait3A_85 = tpu.memref_slice %arg5[%dma_wait3A_83, %dma_wait3A_84] : memref<40x128xi32, #tpu.memory_space<vmem>> -> memref<1x128xi32, #tpu.memory_space<vmem>>
    %dma_wait3A_86 = tpu.memref_squeeze %dma_wait3A_85 : memref<1x128xi32, #tpu.memory_space<vmem>> -> memref<128xi32, #tpu.memory_space<vmem>>
    %dma_wait3A_87 = arith.constant 0 : i32
    %dma_wait3A_88 = arith.constant 0 : i32
    %dma_wait3A_89 = tpu.memref_slice %arg2[%dma_wait3A_87, %dma_wait3A_88] : memref<10000x128xf32, #tpu.memory_space<hbm>> -> memref<10000x128xf32, #tpu.memory_space<hbm>>
    tpu.wait_indirect_dma semaphore(%arg10 : memref<!tpu.dma_semaphore, #tpu.memory_space<semaphore_mem>>) src(%dma_wait3A_89 : memref<10000x128xf32, #tpu.memory_space<hbm>>) dst(%arg8 : memref<128x128xf32, #tpu.memory_space<vmem>>)
    %run_scoped3A_90 = arith.constant 39 : i32
    "tpu.region"() ({
      %run_scoped3A_92 = tpu.sem_alloc : memref<!tpu.dma_semaphore, #tpu.memory_space<semaphore_mem>>
      %dma_start3A_93 = arith.constant 0 : i32
      %dma_start3A_94 = tpu.memref_slice %arg6[%run_scoped3A_90, %dma_start3A_93] : memref<40x128xi32, #tpu.memory_space<vmem>> -> memref<1x128xi32, #tpu.memory_space<vmem>>
      %dma_start3A_95 = tpu.memref_squeeze %dma_start3A_94 : memref<1x128xi32, #tpu.memory_space<vmem>> -> memref<128xi32, #tpu.memory_space<vmem>>
      %dma_start3A_96 = arith.constant 0 : i32
      %dma_start3A_97 = arith.constant 0 : i32
      %dma_start3A_98 = tpu.memref_slice %arg11[%dma_start3A_96, %dma_start3A_97] : memref<10240x128xf32, #tpu.memory_space<vmem_shared>> -> memref<10240x128xf32, #tpu.memory_space<vmem_shared>>
      tpu.enqueue_indirect_dma source(%arg8 : memref<128x128xf32, #tpu.memory_space<vmem>>) target(%dma_start3A_98 : memref<10240x128xf32, #tpu.memory_space<vmem_shared>>) offsets(%dma_start3A_95 : memref<128xi32, #tpu.memory_space<vmem>>) semaphore(%run_scoped3A_92 : memref<!tpu.dma_semaphore, #tpu.memory_space<semaphore_mem>>) {add = true}
      %dma_wait3A_99 = arith.constant 0 : i32
      %dma_wait3A_100 = tpu.memref_slice %arg6[%run_scoped3A_90, %dma_wait3A_99] : memref<40x128xi32, #tpu.memory_space<vmem>> -> memref<1x128xi32, #tpu.memory_space<vmem>>
      %dma_wait3A_101 = tpu.memref_squeeze %dma_wait3A_100 : memref<1x128xi32, #tpu.memory_space<vmem>> -> memref<128xi32, #tpu.memory_space<vmem>>
      %dma_wait3A_102 = arith.constant 0 : i32
      %dma_wait3A_103 = arith.constant 0 : i32
      %dma_wait3A_104 = tpu.memref_slice %arg11[%dma_wait3A_102, %dma_wait3A_103] : memref<10240x128xf32, #tpu.memory_space<vmem_shared>> -> memref<10240x128xf32, #tpu.memory_space<vmem_shared>>
      tpu.wait_indirect_dma semaphore(%run_scoped3A_92 : memref<!tpu.dma_semaphore, #tpu.memory_space<semaphore_mem>>) src(%arg8 : memref<128x128xf32, #tpu.memory_space<vmem>>) dst(%dma_wait3A_104 : memref<10240x128xf32, #tpu.memory_space<vmem_shared>>)
      tpu.yield
    }) : () -> ()
    %barrier3A_91 = arith.constant 0 : index
    tpu.barrier barrier_id(%barrier3A_91)
    "tpu.region"() ({
      %run_scoped3A_92 = tpu.sem_alloc : memref<!tpu.dma_semaphore, #tpu.memory_space<semaphore_mem>>
      %dma_start3A_93 = arith.constant 0 : i32
      %dma_start3A_94 = tpu.memref_slice %arg4[%arg0, %mul3A_6, %dma_start3A_93] : memref<2x10240x128xf32, #tpu.memory_space<hbm>> -> memref<1x640x128xf32, #tpu.memory_space<hbm>>
      %dma_start3A_95 = tpu.memref_squeeze %dma_start3A_94 : memref<1x640x128xf32, #tpu.memory_space<hbm>> -> memref<640x128xf32, #tpu.memory_space<hbm>>
      %dma_start3A_96 = arith.constant 0 : i32
      %dma_start3A_97 = tpu.memref_slice %arg11[%mul3A_6, %dma_start3A_96] : memref<10240x128xf32, #tpu.memory_space<vmem_shared>> -> memref<640x128xf32, #tpu.memory_space<vmem_shared>>
      tpu.enqueue_dma source(%dma_start3A_97 : memref<640x128xf32, #tpu.memory_space<vmem_shared>>) target(%dma_start3A_95 : memref<640x128xf32, #tpu.memory_space<hbm>>) target_semaphore(%run_scoped3A_92 : memref<!tpu.dma_semaphore, #tpu.memory_space<semaphore_mem>>)
      %dma_wait3A_98 = arith.constant 0 : i32
      %dma_wait3A_99 = tpu.memref_slice %arg4[%arg0, %mul3A_6, %dma_wait3A_98] : memref<2x10240x128xf32, #tpu.memory_space<hbm>> -> memref<1x640x128xf32, #tpu.memory_space<hbm>>
      %dma_wait3A_100 = tpu.memref_squeeze %dma_wait3A_99 : memref<1x640x128xf32, #tpu.memory_space<hbm>> -> memref<640x128xf32, #tpu.memory_space<hbm>>
      %dma_wait3A_101 = arith.constant 0 : i32
      %dma_wait3A_102 = tpu.memref_slice %arg11[%mul3A_6, %dma_wait3A_101] : memref<10240x128xf32, #tpu.memory_space<vmem_shared>> -> memref<640x128xf32, #tpu.memory_space<vmem_shared>>
      tpu.wait_dma2 semaphore(%run_scoped3A_92 : memref<!tpu.dma_semaphore, #tpu.memory_space<semaphore_mem>>) src(%dma_wait3A_102 : memref<640x128xf32, #tpu.memory_space<vmem_shared>>) dst(%dma_wait3A_100 : memref<640x128xf32, #tpu.memory_space<hbm>>)
      tpu.yield
    }) : () -> ()
    return
  }
}

module attributes {stable_mosaic.version = 14 : i64} {
  func.func @body(%arg0: i32, %arg1: memref<5000x128xf32, #tpu.memory_space<vmem>>, %arg2: memref<2x5000x1xf32, #tpu.memory_space<vmem>>, %arg3: memref<5000x128xf32, #tpu.memory_space<vmem>>, %arg4: memref<5000x1xf32, #tpu.memory_space<vmem>>) attributes {dimension_semantics = [#tpu.dimension_semantics<arbitrary>], iteration_bounds = array<i64: 2>, scalar_prefetch = 0 : i64, scratch_operands = 0 : i64, tpu.core_type = #tpu.core_type<tc>, window_params = [{transform_indices = @transform_0, window_bounds = array<i64: 5000, 128>}, {transform_indices = @transform_1, window_bounds = array<i64: 2, 5000, 1>}, {transform_indices = @transform_2, window_bounds = array<i64: 5000, 128>}, {transform_indices = @transform_3, window_bounds = array<i64: 5000, 1>}]} {
    %get3A = arith.constant 0 : index
    %get3A_0 = arith.constant 0 : index
    %get3A_1 = arith.constant 0 : index
    %get3A_2 = vector.load %arg2[%get3A, %get3A_0, %get3A_1] : memref<2x5000x1xf32, #tpu.memory_space<vmem>>, vector<1x5000x1xf32>
    %get3A_3 = vector.shape_cast %get3A_2 : vector<1x5000x1xf32> to vector<5000x1xf32>
    %get3A_4 = arith.constant 1 : index
    %get3A_5 = arith.constant 0 : index
    %get3A_6 = arith.constant 0 : index
    %get3A_7 = vector.load %arg2[%get3A_4, %get3A_5, %get3A_6] : memref<2x5000x1xf32, #tpu.memory_space<vmem>>, vector<1x5000x1xf32>
    %get3A_8 = vector.shape_cast %get3A_7 : vector<1x5000x1xf32> to vector<5000x1xf32>
    %add3A = arith.addf %get3A_3, %get3A_8 : vector<5000x1xf32>
    %add3A_9 = arith.constant 1.000000e+00 : f32
    %add3A_10 = vector.broadcast %add3A_9 : f32 to vector<5000x1xf32>
    %add3A_11 = arith.addf %add3A, %add3A_10 : vector<5000x1xf32>
    %rsqrt3A = math.rsqrt %add3A_11 : vector<5000x1xf32>
    %swap3A = arith.constant 0 : index
    %swap3A_12 = arith.constant 0 : index
    %swap3A_13 = vector.load %arg4[%swap3A, %swap3A_12] : memref<5000x1xf32, #tpu.memory_space<vmem>>, vector<5000x1xf32>
    tpu.vector_store %arg4[%swap3A, %swap3A_12], %rsqrt3A {strides = array<i32>} : memref<5000x1xf32, #tpu.memory_space<vmem>>, vector<5000x1xf32>,
    %get3A_14 = arith.constant 0 : index
    %get3A_15 = arith.constant 0 : index
    %get3A_16 = vector.load %arg1[%get3A_14, %get3A_15] : memref<5000x128xf32, #tpu.memory_space<vmem>>, vector<5000x128xf32>
    %mul3A = vector.broadcast %rsqrt3A : vector<5000x1xf32> to vector<5000x128xf32>
    %mul3A_17 = arith.mulf %get3A_16, %mul3A : vector<5000x128xf32>
    %swap3A_18 = arith.constant 0 : index
    %swap3A_19 = arith.constant 0 : index
    %swap3A_20 = vector.load %arg3[%swap3A_18, %swap3A_19] : memref<5000x128xf32, #tpu.memory_space<vmem>>, vector<5000x128xf32>
    tpu.vector_store %arg3[%swap3A_18, %swap3A_19], %mul3A_17 {strides = array<i32>} : memref<5000x128xf32, #tpu.memory_space<vmem>>, vector<5000x128xf32>,
    return
  }
  func.func @transform_0(%arg0: i32) -> (i32, i32) {
    %c0_i32 = arith.constant 0 : i32
    %c0_i32_0 = arith.constant 0 : i32
    return %arg0, %c0_i32 : i32, i32
  }
  func.func @transform_1(%arg0: i32) -> (i32, i32, i32) {
    %c0_i32 = arith.constant 0 : i32
    %c0_i32_0 = arith.constant 0 : i32
    %c0_i32_1 = arith.constant 0 : i32
    return %c0_i32, %arg0, %c0_i32_0 : i32, i32, i32
  }
  func.func @transform_2(%arg0: i32) -> (i32, i32) {
    %c0_i32 = arith.constant 0 : i32
    %c0_i32_0 = arith.constant 0 : i32
    return %arg0, %c0_i32 : i32, i32
  }
  func.func @transform_3(%arg0: i32) -> (i32, i32) {
    %c0_i32 = arith.constant 0 : i32
    %c0_i32_0 = arith.constant 0 : i32
    return %arg0, %c0_i32 : i32, i32
  }
}

module attributes {stable_mosaic.version = 14 : i64} {
  func.func @body(%arg0: i32, %arg1: memref<2x5000x128xf32, #tpu.memory_space<vmem>>, %arg2: memref<5000x128xf32, #tpu.memory_space<vmem>>, %arg3: memref<5000x1xf32, #tpu.memory_space<vmem>>, %arg4: memref<128x256xf32, #tpu.memory_space<vmem>>, %arg5: memref<1x256xf32, #tpu.memory_space<vmem>>, %arg6: memref<256x128xf32, #tpu.memory_space<vmem>>, %arg7: memref<5000x128xf32, #tpu.memory_space<vmem>>) attributes {dimension_semantics = [#tpu.dimension_semantics<arbitrary>], iteration_bounds = array<i64: 2>, scalar_prefetch = 0 : i64, scratch_operands = 0 : i64, tpu.core_type = #tpu.core_type<tc>, window_params = [{transform_indices = @transform_0, window_bounds = array<i64: 2, 5000, 128>}, {transform_indices = @transform_1, window_bounds = array<i64: 5000, 128>}, {transform_indices = @transform_2, window_bounds = array<i64: 5000, 1>}, {pipeline_mode = #tpu.pipeline_mode<synchronous>, transform_indices = @transform_3, window_bounds = array<i64: 128, 256>}, {pipeline_mode = #tpu.pipeline_mode<synchronous>, transform_indices = @transform_4, window_bounds = array<i64: 1, 256>}, {pipeline_mode = #tpu.pipeline_mode<synchronous>, transform_indices = @transform_5, window_bounds = array<i64: 256, 128>}, {transform_indices = @transform_6, window_bounds = array<i64: 5000, 128>}]} {
    %get3A = arith.constant 0 : index
    %get3A_0 = arith.constant 0 : index
    %get3A_1 = arith.constant 0 : index
    %get3A_2 = vector.load %arg1[%get3A, %get3A_0, %get3A_1] : memref<2x5000x128xf32, #tpu.memory_space<vmem>>, vector<1x5000x128xf32>
    %get3A_3 = vector.shape_cast %get3A_2 : vector<1x5000x128xf32> to vector<5000x128xf32>
    %get3A_4 = arith.constant 1 : index
    %get3A_5 = arith.constant 0 : index
    %get3A_6 = arith.constant 0 : index
    %get3A_7 = vector.load %arg1[%get3A_4, %get3A_5, %get3A_6] : memref<2x5000x128xf32, #tpu.memory_space<vmem>>, vector<1x5000x128xf32>
    %get3A_8 = vector.shape_cast %get3A_7 : vector<1x5000x128xf32> to vector<5000x128xf32>
    %add3A = arith.addf %get3A_3, %get3A_8 : vector<5000x128xf32>
    %get3A_9 = arith.constant 0 : index
    %get3A_10 = arith.constant 0 : index
    %get3A_11 = vector.load %arg2[%get3A_9, %get3A_10] : memref<5000x128xf32, #tpu.memory_space<vmem>>, vector<5000x128xf32>
    %add3A_12 = arith.addf %add3A, %get3A_11 : vector<5000x128xf32>
    %get3A_13 = arith.constant 0 : index
    %get3A_14 = arith.constant 0 : index
    %get3A_15 = vector.load %arg3[%get3A_13, %get3A_14] : memref<5000x1xf32, #tpu.memory_space<vmem>>, vector<5000x1xf32>
    %mul3A = vector.broadcast %get3A_15 : vector<5000x1xf32> to vector<5000x128xf32>
    %mul3A_16 = arith.mulf %add3A_12, %mul3A : vector<5000x128xf32>
    %get3A_17 = arith.constant 0 : index
    %get3A_18 = arith.constant 0 : index
    %get3A_19 = vector.load %arg4[%get3A_17, %get3A_18] : memref<128x256xf32, #tpu.memory_space<vmem>>, vector<128x256xf32>
    %dot_general3A = arith.constant dense<0.000000e+00> : vector<5000x256xf32>
    %dot_general3A_20 = tpu.matmul %mul3A_16, %get3A_19, %dot_general3A {dimension_numbers = #tpu.dot_dimension_numbers<[1], [0], [0], [1], [0, 0, 1, 1], [], []>, transpose_lhs_hint = false} : vector<5000x128xf32>, vector<128x256xf32>, vector<5000x256xf32> -> vector<5000x256xf32>
    %get3A_21 = arith.constant 0 : index
    %get3A_22 = arith.constant 0 : index
    %get3A_23 = vector.load %arg5[%get3A_21, %get3A_22] : memref<1x256xf32, #tpu.memory_space<vmem>>, vector<1x256xf32>
    %add3A_24 = vector.broadcast %get3A_23 : vector<1x256xf32> to vector<5000x256xf32>
    %add3A_25 = arith.addf %dot_general3A_20, %add3A_24 : vector<5000x256xf32>
    %max3A = arith.constant 0.000000e+00 : f32
    %max3A_26 = vector.broadcast %max3A : f32 to vector<5000x256xf32>
    %max3A_27 = arith.maximumf %add3A_25, %max3A_26 : vector<5000x256xf32>
    %get3A_28 = arith.constant 0 : index
    %get3A_29 = arith.constant 0 : index
    %get3A_30 = vector.load %arg6[%get3A_28, %get3A_29] : memref<256x128xf32, #tpu.memory_space<vmem>>, vector<256x128xf32>
    %dot_general3A_31 = arith.constant dense<0.000000e+00> : vector<5000x128xf32>
    %dot_general3A_32 = tpu.matmul %max3A_27, %get3A_30, %dot_general3A_31 {dimension_numbers = #tpu.dot_dimension_numbers<[1], [0], [0], [1], [0, 0, 1, 1], [], []>, transpose_lhs_hint = false} : vector<5000x256xf32>, vector<256x128xf32>, vector<5000x128xf32> -> vector<5000x128xf32>
    %get3A_33 = arith.constant 0 : index
    %get3A_34 = arith.constant 0 : index
    %get3A_35 = vector.load %arg3[%get3A_33, %get3A_34] : memref<5000x1xf32, #tpu.memory_space<vmem>>, vector<5000x1xf32>
    %mul3A_36 = vector.broadcast %get3A_35 : vector<5000x1xf32> to vector<5000x128xf32>
    %mul3A_37 = arith.mulf %dot_general3A_32, %mul3A_36 : vector<5000x128xf32>
    %swap3A = arith.constant 0 : index
    %swap3A_38 = arith.constant 0 : index
    %swap3A_39 = vector.load %arg7[%swap3A, %swap3A_38] : memref<5000x128xf32, #tpu.memory_space<vmem>>, vector<5000x128xf32>
    tpu.vector_store %arg7[%swap3A, %swap3A_38], %mul3A_37 {strides = array<i32>} : memref<5000x128xf32, #tpu.memory_space<vmem>>, vector<5000x128xf32>,
    return
  }
  func.func @transform_0(%arg0: i32) -> (i32, i32, i32) {
    %c0_i32 = arith.constant 0 : i32
    %c0_i32_0 = arith.constant 0 : i32
    %c0_i32_1 = arith.constant 0 : i32
    return %c0_i32, %arg0, %c0_i32_0 : i32, i32, i32
  }
  func.func @transform_1(%arg0: i32) -> (i32, i32) {
    %c0_i32 = arith.constant 0 : i32
    %c0_i32_0 = arith.constant 0 : i32
    return %arg0, %c0_i32 : i32, i32
  }
  func.func @transform_2(%arg0: i32) -> (i32, i32) {
    %c0_i32 = arith.constant 0 : i32
    %c0_i32_0 = arith.constant 0 : i32
    return %arg0, %c0_i32 : i32, i32
  }
  func.func @transform_3(%arg0: i32) -> (i32, i32) {
    %c0_i32 = arith.constant 0 : i32
    %c0_i32_0 = arith.constant 0 : i32
    %c0_i32_1 = arith.constant 0 : i32
    return %c0_i32, %c0_i32_0 : i32, i32
  }
  func.func @transform_4(%arg0: i32) -> (i32, i32) {
    %c0_i32 = arith.constant 0 : i32
    %c0_i32_0 = arith.constant 0 : i32
    %c0_i32_1 = arith.constant 0 : i32
    return %c0_i32, %c0_i32_0 : i32, i32
  }
  func.func @transform_5(%arg0: i32) -> (i32, i32) {
    %c0_i32 = arith.constant 0 : i32
    %c0_i32_0 = arith.constant 0 : i32
    %c0_i32_1 = arith.constant 0 : i32
    return %c0_i32, %c0_i32_0 : i32, i32
  }
  func.func @transform_6(%arg0: i32) -> (i32, i32) {
    %c0_i32 = arith.constant 0 : i32
    %c0_i32_0 = arith.constant 0 : i32
    return %arg0, %c0_i32 : i32, i32
  }
}

module attributes {stable_mosaic.version = 14 : i64} {
  func.func @body(%arg0: i32, %arg1: memref<2x5000x128xf32, #tpu.memory_space<vmem>>, %arg2: memref<5000x128xf32, #tpu.memory_space<vmem>>, %arg3: memref<5000x1xf32, #tpu.memory_space<vmem>>, %arg4: memref<1x128xf32, #tpu.memory_space<vmem>>, %arg5: memref<5000x128xf32, #tpu.memory_space<vmem>>) attributes {dimension_semantics = [#tpu.dimension_semantics<arbitrary>], iteration_bounds = array<i64: 2>, scalar_prefetch = 0 : i64, scratch_operands = 0 : i64, tpu.core_type = #tpu.core_type<tc>, window_params = [{transform_indices = @transform_0, window_bounds = array<i64: 2, 5000, 128>}, {transform_indices = @transform_1, window_bounds = array<i64: 5000, 128>}, {transform_indices = @transform_2, window_bounds = array<i64: 5000, 1>}, {pipeline_mode = #tpu.pipeline_mode<synchronous>, transform_indices = @transform_3, window_bounds = array<i64: 1, 128>}, {transform_indices = @transform_4, window_bounds = array<i64: 5000, 128>}]} {
    %get3A = arith.constant 0 : index
    %get3A_0 = arith.constant 0 : index
    %get3A_1 = arith.constant 0 : index
    %get3A_2 = vector.load %arg1[%get3A, %get3A_0, %get3A_1] : memref<2x5000x128xf32, #tpu.memory_space<vmem>>, vector<1x5000x128xf32>
    %get3A_3 = vector.shape_cast %get3A_2 : vector<1x5000x128xf32> to vector<5000x128xf32>
    %get3A_4 = arith.constant 1 : index
    %get3A_5 = arith.constant 0 : index
    %get3A_6 = arith.constant 0 : index
    %get3A_7 = vector.load %arg1[%get3A_4, %get3A_5, %get3A_6] : memref<2x5000x128xf32, #tpu.memory_space<vmem>>, vector<1x5000x128xf32>
    %get3A_8 = vector.shape_cast %get3A_7 : vector<1x5000x128xf32> to vector<5000x128xf32>
    %add3A = arith.addf %get3A_3, %get3A_8 : vector<5000x128xf32>
    %get3A_9 = arith.constant 0 : index
    %get3A_10 = arith.constant 0 : index
    %get3A_11 = vector.load %arg2[%get3A_9, %get3A_10] : memref<5000x128xf32, #tpu.memory_space<vmem>>, vector<5000x128xf32>
    %add3A_12 = arith.addf %add3A, %get3A_11 : vector<5000x128xf32>
    %get3A_13 = arith.constant 0 : index
    %get3A_14 = arith.constant 0 : index
    %get3A_15 = vector.load %arg3[%get3A_13, %get3A_14] : memref<5000x1xf32, #tpu.memory_space<vmem>>, vector<5000x1xf32>
    %mul3A = vector.broadcast %get3A_15 : vector<5000x1xf32> to vector<5000x128xf32>
    %mul3A_16 = arith.mulf %add3A_12, %mul3A : vector<5000x128xf32>
    %get3A_17 = arith.constant 0 : index
    %get3A_18 = arith.constant 0 : index
    %get3A_19 = vector.load %arg4[%get3A_17, %get3A_18] : memref<1x128xf32, #tpu.memory_space<vmem>>, vector<1x128xf32>
    %add3A_20 = vector.broadcast %get3A_19 : vector<1x128xf32> to vector<5000x128xf32>
    %add3A_21 = arith.addf %mul3A_16, %add3A_20 : vector<5000x128xf32>
    %swap3A = arith.constant 0 : index
    %swap3A_22 = arith.constant 0 : index
    %swap3A_23 = vector.load %arg5[%swap3A, %swap3A_22] : memref<5000x128xf32, #tpu.memory_space<vmem>>, vector<5000x128xf32>
    tpu.vector_store %arg5[%swap3A, %swap3A_22], %add3A_21 {strides = array<i32>} : memref<5000x128xf32, #tpu.memory_space<vmem>>, vector<5000x128xf32>,
    return
  }
  func.func @transform_0(%arg0: i32) -> (i32, i32, i32) {
    %c0_i32 = arith.constant 0 : i32
    %c0_i32_0 = arith.constant 0 : i32
    %c0_i32_1 = arith.constant 0 : i32
    return %c0_i32, %arg0, %c0_i32_0 : i32, i32, i32
  }
  func.func @transform_1(%arg0: i32) -> (i32, i32) {
    %c0_i32 = arith.constant 0 : i32
    %c0_i32_0 = arith.constant 0 : i32
    return %arg0, %c0_i32 : i32, i32
  }
  func.func @transform_2(%arg0: i32) -> (i32, i32) {
    %c0_i32 = arith.constant 0 : i32
    %c0_i32_0 = arith.constant 0 : i32
    return %arg0, %c0_i32 : i32, i32
  }
  func.func @transform_3(%arg0: i32) -> (i32, i32) {
    %c0_i32 = arith.constant 0 : i32
    %c0_i32_0 = arith.constant 0 : i32
    %c0_i32_1 = arith.constant 0 : i32
    return %c0_i32, %c0_i32_0 : i32, i32
  }
  func.func @transform_4(%arg0: i32) -> (i32, i32) {
    %c0_i32 = arith.constant 0 : i32
    %c0_i32_0 = arith.constant 0 : i32
    return %arg0, %c0_i32 : i32, i32
  }
}

</mosaic_0001>

<sc_bundles>
// kernel: kernel.11.cloned.1.call-start
scs
__scs_entry_jumppad:
0x0: {  	(pc) =	sbr.rel $0x88, $3  }
0x1: {  	(tag) =	ssettag $0x0;
	lr =	simm.s32 $0x1  }
0x2: {  	[smem:$0x3F9B] =	sst lr;
	_ =	strace $0xD0000000  }
0x3: {  	_ = 	snop  }
0x4: {  	_ = 	snop  }
0x5: {  	_ = 	snop  }
0x6: {  	_ = 	snop  }
0x7: {  	_ = 	snop  }
__scs_overlays_trampoline_lowered:
0x8: {  	[smem:$0x3FAA] =	sst s0  }
0x9: {  	[smem:$0x3FAB] =	sst s1  }
0xa: {  	[smem:$0x3FAC] =	sst s2  }
0xb: {  	[smem:$0x3FAD] =	sst s3  }
0xc: {  	[smem:$0x3FAE] =	sst s4  }
0xd: {  	[smem:$0x3FAF] =	sst s5  }
0xe: {  	[smem:$0x3FB0] =	sst s6  }
0xf: {  	[smem:$0x3FB1] =	sst s7  }
0x10: {  	[smem:$0x3FB2] =	sst s8  }
0x11: {  	[smem:$0x3FB3] =	sst s9;
	s0 =	simm.s32 @!p0 $0x0  }
0x12: {  	s1 =	sld [smem:$0x3F99];
	s0 =	simm.s32 @p0 $0x1  }
0x13: {  	[smem:$0x3FB4] =	sst s0;
	s0 =	simm.s32 @!p1 $0x0  }
0x14: {  	s2 =	sld [smem:$0x3F98];
	s0 =	simm.s32 @p1 $0x1  }
0x15: {  	[smem:$0x3FB5] =	sst s0;
	s0 =	simm.s32 @!p2 $0x0  }
0x16: {  	s3 =	sld [smem:$0x3FDB];
	s0 =	simm.s32 @p2 $0x1  }
0x17: {  	s4 =	simm.s32 $0x1BF5;
	[smem:$0x3FB7] =	sst s0  }
0x18: {  	s0 =	sld [smem:$0x3F9A];
	_ =	swait.ge [sflag:s4], $0x0  }
0x19: {  	s7 =	sld [smem:$0x3F9B]  }
0x1a: {  	s8 =	sadd.s32 $0xFFFFE003, lr  }
0x1b: {  	s9 =	sadd.s32 $0xFFFFFEF7, lr;
	s5 =	simm.s32 $0xFFFFFFFF;
	p2 =	slt.u32 s8, $0xFFFFF086  }
0x1c: {  	p1 =	slt.u32 s9, $0xF7A;
	s5 =	simm.s32 @!p2 $0x0  }
0x1d: {  	s5 =	simm.s32 @p1 $0x1;
	p0 =	seq.s32 s7, s2  }
0x1e: {  	s7 =	smul.u32 @!p0 $0xF7A, s2;
	p2 =	seq.s32 @!p0 s5, $0x0  }
0x1f: {  	s9 =	smul.u32 $0xF7A, s1;
	s8 =	simm.s32 @!p0 $0x1BF5;
	p2 =	por !p2, p0  }
0x20: {  	[sflag:s8] =	ssyncset.s32 @!p0 $0xFFFFF086;
	s6 =	sadd.s32 @!p0 s3, s7;
	s7 =	simm.s32 @!p0 $0x108  }
0x21: {  	s3 =	sadd.s32 s3, s9;
	s6 =	sadd.s32 @!p0 $0x88, s6;
	s7 =	simm.s32 @p2 $0x1082  }
0x22: {  	[simem:s7], [sflag:s8] =	dma.local @!p0 [hbm:s6], $0xF7A  }
0x23: {  	s9 =	sor.u32 $0xD0000000, s2;
	s6 =	simm.s32 $0x108;
	_ =	swait.ge @!p0 [sflag:s8], $0x0  }
0x24: {  	s3 =	sadd.s32 $0x88, s3;
	s6 =	simm.s32 @!p1 $0x1082;
	[sflag:s4] =	ssyncset.s32 $0xFFFFF086  }
0x25: {  	[simem:s6], [sflag:s4] =	dma.local [hbm:s3], $0xF7A  }
0x26: {  	[smem:$0x3F9B] =	sst s1;
	(tag) =	ssettag s2;
	_ =	strace s9  }
0x27: {  	s1 =	sld [smem:$0x3FAB]  }
0x28: {  	s2 =	sld [smem:$0x3FAC]  }
0x29: {  	s4 =	sld [smem:$0x3FAE]  }
0x2a: {  	p0 =	seq.s32 s5, $0x0;
	s5 =	sld [smem:$0x3FAF]  }
0x2b: {  	s6 =	sld [smem:$0x3FB0]  }
0x2c: {  	s7 =	sld [smem:$0x3FB1]  }
0x2d: {  	s3 =	simm.s32 $0x108;
	s8 =	sld [smem:$0x3FB2]  }
0x2e: {  	s3 =	simm.s32 @!p0 $0x1082;
	s9 =	sld [smem:$0x3FB3]  }
0x2f: {  	lr =	sadd.s32 s0, s3;
	s0 =	sld [smem:$0x3FAA]  }
0x30: {  	s3 =	sld [smem:$0x3FAD]  }
0x31: {  	[smem:$0x3FB6] =	sst s10  }
0x32: {  	s10 =	sld [smem:$0x3FB4];
	_ =	sdelay $0x3  }
0x33: {  	p0 =	seq.s32 s10, $0x1;
	s10 =	sld [smem:$0x3FB6];
	_ =	sdelay $0x3  }
0x34: {  	[smem:$0x3FB6] =	sst s10  }
0x35: {  	s10 =	sld [smem:$0x3FB5];
	_ =	sdelay $0x3  }
0x36: {  	p1 =	seq.s32 s10, $0x1;
	s10 =	sld [smem:$0x3FB6];
	_ =	sdelay $0x3  }
0x37: {  	[smem:$0x3FB6] =	sst s10  }
0x38: {  	s10 =	sld [smem:$0x3FB7]  }
0x39: {  	_ = 	snop;
	(pc) =	sbr.ind lr, $3  }
0x3a: {  	_ = 	snop  }
0x3b: {  	_ = 	snop  }
0x3c: {  	p2 =	seq.s32 s10, $0x1;
	s10 =	sld [smem:$0x3FB6]  }
0x3d: {  	_ =	shalt  }
0x3e: {  	_ =	shalt  }
0x3f: {  	_ =	shalt  }
0x40: {  	_ =	shalt  }
0x41: {  	_ =	shalt  }
0x42: {  	_ =	shalt  }
0x43: {  	_ =	shalt  }
0x44: {  	_ =	shalt  }
0x45: {  	_ =	shalt  }
0x46: {  	_ =	shalt  }
0x47: {  	_ =	shalt  }
0x48: {  	_ =	shalt  }
0x49: {  	_ =	shalt  }
0x4a: {  	_ =	shalt  }
0x4b: {  	_ =	shalt  }
0x4c: {  	_ =	shalt  }
0x4d: {  	_ =	shalt  }
0x4e: {  	_ =	shalt  }
0x4f: {  	_ =	shalt  }
0x50: {  	_ =	shalt  }
0x51: {  	_ =	shalt  }
0x52: {  	_ =	shalt  }
0x53: {  	_ =	shalt  }
0x54: {  	_ =	shalt  }
0x55: {  	_ =	shalt  }
0x56: {  	_ =	shalt  }
0x57: {  	_ =	shalt  }
0x58: {  	_ =	shalt  }
0x59: {  	_ =	shalt  }
0x5a: {  	_ =	shalt  }
0x5b: {  	_ =	shalt  }
0x5c: {  	_ =	shalt  }
0x5d: {  	_ =	shalt  }
0x5e: {  	_ =	shalt  }
0x5f: {  	_ =	shalt  }
0x60: {  	_ =	shalt  }
0x61: {  	_ =	shalt  }
0x62: {  	_ =	shalt  }
0x63: {  	_ =	shalt  }
0x64: {  	_ =	shalt  }
0x65: {  	_ =	shalt  }
0x66: {  	_ =	shalt  }
0x67: {  	_ =	shalt  }
0x68: {  	_ =	shalt  }
0x69: {  	_ =	shalt  }
0x6a: {  	_ =	shalt  }
0x6b: {  	_ =	shalt  }
0x6c: {  	_ =	shalt  }
0x6d: {  	_ =	shalt  }
0x6e: {  	_ =	shalt  }
0x6f: {  	_ =	shalt  }
0x70: {  	_ =	shalt  }
0x71: {  	_ =	shalt  }
0x72: {  	_ =	shalt  }
0x73: {  	_ =	shalt  }
0x74: {  	_ =	shalt  }
0x75: {  	_ =	shalt  }
0x76: {  	_ =	shalt  }
0x77: {  	_ =	shalt  }
0x78: {  	_ =	shalt  }
0x79: {  	_ =	shalt  }
0x7a: {  	_ =	shalt  }
0x7b: {  	_ =	shalt  }
0x7c: {  	_ =	shalt  }
0x7d: {  	_ =	shalt  }
0x7e: {  	_ =	shalt  }
0x7f: {  	_ =	shalt  }
0x80: {  	_ =	shalt  }
0x81: {  	_ =	shalt  }
0x82: {  	_ =	shalt  }
0x83: {  	_ =	shalt  }
0x84: {  	_ =	shalt  }
0x85: {  	_ =	shalt  }
0x86: {  	_ =	shalt  }
0x87: {  	_ =	shalt  }
.Lfunc_end0:
.L_simem_size_0:
called_computation.1_lowered:
.L_overlay_start_0:
0x88: {  	s2 =	sld [smem:$0x3FD9]  }
0x89: {  	s3 =	sld [smem:$0x3FFE];
	_ =	sdelay $0x1  }
0x8a: {  	s1 =	srdreg.scid  }
0x8b: {  	s0 =	sand.u32 $0x1, s1  }
0x8c: {  	s17 =	sshll.u32 s0, $0xA;
	s2 =	sadd.s32 s3, s2  }
0x8d: {  	s2 =	sadd.s32 s2, s17  }
0x8e: {  	[smem:$0x3FC2] =	sst s2  }
0x8f: {  	_ = 	snop  }
0x90: {  	s2 =	sld [smem:$0x3FD0];
	(tm) =	ssettm $0x1  }
0x91: {  	s18 =	sld [smem:$0x3FFB];
	_ =	sdelay $0x3  }
0x92: {  	_ =	strace s18  }
0x93: {  	s3 =	sld [smem:$0x3FFC];
	_ =	sdelay $0x3  }
0x94: {  	_ =	strace s3  }
0x95: {  	s3 =	sld [smem:$0x3FFD];
	_ =	sdelay $0x3  }
0x96: {  	_ =	strace s3  }
0x97: {  	_ =	strace $0x8FFFFFFF  }
0x98: {  	s19 =	sld [smem:$0x3FDB];
	_ =	sdelay $0x1  }
0x99: {  	s4 =	simm.s32 $_scs_section_size  }
0x9a: {  	s5 =	simm.s32 $_size__tile_overlayer_lowered;
	s6 =	simm.s32 $_tile_overlayer_lowered  }
0x9b: {  	s22 =	simm.s32 $0x1BFF;
	s21 =	sshll.u32 s6, $0x1;
	s3 =	sadd.s32 s4, s19  }
0x9c: {  	s7 =	simm.s32 $0x0;
	s20 =	sshll.u32 s5, $0x1;
	s5 =	sadd.s32 s21, s3  }
0x9d: {  	[timem:s7], [sflag:s22] =	dma.local [hbm:s5], s20  }
0x9e: {  	_ =	swait.ge [sflag:s22], s20  }
0x9f: {  	s4 =	ssub.s32 $0x0, s20;
	[sflag:s22] =	ssyncset.done $0x0  }
0xa0: {  	[sflag:s22] =	ssyncadd.s32 s4;
	_ =	sdelay $0x1  }
0xa1: {  	s23 =	simm.s32 $0x1B8B  }
0xa2: {  	_ =	swait.ge [sflag:s23], $0x1  }
0xa3: {  	[sflag:s23] =	ssyncset.done $0x0  }
0xa4: {  	s25 =	simm.s32 $0x1B8E;
	s24 =	sld [smem:$0x3FFE];
	[sflag:s23] =	ssyncadd.s32 $0xFFFFFFFF  }
0xa5: {  	s26 =	simm.s32 $execute0_lowered;
	[smem:$0x3FD2] =	sst s25  }
0xa6: {  	s5 =	sshll.u32 s26, $0x1;
	_ =	strace $0x80000049;
	[dreg:$0x1] =	wrdreg $0xFFFFFFFF  }
0xa7: {  	s28 =	simm.s32 $_size_execute0_lowered;
	s3 =	sadd.s32 s3, s5;
	[dreg:$0x0] =	wrdreg $0x0  }
0xa8: {  	s5 =	sshll.u32 s28, $0x1;
	[dreg:$0x2] =	wrdreg s3  }
0xa9: {  	[dreg:$0x3] =	wrdreg s5  }
0xaa: {  	[dreg:$0x4] =	wrdreg $0xC0  }
0xab: {  	_ =	task [dreg:s7], $0x5FFFF  }
0xac: {  	[dreg:$0x1] =	wrdreg $0xFFFFFFFF  }
0xad: {  	[dreg:$0x0] =	wrdreg $0x60  }
0xae: {  	[dreg:$0x2] =	wrdreg s2  }
0xaf: {  	[dreg:$0x3] =	wrdreg s24  }
0xb0: {  	[dreg:$0x4] =	wrdreg $0xA8000  }
0xb1: {  	[dreg:$0x5] =	wrdreg $0x9  }
0xb2: {  	_ =	task.clear_ibuf [dreg:s7], $0x6FFFF;
	_ =	strace $0x90000049  }
0xb3: {  	s29 =	simm.s32 $0x9;
	_ =	strace $0x8000004B  }
0xb4: {  	_ =	swait.ge [sflag:s29], $0x1  }
0xb5: {  	[sflag:s29] =	ssyncadd.s32 $0xFFFFFFFF  }
0xb6: {  	_ =	strace $0x9000004B  }
0xb7: {  	_ =	sfence  }
0xb8: {  	s30 =	sld [smem:$0x0];
	_ =	sdelay $0x2  }
0xb9: {  	s31 =	sshll.u32 s1, $0xD;
	s1 =	sshrl.u32 s1, $0x2  }
0xba: {  	s3 =	sand.u32 $0x4000, s31;
	s1 =	sadd.s32 s1, s30  }
0xbb: {  	s0 =	sor.u32 s3, s0;
	s1 =	sshll.u32 s1, $0x11  }
0xbc: {  	s0 =	sor.u32 s1, s0  }
0xbd: {  	s0 =	sadd.s32 $0x8F2B, s0  }
0xbe: {  	[sflag:s0] =	ssyncadd.remote.s32 $0x1  }
0xbf: {  	_ =	sfence.sel $0xFFFF  }
0xc0: {  	[dreg:$0x0] =	wrdreg $0xFFFFFFFF;
	(pc) =	sbr.abs _section_cstart, $3  }
0xc1: {  	[dreg:$0x1] =	wrdreg $0xFFFFFFFF  }
0xc2: {  	_ =	task.clear_ibuf [dreg:s7], $0x2FFFF;
	_ =	strace $0x9FFFFFFF  }
0xc3: {  	(tm) =	ssettm $0x7FFFFFFF  }
tec
execute0_lowered:
.L_overlay_start_1:
0x0: {  	(tag) =	ssettag $0x1  }
0x1: {  	s1 =	rddreg [dreg:$0x0]  }
0x2: {  	s2 =	srdreg.scid;
	s6 =	rddreg [dreg:$0x1]  }
0x3: {  	s0 =	stileid.u32;
	s3 =	rddreg [dreg:$0x2];
	s4 =	simm.s32 $0x0  }
0x4: {  	s16 =	simm.s32 $0x2800;
	s17 =	simm.s32 $0x3;
	s18 =	simm.s32 $0x1400  }
0x5: {  	s19 =	simm.s32 $0x80;
	s20 =	simm.s32 $0x6800;
	s21 =	simm.s32 $0x1  }
0x6: {  	s22 =	simm.s32 $0x2;
	s23 =	simm.s32 $0x2700;
	s9 =	smul.u32 $0x14000, s0  }
0x7: {  	s5 =	sand.u32 $0x1, s2;
	s26 =	sshll.u32 s0, $0x1;
	s28 =	smul.u32 $0x50000, s0  }
0x8: {  	s24 =	simm.s32 $0x2780;
	s2 =	sor.u32 s5, s26;
	s8 =	smul.u32 $0x140000, s5  }
0x9: {  	[smem:$0x7FF] =	sst s4;
	s5 =	ssub.s32 $0x2, s5;
	s7 =	smul.u32 $0x2800, s2  }
0xa: {  	s2 =	rddreg [dreg:$0x3];
	_ =	strace $0x8000004A;
	s30 =	sshrl.u32 s5, $0x1  }
0xb: {  	s31 =	sshrl.u32 s28, $0x2;
	s8 =	sadd.s32 s9, s8;
	s12 =	ssub.s32 s5, s30  }
0xc: {  	s5 =	sadd.s32 s31, s3;
	s7 =	sshrl.u32 s7, $0x3;
	s29 =	sshrl.u32 s8, $0x3  }
0xd: {  	s13 =	sadd.s32 $0x8000, s5;
	s14 =	sadd.s32 $0xC000, s5;
	s10 =	sadd.s32 s7, s6  }
0xe: {  	s15 =	sadd.s32 $0x10000, s5;
	s11 =	sadd.s32 s29, s6;
	s6 =	sadd.s32 $0x2A00, s10  }
0xf: {  	s7 =	sadd.s32 $0xCA00, s10;
	s8 =	sadd.s32 $0x2C80, s10;
	s9 =	sadd.s32 $0xCC80, s10  }
0x10: {  	v0 =	vimm.f32 $0.0e+00;
	s10 =	sadd.s32 $0x16A00, s11;
	s11 =	smax.u32 s12, $0x1;
	s12 =	sadd.s32 $0x4000, s5  }
.LBB2_1:
0x11: {  	s25 =	simm.s32 $0x0;
	s26 =	simm.s32 $0x200  }
.LBB2_2:
0x12: {  	p0 =	sne.s32 s26, $0xFE00;
	[tilespmem:s25+$0x2870] =	vst v0  }
0x13: {  	[tilespmem:s25+$0x2800] =	vst v0  }
0x14: {  	[tilespmem:s25+$0x2810] =	vst v0  }
.Ltmp0:
0x15: {  	[tilespmem:s25+$0x2820] =	vst v0;
	(pc) =	sbr.rel @p0 .LBB2_2-.Ltmp0, $4  }
0x16: {  	[tilespmem:s25+$0x2830] =	vst v0  }
0x17: {  	[tilespmem:s25+$0x2840] =	vst v0  }
0x18: {  	[tilespmem:s25+$0x2850] =	vst v0  }
0x19: {  	[tilespmem:s25+$0x2860] =	vst v0;
	s25 =	sshra.s32 s26, $0x2;
	s26 =	sadd.s32 $0x200, s26  }
0x1a: {  	[tilespmem:s25+$0x2870] =	vst v0  }
0x1b: {  	[tilespmem:s25+$0x2800] =	vst v0  }
0x1c: {  	[tilespmem:s25+$0x2810] =	vst v0  }
0x1d: {  	[tilespmem:s25+$0x2820] =	vst v0  }
0x1e: {  	[tilespmem:s25+$0x2830] =	vst v0  }
0x1f: {  	[tilespmem:s25+$0x2840] =	vst v0  }
0x20: {  	[tilespmem:s25+$0x2850] =	vst v0  }
0x21: {  	[tilespmem:s25+$0x2860] =	vst v0  }
0x22: {  	[spmem:s5] =	stream.linear.scatter [tilespmem:s16], [sflag:$0x3], $0x4000, $0x38;
	[tilespmem:$0x1E800] =	vst v63  }
0x23: {  	_ =	swait.ge [sflag:s17], $0x4000  }
0x24: {  	[sflag:s17] =	ssyncset.done $0x0  }
0x25: {  	[sflag:s17] =	ssyncadd.s32 $0xFFFFC000  }
0x26: {  	[spmem:s12] =	stream.linear.scatter [tilespmem:s16], [sflag:$0x3], $0x4000, $0x38;
	[tilespmem:$0x1E800] =	vst v63  }
0x27: {  	_ =	swait.ge [sflag:s17], $0x4000  }
0x28: {  	[sflag:s17] =	ssyncset.done $0x0  }
0x29: {  	[sflag:s17] =	ssyncadd.s32 $0xFFFFC000  }
0x2a: {  	[spmem:s13] =	stream.linear.scatter [tilespmem:s16], [sflag:$0x3], $0x4000, $0x38;
	[tilespmem:$0x1E800] =	vst v63  }
0x2b: {  	_ =	swait.ge [sflag:s17], $0x4000  }
0x2c: {  	[sflag:s17] =	ssyncset.done $0x0  }
0x2d: {  	[sflag:s17] =	ssyncadd.s32 $0xFFFFC000  }
0x2e: {  	[spmem:s14] =	stream.linear.scatter [tilespmem:s16], [sflag:$0x3], $0x4000, $0x38;
	[tilespmem:$0x1E800] =	vst v63  }
0x2f: {  	_ =	swait.ge [sflag:s17], $0x4000  }
0x30: {  	[sflag:s17] =	ssyncset.done $0x0  }
0x31: {  	[sflag:s17] =	ssyncadd.s32 $0xFFFFC000  }
0x32: {  	[spmem:s15] =	stream.linear.scatter [tilespmem:s16], [sflag:$0x3], $0x4000, $0x38;
	[tilespmem:$0x1E800] =	vst v63  }
0x33: {  	_ =	swait.ge [sflag:s17], $0x4000  }
0x34: {  	[sflag:s17] =	ssyncset.done $0x0  }
0x35: {  	[sflag:s17] =	ssyncadd.s32 $0xFFFFC000  }
0x36: {  	s28 =	simm.s32 $0x0;
	[bflag:$0x0] =	sbarrier.arrive $0xFFFF  }
0x37: {  	[tilespmem:s28], [sflag:$0x3] =	stream.linear.gather [hbm4b:s6+s28], $0x1400, $0x38;
	[tilespmem:$0x1E800] =	vst v63  }
0x38: {  	_ =	swait.ge [sflag:s17], $0x1400  }
0x39: {  	[sflag:s17] =	ssyncset.done $0x0  }
0x3a: {  	[sflag:s17] =	ssyncadd.s32 $0xFFFFEC00  }
0x3b: {  	[tilespmem:s18], [sflag:$0x3] =	stream.linear.gather [hbm4b:s7+s28], $0x1400, $0x38;
	[tilespmem:$0x1E800] =	vst v63  }
0x3c: {  	_ =	swait.ge [sflag:s17], $0x1400  }
0x3d: {  	[sflag:s17] =	ssyncset.done $0x0  }
0x3e: {  	[sflag:s17] =	ssyncadd.s32 $0xFFFFEC00  }
0x3f: {  	[tilespmem:s16], [sflag:$0x1] =	stream.indirect.gather [hbm4b:s1+s19], $0x80, s28, s19, $0xb8;
	[tilespmem:$0x1E800] =	vst v63  }
0x40: {  	_ = 	snop  }
0x41: {  	[tilespmem:s20], [sflag:$0x2] =	stream.indirect.gather [hbm4b:s1+s19], $0x80, s19, s19, $0xb8;
	[tilespmem:$0x1E800] =	vst v63  }
0x42: {  	_ =	swait.ge [sflag:s21], $0x4000  }
0x43: {  	[sflag:s21] =	ssyncset.done $0x0  }
0x44: {  	s29 =	simm.s32 $0x1400;
	[sflag:s21] =	ssyncadd.s32 $0xFFFFC000  }
0x45: {  	[spmem:s3] =	stream.indirect.scatter.add.f32 [tilespmem:s16], [sflag:$0x3], $0x80, s29, s19, $0xb8;
	[tilespmem:$0x1E800] =	vst v63  }
0x46: {  	_ =	swait.ge [sflag:s17], $0x4000  }
0x47: {  	[sflag:s17] =	ssyncset.done $0x0  }
0x48: {  	s30 =	simm.s32 $0x100;
	[sflag:s17] =	ssyncadd.s32 $0xFFFFC000  }
0x49: {  	[tilespmem:s16], [sflag:$0x1] =	stream.indirect.gather [hbm4b:s1+s19], $0x80, s30, s19, $0xb8;
	[tilespmem:$0x1E800] =	vst v63  }
0x4a: {  	_ =	swait.ge [sflag:s22], $0x4000  }
0x4b: {  	[sflag:s22] =	ssyncset.done $0x0  }
0x4c: {  	s31 =	simm.s32 $0x1480;
	[sflag:s22] =	ssyncadd.s32 $0xFFFFC000  }
0x4d: {  	[spmem:s3] =	stream.indirect.scatter.add.f32 [tilespmem:s20], [sflag:$0x3], $0x80, s31, s19, $0xb8;
	[tilespmem:$0x1E800] =	vst v63  }
0x4e: {  	_ =	swait.ge [sflag:s17], $0x4000  }
0x4f: {  	[sflag:s17] =	ssyncset.done $0x0  }
0x50: {  	s25 =	simm.s32 $0x400;
	s26 =	simm.s32 $0x180;
	[sflag:s17] =	ssyncadd.s32 $0xFFFFC000  }
.LBB2_4:
0x51: {  	[tilespmem:s20], [sflag:$0x2] =	stream.indirect.gather [hbm4b:s1+s19], $0x80, s26, s19, $0xb8;
	[tilespmem:$0x1E800] =	vst v63  }
0x52: {  	s26 =	smov.u32 s25  }
0x53: {  	p0 =	sne.s32 s25, $0x4800;
	s25 =	sadd.s32 $0x400, s25;
	_ =	swait.ge [sflag:s21], $0x4000  }
0x54: {  	s26 =	sshra.s32 s26, $0x2;
	[sflag:s21] =	ssyncset.done $0x0  }
0x55: {  	s28 =	sadd.s32 $0x1400, s26;
	[sflag:s21] =	ssyncadd.s32 $0xFFFFC000  }
0x56: {  	[spmem:s3] =	stream.indirect.scatter.add.f32 [tilespmem:s16], [sflag:$0x3], $0x80, s28, s19, $0xb8;
	[tilespmem:$0x1E800] =	vst v63  }
0x57: {  	_ =	swait.ge [sflag:s17], $0x4000  }
0x58: {  	[sflag:s17] =	ssyncset.done $0x0  }
0x59: {  	s28 =	sadd.s32 $0x100, s26;
	[sflag:s17] =	ssyncadd.s32 $0xFFFFC000  }
0x5a: {  	[tilespmem:s16], [sflag:$0x1] =	stream.indirect.gather [hbm4b:s1+s19], $0x80, s28, s19, $0xb8;
	[tilespmem:$0x1E800] =	vst v63  }
0x5b: {  	_ =	swait.ge [sflag:s22], $0x4000  }
0x5c: {  	[sflag:s22] =	ssyncset.done $0x0  }
.Ltmp1:
0x5d: {  	s28 =	sadd.s32 $0x1480, s26;
	[sflag:s22] =	ssyncadd.s32 $0xFFFFC000;
	(pc) =	sbr.rel @p0 .LBB2_4-.Ltmp1, $4  }
0x5e: {  	[spmem:s3] =	stream.indirect.scatter.add.f32 [tilespmem:s20], [sflag:$0x3], $0x80, s28, s19, $0xb8;
	[tilespmem:$0x1E800] =	vst v63  }
0x5f: {  	_ =	swait.ge [sflag:s17], $0x4000  }
0x60: {  	[sflag:s17] =	ssyncset.done $0x0  }
0x61: {  	s26 =	sadd.s32 $0x180, s26;
	[sflag:s17] =	ssyncadd.s32 $0xFFFFC000  }
0x62: {  	[tilespmem:s20], [sflag:$0x2] =	stream.indirect.gather [hbm4b:s1+s19], $0x80, s26, s19, $0xb8;
	[tilespmem:$0x1E800] =	vst v63  }
0x63: {  	_ =	swait.ge [sflag:s21], $0x4000  }
0x64: {  	[sflag:s21] =	ssyncset.done $0x0  }
0x65: {  	[sflag:s21] =	ssyncadd.s32 $0xFFFFC000  }
0x66: {  	[spmem:s3] =	stream.indirect.scatter.add.f32 [tilespmem:s16], [sflag:$0x3], $0x80, s23, s19, $0xb8;
	[tilespmem:$0x1E800] =	vst v63  }
0x67: {  	_ =	swait.ge [sflag:s17], $0x4000  }
0x68: {  	[sflag:s17] =	ssyncset.done $0x0  }
0x69: {  	[sflag:s17] =	ssyncadd.s32 $0xFFFFC000  }
0x6a: {  	_ =	swait.ge [sflag:s22], $0x4000  }
0x6b: {  	[sflag:s22] =	ssyncset.done $0x0  }
0x6c: {  	[sflag:s22] =	ssyncadd.s32 $0xFFFFC000  }
0x6d: {  	[spmem:s3] =	stream.indirect.scatter.add.f32 [tilespmem:s20], [sflag:$0x3], $0x80, s24, s19, $0xb8;
	[tilespmem:$0x1E800] =	vst v63  }
0x6e: {  	_ =	swait.ge [sflag:s17], $0x4000  }
0x6f: {  	[sflag:s17] =	ssyncset.done $0x0  }
0x70: {  	s25 =	simm.s32 $0x0;
	[sflag:s17] =	ssyncadd.s32 $0xFFFFC000  }
0x71: {  	[tilespmem:s25], [sflag:$0x3] =	stream.linear.gather [hbm4b:s8+s25], $0x1400, $0x38;
	[tilespmem:$0x1E800] =	vst v63  }
0x72: {  	_ =	swait.ge [sflag:s17], $0x1400  }
0x73: {  	[sflag:s17] =	ssyncset.done $0x0  }
0x74: {  	[sflag:s17] =	ssyncadd.s32 $0xFFFFEC00  }
0x75: {  	[tilespmem:s18], [sflag:$0x3] =	stream.linear.gather [hbm4b:s9+s25], $0x1400, $0x38;
	[tilespmem:$0x1E800] =	vst v63  }
0x76: {  	_ =	swait.ge [sflag:s17], $0x1400  }
0x77: {  	[sflag:s17] =	ssyncset.done $0x0  }
0x78: {  	[sflag:s17] =	ssyncadd.s32 $0xFFFFEC00  }
0x79: {  	[tilespmem:s16], [sflag:$0x1] =	stream.indirect.gather [hbm4b:s1+s19], $0x80, s25, s19, $0xb8;
	[tilespmem:$0x1E800] =	vst v63  }
0x7a: {  	_ = 	snop  }
0x7b: {  	[tilespmem:s20], [sflag:$0x2] =	stream.indirect.gather [hbm4b:s1+s19], $0x80, s19, s19, $0xb8;
	[tilespmem:$0x1E800] =	vst v63  }
0x7c: {  	_ =	swait.ge [sflag:s21], $0x4000  }
0x7d: {  	[sflag:s21] =	ssyncset.done $0x0  }
0x7e: {  	s29 =	simm.s32 $0x1400;
	[sflag:s21] =	ssyncadd.s32 $0xFFFFC000  }
0x7f: {  	[spmem:s3] =	stream.indirect.scatter.add.f32 [tilespmem:s16], [sflag:$0x3], $0x80, s29, s19, $0xb8;
	[tilespmem:$0x1E800] =	vst v63  }
0x80: {  	_ =	swait.ge [sflag:s17], $0x4000  }
0x81: {  	[sflag:s17] =	ssyncset.done $0x0  }
0x82: {  	s30 =	simm.s32 $0x100;
	[sflag:s17] =	ssyncadd.s32 $0xFFFFC000  }
0x83: {  	[tilespmem:s16], [sflag:$0x1] =	stream.indirect.gather [hbm4b:s1+s19], $0x80, s30, s19, $0xb8;
	[tilespmem:$0x1E800] =	vst v63  }
0x84: {  	_ =	swait.ge [sflag:s22], $0x4000  }
0x85: {  	[sflag:s22] =	ssyncset.done $0x0  }
0x86: {  	s31 =	simm.s32 $0x1480;
	[sflag:s22] =	ssyncadd.s32 $0xFFFFC000  }
0x87: {  	[spmem:s3] =	stream.indirect.scatter.add.f32 [tilespmem:s20], [sflag:$0x3], $0x80, s31, s19, $0xb8;
	[tilespmem:$0x1E800] =	vst v63  }
0x88: {  	_ =	swait.ge [sflag:s17], $0x4000  }
0x89: {  	[sflag:s17] =	ssyncset.done $0x0  }
0x8a: {  	s26 =	simm.s32 $0x180;
	s25 =	simm.s32 $0x400;
	[sflag:s17] =	ssyncadd.s32 $0xFFFFC000  }
.LBB2_6:
0x8b: {  	[tilespmem:s20], [sflag:$0x2] =	stream.indirect.gather [hbm4b:s1+s19], $0x80, s26, s19, $0xb8;
	[tilespmem:$0x1E800] =	vst v63  }
0x8c: {  	s26 =	smov.u32 s25  }
0x8d: {  	p0 =	sne.s32 s25, $0x4800;
	s25 =	sadd.s32 $0x400, s25;
	_ =	swait.ge [sflag:s21], $0x4000  }
0x8e: {  	s26 =	sshra.s32 s26, $0x2;
	[sflag:s21] =	ssyncset.done $0x0  }
0x8f: {  	s28 =	sadd.s32 $0x1400, s26;
	[sflag:s21] =	ssyncadd.s32 $0xFFFFC000  }
0x90: {  	[spmem:s3] =	stream.indirect.scatter.add.f32 [tilespmem:s16], [sflag:$0x3], $0x80, s28, s19, $0xb8;
	[tilespmem:$0x1E800] =	vst v63  }
0x91: {  	_ =	swait.ge [sflag:s17], $0x4000  }
0x92: {  	[sflag:s17] =	ssyncset.done $0x0  }
0x93: {  	s28 =	sadd.s32 $0x100, s26;
	[sflag:s17] =	ssyncadd.s32 $0xFFFFC000  }
0x94: {  	[tilespmem:s16], [sflag:$0x1] =	stream.indirect.gather [hbm4b:s1+s19], $0x80, s28, s19, $0xb8;
	[tilespmem:$0x1E800] =	vst v63  }
0x95: {  	_ =	swait.ge [sflag:s22], $0x4000  }
0x96: {  	[sflag:s22] =	ssyncset.done $0x0  }
.Ltmp2:
0x97: {  	s28 =	sadd.s32 $0x1480, s26;
	[sflag:s22] =	ssyncadd.s32 $0xFFFFC000;
	(pc) =	sbr.rel @p0 .LBB2_6-.Ltmp2, $4  }
0x98: {  	[spmem:s3] =	stream.indirect.scatter.add.f32 [tilespmem:s20], [sflag:$0x3], $0x80, s28, s19, $0xb8;
	[tilespmem:$0x1E800] =	vst v63  }
0x99: {  	_ =	swait.ge [sflag:s17], $0x4000  }
0x9a: {  	[sflag:s17] =	ssyncset.done $0x0  }
0x9b: {  	s26 =	sadd.s32 $0x180, s26;
	[sflag:s17] =	ssyncadd.s32 $0xFFFFC000  }
0x9c: {  	[tilespmem:s20], [sflag:$0x2] =	stream.indirect.gather [hbm4b:s1+s19], $0x80, s26, s19, $0xb8;
	[tilespmem:$0x1E800] =	vst v63  }
0x9d: {  	_ =	swait.ge [sflag:s21], $0x4000  }
0x9e: {  	[sflag:s21] =	ssyncset.done $0x0  }
0x9f: {  	[sflag:s21] =	ssyncadd.s32 $0xFFFFC000  }
0xa0: {  	[spmem:s3] =	stream.indirect.scatter.add.f32 [tilespmem:s16], [sflag:$0x3], $0x80, s23, s19, $0xb8;
	[tilespmem:$0x1E800] =	vst v63  }
0xa1: {  	_ =	swait.ge [sflag:s17], $0x4000  }
0xa2: {  	[sflag:s17] =	ssyncset.done $0x0  }
0xa3: {  	[sflag:s17] =	ssyncadd.s32 $0xFFFFC000  }
0xa4: {  	_ =	swait.ge [sflag:s22], $0x4000  }
0xa5: {  	[sflag:s22] =	ssyncset.done $0x0  }
0xa6: {  	[sflag:s22] =	ssyncadd.s32 $0xFFFFC000  }
0xa7: {  	[spmem:s3] =	stream.indirect.scatter.add.f32 [tilespmem:s20], [sflag:$0x3], $0x80, s24, s19, $0xb8;
	[tilespmem:$0x1E800] =	vst v63  }
0xa8: {  	_ =	swait.ge [sflag:s17], $0x4000  }
0xa9: {  	s25 =	sshll.u32 s0, $0x6;
	s4 =	sadd.s32 $0x1, s4;
	[sflag:s17] =	ssyncset.done $0x0  }
0xaa: {  	s31 =	sshrl.u32 s5, $0x3;
	p0 =	sne.s32 s4, s11;
	[sflag:s17] =	ssyncadd.s32 $0xFFFFC000  }
.Ltmp3:
0xab: {  	s25 =	sor.u32 $0x1C03, s25;
	[bflag:$0x0] =	sbarrier.arrive $0xFFFF;
	(pc) =	sbr.rel @p0 .LBB2_1-.Ltmp3, $4  }
0xac: {  	[hbm:s10], [sflag:s25] =	dma.local [spmem:s31], $0x2800  }
0xad: {  	_ =	swait.ge [sflag:s17], $0x2800  }
0xae: {  	[sflag:s17] =	ssyncset.done $0x0  }
0xaf: {  	[sflag:s17] =	ssyncadd.s32 $0xFFFFD800  }
0xb0: {  	_ =	sfence.sel $0x180000  }
0xb1: {  	[bflag:$0x0] =	sbarrier.arrive $0xFFFF  }
0xb2: {  	p0 =	sne.s32 s0, $0x0;
	_ =	strace $0x9000004A  }
0xb3: {  	s0 =	sadd.s32 @!p0 $0x100000, s2;
	[bflag:$0x2] =	sbarrier.arrive $0xFFFF  }
0xb4: {  	[sflag:s0] =	ssyncadd.tile.s32 @!p0 $0x1;
	_ =	shalt  }
.Lfunc_end2:
_tile_overlayer_lowered:
.L_overlay_start_2:
0xb5: {  	(tag) =	ssettag $0x2  }
0xb6: {  	s0 =	rddreg [dreg:$0x0];
	s2 =	stileid.u32  }
0xb7: {  	s1 =	rddreg [dreg:$0x1];
	p0 =	sne.s32 s2, $0x0  }
0xb8: {  	s3 =	rddreg [dreg:$0x2];
	[bflag:$0x3] =	sbarrier.arrive $0xFFFF;
	s2 =	simm.s32 @!p0 $0x1C03  }
0xb9: {  	[timem:s3], [sflag:s2] =	dma.local @!p0 [hbm:s0], s1  }
0xba: {  	s0 =	simm.s32 @!p0 $0x3  }
0xbb: {  	_ =	swait.ge @!p0 [sflag:s0], s1  }
0xbc: {  	s1 =	ssub.s32 @!p0 $0x0, s1;
	[sflag:s0] =	ssyncset.done @!p0 $0x0  }
0xbd: {  	[sflag:s0] =	ssyncadd.s32 @!p0 s1  }
0xbe: {  	[bflag:$0x3] =	sbarrier.arrive $0xFFFF  }
0xbf: {  	_ =	shalt  }

// kernel: kernel.14.cloned.1.call-start
scs
__scs_entry_jumppad:
0x0: {  	(pc) =	sbr.rel $0x88, $3  }
0x1: {  	(tag) =	ssettag $0x0;
	lr =	simm.s32 $0x1  }
0x2: {  	[smem:$0x3F9B] =	sst lr;
	_ =	strace $0xD0000000  }
0x3: {  	_ = 	snop  }
0x4: {  	_ = 	snop  }
0x5: {  	_ = 	snop  }
0x6: {  	_ = 	snop  }
0x7: {  	_ = 	snop  }
__scs_overlays_trampoline_lowered:
0x8: {  	[smem:$0x3FAA] =	sst s0  }
0x9: {  	[smem:$0x3FAB] =	sst s1  }
0xa: {  	[smem:$0x3FAC] =	sst s2  }
0xb: {  	[smem:$0x3FAD] =	sst s3  }
0xc: {  	[smem:$0x3FAE] =	sst s4  }
0xd: {  	[smem:$0x3FAF] =	sst s5  }
0xe: {  	[smem:$0x3FB0] =	sst s6  }
0xf: {  	[smem:$0x3FB1] =	sst s7  }
0x10: {  	[smem:$0x3FB2] =	sst s8  }
0x11: {  	[smem:$0x3FB3] =	sst s9;
	s0 =	simm.s32 @!p0 $0x0  }
0x12: {  	s1 =	sld [smem:$0x3F99];
	s0 =	simm.s32 @p0 $0x1  }
0x13: {  	[smem:$0x3FB4] =	sst s0;
	s0 =	simm.s32 @!p1 $0x0  }
0x14: {  	s2 =	sld [smem:$0x3F98];
	s0 =	simm.s32 @p1 $0x1  }
0x15: {  	[smem:$0x3FB5] =	sst s0;
	s0 =	simm.s32 @!p2 $0x0  }
0x16: {  	s3 =	sld [smem:$0x3FDB];
	s0 =	simm.s32 @p2 $0x1  }
0x17: {  	s4 =	simm.s32 $0x1BF5;
	[smem:$0x3FB7] =	sst s0  }
0x18: {  	s0 =	sld [smem:$0x3F9A];
	_ =	swait.ge [sflag:s4], $0x0  }
0x19: {  	s7 =	sld [smem:$0x3F9B]  }
0x1a: {  	s8 =	sadd.s32 $0xFFFFE003, lr  }
0x1b: {  	s9 =	sadd.s32 $0xFFFFFEF7, lr;
	s5 =	simm.s32 $0xFFFFFFFF;
	p2 =	slt.u32 s8, $0xFFFFF086  }
0x1c: {  	p1 =	slt.u32 s9, $0xF7A;
	s5 =	simm.s32 @!p2 $0x0  }
0x1d: {  	s5 =	simm.s32 @p1 $0x1;
	p0 =	seq.s32 s7, s2  }
0x1e: {  	s7 =	smul.u32 @!p0 $0xF7A, s2;
	p2 =	seq.s32 @!p0 s5, $0x0  }
0x1f: {  	s9 =	smul.u32 $0xF7A, s1;
	s8 =	simm.s32 @!p0 $0x1BF5;
	p2 =	por !p2, p0  }
0x20: {  	[sflag:s8] =	ssyncset.s32 @!p0 $0xFFFFF086;
	s6 =	sadd.s32 @!p0 s3, s7;
	s7 =	simm.s32 @!p0 $0x108  }
0x21: {  	s3 =	sadd.s32 s3, s9;
	s6 =	sadd.s32 @!p0 $0x88, s6;
	s7 =	simm.s32 @p2 $0x1082  }
0x22: {  	[simem:s7], [sflag:s8] =	dma.local @!p0 [hbm:s6], $0xF7A  }
0x23: {  	s9 =	sor.u32 $0xD0000000, s2;
	s6 =	simm.s32 $0x108;
	_ =	swait.ge @!p0 [sflag:s8], $0x0  }
0x24: {  	s3 =	sadd.s32 $0x88, s3;
	s6 =	simm.s32 @!p1 $0x1082;
	[sflag:s4] =	ssyncset.s32 $0xFFFFF086  }
0x25: {  	[simem:s6], [sflag:s4] =	dma.local [hbm:s3], $0xF7A  }
0x26: {  	[smem:$0x3F9B] =	sst s1;
	(tag) =	ssettag s2;
	_ =	strace s9  }
0x27: {  	s1 =	sld [smem:$0x3FAB]  }
0x28: {  	s2 =	sld [smem:$0x3FAC]  }
0x29: {  	s4 =	sld [smem:$0x3FAE]  }
0x2a: {  	p0 =	seq.s32 s5, $0x0;
	s5 =	sld [smem:$0x3FAF]  }
0x2b: {  	s6 =	sld [smem:$0x3FB0]  }
0x2c: {  	s7 =	sld [smem:$0x3FB1]  }
0x2d: {  	s3 =	simm.s32 $0x108;
	s8 =	sld [smem:$0x3FB2]  }
0x2e: {  	s3 =	simm.s32 @!p0 $0x1082;
	s9 =	sld [smem:$0x3FB3]  }
0x2f: {  	lr =	sadd.s32 s0, s3;
	s0 =	sld [smem:$0x3FAA]  }
0x30: {  	s3 =	sld [smem:$0x3FAD]  }
0x31: {  	[smem:$0x3FB6] =	sst s10  }
0x32: {  	s10 =	sld [smem:$0x3FB4];
	_ =	sdelay $0x3  }
0x33: {  	p0 =	seq.s32 s10, $0x1;
	s10 =	sld [smem:$0x3FB6];
	_ =	sdelay $0x3  }
0x34: {  	[smem:$0x3FB6] =	sst s10  }
0x35: {  	s10 =	sld [smem:$0x3FB5];
	_ =	sdelay $0x3  }
0x36: {  	p1 =	seq.s32 s10, $0x1;
	s10 =	sld [smem:$0x3FB6];
	_ =	sdelay $0x3  }
0x37: {  	[smem:$0x3FB6] =	sst s10  }
0x38: {  	s10 =	sld [smem:$0x3FB7]  }
0x39: {  	_ = 	snop;
	(pc) =	sbr.ind lr, $3  }
0x3a: {  	_ = 	snop  }
0x3b: {  	_ = 	snop  }
0x3c: {  	p2 =	seq.s32 s10, $0x1;
	s10 =	sld [smem:$0x3FB6]  }
0x3d: {  	_ =	shalt  }
0x3e: {  	_ =	shalt  }
0x3f: {  	_ =	shalt  }
0x40: {  	_ =	shalt  }
0x41: {  	_ =	shalt  }
0x42: {  	_ =	shalt  }
0x43: {  	_ =	shalt  }
0x44: {  	_ =	shalt  }
0x45: {  	_ =	shalt  }
0x46: {  	_ =	shalt  }
0x47: {  	_ =	shalt  }
0x48: {  	_ =	shalt  }
0x49: {  	_ =	shalt  }
0x4a: {  	_ =	shalt  }
0x4b: {  	_ =	shalt  }
0x4c: {  	_ =	shalt  }
0x4d: {  	_ =	shalt  }
0x4e: {  	_ =	shalt  }
0x4f: {  	_ =	shalt  }
0x50: {  	_ =	shalt  }
0x51: {  	_ =	shalt  }
0x52: {  	_ =	shalt  }
0x53: {  	_ =	shalt  }
0x54: {  	_ =	shalt  }
0x55: {  	_ =	shalt  }
0x56: {  	_ =	shalt  }
0x57: {  	_ =	shalt  }
0x58: {  	_ =	shalt  }
0x59: {  	_ =	shalt  }
0x5a: {  	_ =	shalt  }
0x5b: {  	_ =	shalt  }
0x5c: {  	_ =	shalt  }
0x5d: {  	_ =	shalt  }
0x5e: {  	_ =	shalt  }
0x5f: {  	_ =	shalt  }
0x60: {  	_ =	shalt  }
0x61: {  	_ =	shalt  }
0x62: {  	_ =	shalt  }
0x63: {  	_ =	shalt  }
0x64: {  	_ =	shalt  }
0x65: {  	_ =	shalt  }
0x66: {  	_ =	shalt  }
0x67: {  	_ =	shalt  }
0x68: {  	_ =	shalt  }
0x69: {  	_ =	shalt  }
0x6a: {  	_ =	shalt  }
0x6b: {  	_ =	shalt  }
0x6c: {  	_ =	shalt  }
0x6d: {  	_ =	shalt  }
0x6e: {  	_ =	shalt  }
0x6f: {  	_ =	shalt  }
0x70: {  	_ =	shalt  }
0x71: {  	_ =	shalt  }
0x72: {  	_ =	shalt  }
0x73: {  	_ =	shalt  }
0x74: {  	_ =	shalt  }
0x75: {  	_ =	shalt  }
0x76: {  	_ =	shalt  }
0x77: {  	_ =	shalt  }
0x78: {  	_ =	shalt  }
0x79: {  	_ =	shalt  }
0x7a: {  	_ =	shalt  }
0x7b: {  	_ =	shalt  }
0x7c: {  	_ =	shalt  }
0x7d: {  	_ =	shalt  }
0x7e: {  	_ =	shalt  }
0x7f: {  	_ =	shalt  }
0x80: {  	_ =	shalt  }
0x81: {  	_ =	shalt  }
0x82: {  	_ =	shalt  }
0x83: {  	_ =	shalt  }
0x84: {  	_ =	shalt  }
0x85: {  	_ =	shalt  }
0x86: {  	_ =	shalt  }
0x87: {  	_ =	shalt  }
.Lfunc_end0:
.L_simem_size_0:
called_computation.2_lowered:
.L_overlay_start_0:
0x88: {  	s2 =	sld [smem:$0x3FD9]  }
0x89: {  	s3 =	sld [smem:$0x3FFE];
	_ =	sdelay $0x1  }
0x8a: {  	s1 =	srdreg.scid  }
0x8b: {  	s0 =	sand.u32 $0x1, s1  }
0x8c: {  	s17 =	sshll.u32 s0, $0xA;
	s2 =	sadd.s32 s3, s2  }
0x8d: {  	s2 =	sadd.s32 s2, s17  }
0x8e: {  	[smem:$0x3FC2] =	sst s2  }
0x8f: {  	_ = 	snop  }
0x90: {  	s2 =	sld [smem:$0x3FD0];
	(tm) =	ssettm $0x1  }
0x91: {  	s18 =	sld [smem:$0x3FFB];
	_ =	sdelay $0x3  }
0x92: {  	_ =	strace s18  }
0x93: {  	s3 =	sld [smem:$0x3FFC];
	_ =	sdelay $0x3  }
0x94: {  	_ =	strace s3  }
0x95: {  	s3 =	sld [smem:$0x3FFD];
	_ =	sdelay $0x3  }
0x96: {  	_ =	strace s3  }
0x97: {  	_ =	strace $0x8FFFFFFF  }
0x98: {  	s19 =	sld [smem:$0x3FDB];
	_ =	sdelay $0x1  }
0x99: {  	s4 =	simm.s32 $_scs_section_size  }
0x9a: {  	s5 =	simm.s32 $_size__tile_overlayer_lowered;
	s6 =	simm.s32 $_tile_overlayer_lowered  }
0x9b: {  	s22 =	simm.s32 $0x1BFF;
	s21 =	sshll.u32 s6, $0x1;
	s3 =	sadd.s32 s4, s19  }
0x9c: {  	s7 =	simm.s32 $0x0;
	s20 =	sshll.u32 s5, $0x1;
	s5 =	sadd.s32 s21, s3  }
0x9d: {  	[timem:s7], [sflag:s22] =	dma.local [hbm:s5], s20  }
0x9e: {  	_ =	swait.ge [sflag:s22], s20  }
0x9f: {  	s4 =	ssub.s32 $0x0, s20;
	[sflag:s22] =	ssyncset.done $0x0  }
0xa0: {  	[sflag:s22] =	ssyncadd.s32 s4;
	_ =	sdelay $0x1  }
0xa1: {  	s23 =	simm.s32 $0x1B8B  }
0xa2: {  	_ =	swait.ge [sflag:s23], $0x1  }
0xa3: {  	[sflag:s23] =	ssyncset.done $0x0  }
0xa4: {  	s25 =	simm.s32 $0x1B8E;
	s24 =	sld [smem:$0x3FFE];
	[sflag:s23] =	ssyncadd.s32 $0xFFFFFFFF  }
0xa5: {  	s26 =	simm.s32 $execute0_lowered;
	[smem:$0x3FD2] =	sst s25  }
0xa6: {  	s5 =	sshll.u32 s26, $0x1;
	_ =	strace $0x8000004C;
	[dreg:$0x1] =	wrdreg $0xFFFFFFFF  }
0xa7: {  	s28 =	simm.s32 $_size_execute0_lowered;
	s3 =	sadd.s32 s3, s5;
	[dreg:$0x0] =	wrdreg $0x0  }
0xa8: {  	s5 =	sshll.u32 s28, $0x1;
	[dreg:$0x2] =	wrdreg s3  }
0xa9: {  	[dreg:$0x3] =	wrdreg s5  }
0xaa: {  	[dreg:$0x4] =	wrdreg $0xC0  }
0xab: {  	_ =	task [dreg:s7], $0x5FFFF  }
0xac: {  	[dreg:$0x1] =	wrdreg $0xFFFFFFFF  }
0xad: {  	[dreg:$0x0] =	wrdreg $0x60  }
0xae: {  	[dreg:$0x2] =	wrdreg s2  }
0xaf: {  	[dreg:$0x3] =	wrdreg s24  }
0xb0: {  	[dreg:$0x4] =	wrdreg $0xA8000  }
0xb1: {  	[dreg:$0x5] =	wrdreg $0x9  }
0xb2: {  	_ =	task.clear_ibuf [dreg:s7], $0x6FFFF;
	_ =	strace $0x9000004C  }
0xb3: {  	s29 =	simm.s32 $0x9;
	_ =	strace $0x8000004E  }
0xb4: {  	_ =	swait.ge [sflag:s29], $0x1  }
0xb5: {  	[sflag:s29] =	ssyncadd.s32 $0xFFFFFFFF  }
0xb6: {  	_ =	strace $0x9000004E  }
0xb7: {  	_ =	sfence  }
0xb8: {  	s30 =	sld [smem:$0x0];
	_ =	sdelay $0x2  }
0xb9: {  	s31 =	sshll.u32 s1, $0xD;
	s1 =	sshrl.u32 s1, $0x2  }
0xba: {  	s3 =	sand.u32 $0x4000, s31;
	s1 =	sadd.s32 s1, s30  }
0xbb: {  	s0 =	sor.u32 s3, s0;
	s1 =	sshll.u32 s1, $0x11  }
0xbc: {  	s0 =	sor.u32 s1, s0  }
0xbd: {  	s0 =	sadd.s32 $0x8F2B, s0  }
0xbe: {  	[sflag:s0] =	ssyncadd.remote.s32 $0x1  }
0xbf: {  	_ =	sfence.sel $0xFFFF  }
0xc0: {  	[dreg:$0x0] =	wrdreg $0xFFFFFFFF;
	(pc) =	sbr.abs _section_cstart, $3  }
0xc1: {  	[dreg:$0x1] =	wrdreg $0xFFFFFFFF  }
0xc2: {  	_ =	task.clear_ibuf [dreg:s7], $0x2FFFF;
	_ =	strace $0x9FFFFFFF  }
0xc3: {  	(tm) =	ssettm $0x7FFFFFFF  }
tec
execute0_lowered:
.L_overlay_start_1:
0x0: {  	(tag) =	ssettag $0x1  }
0x1: {  	s1 =	rddreg [dreg:$0x0]  }
0x2: {  	s2 =	srdreg.scid;
	s6 =	rddreg [dreg:$0x1]  }
0x3: {  	s0 =	stileid.u32;
	s3 =	rddreg [dreg:$0x2];
	s4 =	simm.s32 $0x0  }
0x4: {  	s16 =	simm.s32 $0x2800;
	s17 =	simm.s32 $0x3;
	s18 =	simm.s32 $0x1400  }
0x5: {  	s19 =	simm.s32 $0x80;
	s20 =	simm.s32 $0x6800;
	s21 =	simm.s32 $0x1  }
0x6: {  	s22 =	simm.s32 $0x2;
	s23 =	simm.s32 $0x2700;
	s9 =	smul.u32 $0x14000, s0  }
0x7: {  	s5 =	sand.u32 $0x1, s2;
	s26 =	sshll.u32 s0, $0x1;
	s28 =	smul.u32 $0x50000, s0  }
0x8: {  	s24 =	simm.s32 $0x2780;
	s2 =	sor.u32 s5, s26;
	s8 =	smul.u32 $0x140000, s5  }
0x9: {  	[smem:$0x7FF] =	sst s4;
	s5 =	ssub.s32 $0x2, s5;
	s7 =	smul.u32 $0x2800, s2  }
0xa: {  	s2 =	rddreg [dreg:$0x3];
	_ =	strace $0x8000004D;
	s30 =	sshrl.u32 s5, $0x1  }
0xb: {  	s31 =	sshrl.u32 s28, $0x2;
	s8 =	sadd.s32 s9, s8;
	s12 =	ssub.s32 s5, s30  }
0xc: {  	s5 =	sadd.s32 s31, s3;
	s7 =	sshrl.u32 s7, $0x3;
	s29 =	sshrl.u32 s8, $0x3  }
0xd: {  	s13 =	sadd.s32 $0x8000, s5;
	s14 =	sadd.s32 $0xC000, s5;
	s10 =	sadd.s32 s7, s6  }
0xe: {  	s15 =	sadd.s32 $0x10000, s5;
	s11 =	sadd.s32 s29, s6;
	s6 =	sadd.s32 $0x2A00, s10  }
0xf: {  	s7 =	sadd.s32 $0xCA00, s10;
	s8 =	sadd.s32 $0x2C80, s10;
	s9 =	sadd.s32 $0xCC80, s10  }
0x10: {  	v0 =	vimm.f32 $0.0e+00;
	s10 =	sadd.s32 $0x16A00, s11;
	s11 =	smax.u32 s12, $0x1;
	s12 =	sadd.s32 $0x4000, s5  }
.LBB2_1:
0x11: {  	s25 =	simm.s32 $0x0;
	s26 =	simm.s32 $0x200  }
.LBB2_2:
0x12: {  	p0 =	sne.s32 s26, $0xFE00;
	[tilespmem:s25+$0x2870] =	vst v0  }
0x13: {  	[tilespmem:s25+$0x2800] =	vst v0  }
0x14: {  	[tilespmem:s25+$0x2810] =	vst v0  }
.Ltmp0:
0x15: {  	[tilespmem:s25+$0x2820] =	vst v0;
	(pc) =	sbr.rel @p0 .LBB2_2-.Ltmp0, $4  }
0x16: {  	[tilespmem:s25+$0x2830] =	vst v0  }
0x17: {  	[tilespmem:s25+$0x2840] =	vst v0  }
0x18: {  	[tilespmem:s25+$0x2850] =	vst v0  }
0x19: {  	[tilespmem:s25+$0x2860] =	vst v0;
	s25 =	sshra.s32 s26, $0x2;
	s26 =	sadd.s32 $0x200, s26  }
0x1a: {  	[tilespmem:s25+$0x2870] =	vst v0  }
0x1b: {  	[tilespmem:s25+$0x2800] =	vst v0  }
0x1c: {  	[tilespmem:s25+$0x2810] =	vst v0  }
0x1d: {  	[tilespmem:s25+$0x2820] =	vst v0  }
0x1e: {  	[tilespmem:s25+$0x2830] =	vst v0  }
0x1f: {  	[tilespmem:s25+$0x2840] =	vst v0  }
0x20: {  	[tilespmem:s25+$0x2850] =	vst v0  }
0x21: {  	[tilespmem:s25+$0x2860] =	vst v0  }
0x22: {  	[spmem:s5] =	stream.linear.scatter [tilespmem:s16], [sflag:$0x3], $0x4000, $0x38;
	[tilespmem:$0x1E800] =	vst v63  }
0x23: {  	_ =	swait.ge [sflag:s17], $0x4000  }
0x24: {  	[sflag:s17] =	ssyncset.done $0x0  }
0x25: {  	[sflag:s17] =	ssyncadd.s32 $0xFFFFC000  }
0x26: {  	[spmem:s12] =	stream.linear.scatter [tilespmem:s16], [sflag:$0x3], $0x4000, $0x38;
	[tilespmem:$0x1E800] =	vst v63  }
0x27: {  	_ =	swait.ge [sflag:s17], $0x4000  }
0x28: {  	[sflag:s17] =	ssyncset.done $0x0  }
0x29: {  	[sflag:s17] =	ssyncadd.s32 $0xFFFFC000  }
0x2a: {  	[spmem:s13] =	stream.linear.scatter [tilespmem:s16], [sflag:$0x3], $0x4000, $0x38;
	[tilespmem:$0x1E800] =	vst v63  }
0x2b: {  	_ =	swait.ge [sflag:s17], $0x4000  }
0x2c: {  	[sflag:s17] =	ssyncset.done $0x0  }
0x2d: {  	[sflag:s17] =	ssyncadd.s32 $0xFFFFC000  }
0x2e: {  	[spmem:s14] =	stream.linear.scatter [tilespmem:s16], [sflag:$0x3], $0x4000, $0x38;
	[tilespmem:$0x1E800] =	vst v63  }
0x2f: {  	_ =	swait.ge [sflag:s17], $0x4000  }
0x30: {  	[sflag:s17] =	ssyncset.done $0x0  }
0x31: {  	[sflag:s17] =	ssyncadd.s32 $0xFFFFC000  }
0x32: {  	[spmem:s15] =	stream.linear.scatter [tilespmem:s16], [sflag:$0x3], $0x4000, $0x38;
	[tilespmem:$0x1E800] =	vst v63  }
0x33: {  	_ =	swait.ge [sflag:s17], $0x4000  }
0x34: {  	[sflag:s17] =	ssyncset.done $0x0  }
0x35: {  	[sflag:s17] =	ssyncadd.s32 $0xFFFFC000  }
0x36: {  	s28 =	simm.s32 $0x0;
	[bflag:$0x0] =	sbarrier.arrive $0xFFFF  }
0x37: {  	[tilespmem:s28], [sflag:$0x3] =	stream.linear.gather [hbm4b:s6+s28], $0x1400, $0x38;
	[tilespmem:$0x1E800] =	vst v63  }
0x38: {  	_ =	swait.ge [sflag:s17], $0x1400  }
0x39: {  	[sflag:s17] =	ssyncset.done $0x0  }
0x3a: {  	[sflag:s17] =	ssyncadd.s32 $0xFFFFEC00  }
0x3b: {  	[tilespmem:s18], [sflag:$0x3] =	stream.linear.gather [hbm4b:s7+s28], $0x1400, $0x38;
	[tilespmem:$0x1E800] =	vst v63  }
0x3c: {  	_ =	swait.ge [sflag:s17], $0x1400  }
0x3d: {  	[sflag:s17] =	ssyncset.done $0x0  }
0x3e: {  	[sflag:s17] =	ssyncadd.s32 $0xFFFFEC00  }
0x3f: {  	[tilespmem:s16], [sflag:$0x1] =	stream.indirect.gather [hbm4b:s1+s19], $0x80, s28, s19, $0xb8;
	[tilespmem:$0x1E800] =	vst v63  }
0x40: {  	_ = 	snop  }
0x41: {  	[tilespmem:s20], [sflag:$0x2] =	stream.indirect.gather [hbm4b:s1+s19], $0x80, s19, s19, $0xb8;
	[tilespmem:$0x1E800] =	vst v63  }
0x42: {  	_ =	swait.ge [sflag:s21], $0x4000  }
0x43: {  	[sflag:s21] =	ssyncset.done $0x0  }
0x44: {  	s29 =	simm.s32 $0x1400;
	[sflag:s21] =	ssyncadd.s32 $0xFFFFC000  }
0x45: {  	[spmem:s3] =	stream.indirect.scatter.add.f32 [tilespmem:s16], [sflag:$0x3], $0x80, s29, s19, $0xb8;
	[tilespmem:$0x1E800] =	vst v63  }
0x46: {  	_ =	swait.ge [sflag:s17], $0x4000  }
0x47: {  	[sflag:s17] =	ssyncset.done $0x0  }
0x48: {  	s30 =	simm.s32 $0x100;
	[sflag:s17] =	ssyncadd.s32 $0xFFFFC000  }
0x49: {  	[tilespmem:s16], [sflag:$0x1] =	stream.indirect.gather [hbm4b:s1+s19], $0x80, s30, s19, $0xb8;
	[tilespmem:$0x1E800] =	vst v63  }
0x4a: {  	_ =	swait.ge [sflag:s22], $0x4000  }
0x4b: {  	[sflag:s22] =	ssyncset.done $0x0  }
0x4c: {  	s31 =	simm.s32 $0x1480;
	[sflag:s22] =	ssyncadd.s32 $0xFFFFC000  }
0x4d: {  	[spmem:s3] =	stream.indirect.scatter.add.f32 [tilespmem:s20], [sflag:$0x3], $0x80, s31, s19, $0xb8;
	[tilespmem:$0x1E800] =	vst v63  }
0x4e: {  	_ =	swait.ge [sflag:s17], $0x4000  }
0x4f: {  	[sflag:s17] =	ssyncset.done $0x0  }
0x50: {  	s25 =	simm.s32 $0x400;
	s26 =	simm.s32 $0x180;
	[sflag:s17] =	ssyncadd.s32 $0xFFFFC000  }
.LBB2_4:
0x51: {  	[tilespmem:s20], [sflag:$0x2] =	stream.indirect.gather [hbm4b:s1+s19], $0x80, s26, s19, $0xb8;
	[tilespmem:$0x1E800] =	vst v63  }
0x52: {  	s26 =	smov.u32 s25  }
0x53: {  	p0 =	sne.s32 s25, $0x4800;
	s25 =	sadd.s32 $0x400, s25;
	_ =	swait.ge [sflag:s21], $0x4000  }
0x54: {  	s26 =	sshra.s32 s26, $0x2;
	[sflag:s21] =	ssyncset.done $0x0  }
0x55: {  	s28 =	sadd.s32 $0x1400, s26;
	[sflag:s21] =	ssyncadd.s32 $0xFFFFC000  }
0x56: {  	[spmem:s3] =	stream.indirect.scatter.add.f32 [tilespmem:s16], [sflag:$0x3], $0x80, s28, s19, $0xb8;
	[tilespmem:$0x1E800] =	vst v63  }
0x57: {  	_ =	swait.ge [sflag:s17], $0x4000  }
0x58: {  	[sflag:s17] =	ssyncset.done $0x0  }
0x59: {  	s28 =	sadd.s32 $0x100, s26;
	[sflag:s17] =	ssyncadd.s32 $0xFFFFC000  }
0x5a: {  	[tilespmem:s16], [sflag:$0x1] =	stream.indirect.gather [hbm4b:s1+s19], $0x80, s28, s19, $0xb8;
	[tilespmem:$0x1E800] =	vst v63  }
0x5b: {  	_ =	swait.ge [sflag:s22], $0x4000  }
0x5c: {  	[sflag:s22] =	ssyncset.done $0x0  }
.Ltmp1:
0x5d: {  	s28 =	sadd.s32 $0x1480, s26;
	[sflag:s22] =	ssyncadd.s32 $0xFFFFC000;
	(pc) =	sbr.rel @p0 .LBB2_4-.Ltmp1, $4  }
0x5e: {  	[spmem:s3] =	stream.indirect.scatter.add.f32 [tilespmem:s20], [sflag:$0x3], $0x80, s28, s19, $0xb8;
	[tilespmem:$0x1E800] =	vst v63  }
0x5f: {  	_ =	swait.ge [sflag:s17], $0x4000  }
0x60: {  	[sflag:s17] =	ssyncset.done $0x0  }
0x61: {  	s26 =	sadd.s32 $0x180, s26;
	[sflag:s17] =	ssyncadd.s32 $0xFFFFC000  }
0x62: {  	[tilespmem:s20], [sflag:$0x2] =	stream.indirect.gather [hbm4b:s1+s19], $0x80, s26, s19, $0xb8;
	[tilespmem:$0x1E800] =	vst v63  }
0x63: {  	_ =	swait.ge [sflag:s21], $0x4000  }
0x64: {  	[sflag:s21] =	ssyncset.done $0x0  }
0x65: {  	[sflag:s21] =	ssyncadd.s32 $0xFFFFC000  }
0x66: {  	[spmem:s3] =	stream.indirect.scatter.add.f32 [tilespmem:s16], [sflag:$0x3], $0x80, s23, s19, $0xb8;
	[tilespmem:$0x1E800] =	vst v63  }
0x67: {  	_ =	swait.ge [sflag:s17], $0x4000  }
0x68: {  	[sflag:s17] =	ssyncset.done $0x0  }
0x69: {  	[sflag:s17] =	ssyncadd.s32 $0xFFFFC000  }
0x6a: {  	_ =	swait.ge [sflag:s22], $0x4000  }
0x6b: {  	[sflag:s22] =	ssyncset.done $0x0  }
0x6c: {  	[sflag:s22] =	ssyncadd.s32 $0xFFFFC000  }
0x6d: {  	[spmem:s3] =	stream.indirect.scatter.add.f32 [tilespmem:s20], [sflag:$0x3], $0x80, s24, s19, $0xb8;
	[tilespmem:$0x1E800] =	vst v63  }
0x6e: {  	_ =	swait.ge [sflag:s17], $0x4000  }
0x6f: {  	[sflag:s17] =	ssyncset.done $0x0  }
0x70: {  	s25 =	simm.s32 $0x0;
	[sflag:s17] =	ssyncadd.s32 $0xFFFFC000  }
0x71: {  	[tilespmem:s25], [sflag:$0x3] =	stream.linear.gather [hbm4b:s8+s25], $0x1400, $0x38;
	[tilespmem:$0x1E800] =	vst v63  }
0x72: {  	_ =	swait.ge [sflag:s17], $0x1400  }
0x73: {  	[sflag:s17] =	ssyncset.done $0x0  }
0x74: {  	[sflag:s17] =	ssyncadd.s32 $0xFFFFEC00  }
0x75: {  	[tilespmem:s18], [sflag:$0x3] =	stream.linear.gather [hbm4b:s9+s25], $0x1400, $0x38;
	[tilespmem:$0x1E800] =	vst v63  }
0x76: {  	_ =	swait.ge [sflag:s17], $0x1400  }
0x77: {  	[sflag:s17] =	ssyncset.done $0x0  }
0x78: {  	[sflag:s17] =	ssyncadd.s32 $0xFFFFEC00  }
0x79: {  	[tilespmem:s16], [sflag:$0x1] =	stream.indirect.gather [hbm4b:s1+s19], $0x80, s25, s19, $0xb8;
	[tilespmem:$0x1E800] =	vst v63  }
0x7a: {  	_ = 	snop  }
0x7b: {  	[tilespmem:s20], [sflag:$0x2] =	stream.indirect.gather [hbm4b:s1+s19], $0x80, s19, s19, $0xb8;
	[tilespmem:$0x1E800] =	vst v63  }
0x7c: {  	_ =	swait.ge [sflag:s21], $0x4000  }
0x7d: {  	[sflag:s21] =	ssyncset.done $0x0  }
0x7e: {  	s29 =	simm.s32 $0x1400;
	[sflag:s21] =	ssyncadd.s32 $0xFFFFC000  }
0x7f: {  	[spmem:s3] =	stream.indirect.scatter.add.f32 [tilespmem:s16], [sflag:$0x3], $0x80, s29, s19, $0xb8;
	[tilespmem:$0x1E800] =	vst v63  }
0x80: {  	_ =	swait.ge [sflag:s17], $0x4000  }
0x81: {  	[sflag:s17] =	ssyncset.done $0x0  }
0x82: {  	s30 =	simm.s32 $0x100;
	[sflag:s17] =	ssyncadd.s32 $0xFFFFC000  }
0x83: {  	[tilespmem:s16], [sflag:$0x1] =	stream.indirect.gather [hbm4b:s1+s19], $0x80, s30, s19, $0xb8;
	[tilespmem:$0x1E800] =	vst v63  }
0x84: {  	_ =	swait.ge [sflag:s22], $0x4000  }
0x85: {  	[sflag:s22] =	ssyncset.done $0x0  }
0x86: {  	s31 =	simm.s32 $0x1480;
	[sflag:s22] =	ssyncadd.s32 $0xFFFFC000  }
0x87: {  	[spmem:s3] =	stream.indirect.scatter.add.f32 [tilespmem:s20], [sflag:$0x3], $0x80, s31, s19, $0xb8;
	[tilespmem:$0x1E800] =	vst v63  }
0x88: {  	_ =	swait.ge [sflag:s17], $0x4000  }
0x89: {  	[sflag:s17] =	ssyncset.done $0x0  }
0x8a: {  	s26 =	simm.s32 $0x180;
	s25 =	simm.s32 $0x400;
	[sflag:s17] =	ssyncadd.s32 $0xFFFFC000  }
.LBB2_6:
0x8b: {  	[tilespmem:s20], [sflag:$0x2] =	stream.indirect.gather [hbm4b:s1+s19], $0x80, s26, s19, $0xb8;
	[tilespmem:$0x1E800] =	vst v63  }
0x8c: {  	s26 =	smov.u32 s25  }
0x8d: {  	p0 =	sne.s32 s25, $0x4800;
	s25 =	sadd.s32 $0x400, s25;
	_ =	swait.ge [sflag:s21], $0x4000  }
0x8e: {  	s26 =	sshra.s32 s26, $0x2;
	[sflag:s21] =	ssyncset.done $0x0  }
0x8f: {  	s28 =	sadd.s32 $0x1400, s26;
	[sflag:s21] =	ssyncadd.s32 $0xFFFFC000  }
0x90: {  	[spmem:s3] =	stream.indirect.scatter.add.f32 [tilespmem:s16], [sflag:$0x3], $0x80, s28, s19, $0xb8;
	[tilespmem:$0x1E800] =	vst v63  }
0x91: {  	_ =	swait.ge [sflag:s17], $0x4000  }
0x92: {  	[sflag:s17] =	ssyncset.done $0x0  }
0x93: {  	s28 =	sadd.s32 $0x100, s26;
	[sflag:s17] =	ssyncadd.s32 $0xFFFFC000  }
0x94: {  	[tilespmem:s16], [sflag:$0x1] =	stream.indirect.gather [hbm4b:s1+s19], $0x80, s28, s19, $0xb8;
	[tilespmem:$0x1E800] =	vst v63  }
0x95: {  	_ =	swait.ge [sflag:s22], $0x4000  }
0x96: {  	[sflag:s22] =	ssyncset.done $0x0  }
.Ltmp2:
0x97: {  	s28 =	sadd.s32 $0x1480, s26;
	[sflag:s22] =	ssyncadd.s32 $0xFFFFC000;
	(pc) =	sbr.rel @p0 .LBB2_6-.Ltmp2, $4  }
0x98: {  	[spmem:s3] =	stream.indirect.scatter.add.f32 [tilespmem:s20], [sflag:$0x3], $0x80, s28, s19, $0xb8;
	[tilespmem:$0x1E800] =	vst v63  }
0x99: {  	_ =	swait.ge [sflag:s17], $0x4000  }
0x9a: {  	[sflag:s17] =	ssyncset.done $0x0  }
0x9b: {  	s26 =	sadd.s32 $0x180, s26;
	[sflag:s17] =	ssyncadd.s32 $0xFFFFC000  }
0x9c: {  	[tilespmem:s20], [sflag:$0x2] =	stream.indirect.gather [hbm4b:s1+s19], $0x80, s26, s19, $0xb8;
	[tilespmem:$0x1E800] =	vst v63  }
0x9d: {  	_ =	swait.ge [sflag:s21], $0x4000  }
0x9e: {  	[sflag:s21] =	ssyncset.done $0x0  }
0x9f: {  	[sflag:s21] =	ssyncadd.s32 $0xFFFFC000  }
0xa0: {  	[spmem:s3] =	stream.indirect.scatter.add.f32 [tilespmem:s16], [sflag:$0x3], $0x80, s23, s19, $0xb8;
	[tilespmem:$0x1E800] =	vst v63  }
0xa1: {  	_ =	swait.ge [sflag:s17], $0x4000  }
0xa2: {  	[sflag:s17] =	ssyncset.done $0x0  }
0xa3: {  	[sflag:s17] =	ssyncadd.s32 $0xFFFFC000  }
0xa4: {  	_ =	swait.ge [sflag:s22], $0x4000  }
0xa5: {  	[sflag:s22] =	ssyncset.done $0x0  }
0xa6: {  	[sflag:s22] =	ssyncadd.s32 $0xFFFFC000  }
0xa7: {  	[spmem:s3] =	stream.indirect.scatter.add.f32 [tilespmem:s20], [sflag:$0x3], $0x80, s24, s19, $0xb8;
	[tilespmem:$0x1E800] =	vst v63  }
0xa8: {  	_ =	swait.ge [sflag:s17], $0x4000  }
0xa9: {  	s25 =	sshll.u32 s0, $0x6;
	s4 =	sadd.s32 $0x1, s4;
	[sflag:s17] =	ssyncset.done $0x0  }
0xaa: {  	s31 =	sshrl.u32 s5, $0x3;
	p0 =	sne.s32 s4, s11;
	[sflag:s17] =	ssyncadd.s32 $0xFFFFC000  }
.Ltmp3:
0xab: {  	s25 =	sor.u32 $0x1C03, s25;
	[bflag:$0x0] =	sbarrier.arrive $0xFFFF;
	(pc) =	sbr.rel @p0 .LBB2_1-.Ltmp3, $4  }
0xac: {  	[hbm:s10], [sflag:s25] =	dma.local [spmem:s31], $0x2800  }
0xad: {  	_ =	swait.ge [sflag:s17], $0x2800  }
0xae: {  	[sflag:s17] =	ssyncset.done $0x0  }
0xaf: {  	[sflag:s17] =	ssyncadd.s32 $0xFFFFD800  }
0xb0: {  	_ =	sfence.sel $0x180000  }
0xb1: {  	[bflag:$0x0] =	sbarrier.arrive $0xFFFF  }
0xb2: {  	p0 =	sne.s32 s0, $0x0;
	_ =	strace $0x9000004D  }
0xb3: {  	s0 =	sadd.s32 @!p0 $0x100000, s2;
	[bflag:$0x2] =	sbarrier.arrive $0xFFFF  }
0xb4: {  	[sflag:s0] =	ssyncadd.tile.s32 @!p0 $0x1;
	_ =	shalt  }
.Lfunc_end2:
_tile_overlayer_lowered:
.L_overlay_start_2:
0xb5: {  	(tag) =	ssettag $0x2  }
0xb6: {  	s0 =	rddreg [dreg:$0x0];
	s2 =	stileid.u32  }
0xb7: {  	s1 =	rddreg [dreg:$0x1];
	p0 =	sne.s32 s2, $0x0  }
0xb8: {  	s3 =	rddreg [dreg:$0x2];
	[bflag:$0x3] =	sbarrier.arrive $0xFFFF;
	s2 =	simm.s32 @!p0 $0x1C03  }
0xb9: {  	[timem:s3], [sflag:s2] =	dma.local @!p0 [hbm:s0], s1  }
0xba: {  	s0 =	simm.s32 @!p0 $0x3  }
0xbb: {  	_ =	swait.ge @!p0 [sflag:s0], s1  }
0xbc: {  	s1 =	ssub.s32 @!p0 $0x0, s1;
	[sflag:s0] =	ssyncset.done @!p0 $0x0  }
0xbd: {  	[sflag:s0] =	ssyncadd.s32 @!p0 s1  }
0xbe: {  	[bflag:$0x3] =	sbarrier.arrive $0xFFFF  }
0xbf: {  	_ =	shalt  }

// kernel: kernel.8.cloned.1.call-start
scs
__scs_entry_jumppad:
0x0: {  	(pc) =	sbr.rel $0x88, $3  }
0x1: {  	(tag) =	ssettag $0x0;
	lr =	simm.s32 $0x1  }
0x2: {  	[smem:$0x3F9B] =	sst lr;
	_ =	strace $0xD0000000  }
0x3: {  	_ = 	snop  }
0x4: {  	_ = 	snop  }
0x5: {  	_ = 	snop  }
0x6: {  	_ = 	snop  }
0x7: {  	_ = 	snop  }
__scs_overlays_trampoline_lowered:
0x8: {  	[smem:$0x3FAA] =	sst s0  }
0x9: {  	[smem:$0x3FAB] =	sst s1  }
0xa: {  	[smem:$0x3FAC] =	sst s2  }
0xb: {  	[smem:$0x3FAD] =	sst s3  }
0xc: {  	[smem:$0x3FAE] =	sst s4  }
0xd: {  	[smem:$0x3FAF] =	sst s5  }
0xe: {  	[smem:$0x3FB0] =	sst s6  }
0xf: {  	[smem:$0x3FB1] =	sst s7  }
0x10: {  	[smem:$0x3FB2] =	sst s8  }
0x11: {  	[smem:$0x3FB3] =	sst s9;
	s0 =	simm.s32 @!p0 $0x0  }
0x12: {  	s1 =	sld [smem:$0x3F99];
	s0 =	simm.s32 @p0 $0x1  }
0x13: {  	[smem:$0x3FB4] =	sst s0;
	s0 =	simm.s32 @!p1 $0x0  }
0x14: {  	s2 =	sld [smem:$0x3F98];
	s0 =	simm.s32 @p1 $0x1  }
0x15: {  	[smem:$0x3FB5] =	sst s0;
	s0 =	simm.s32 @!p2 $0x0  }
0x16: {  	s3 =	sld [smem:$0x3FDB];
	s0 =	simm.s32 @p2 $0x1  }
0x17: {  	s4 =	simm.s32 $0x1BF5;
	[smem:$0x3FB7] =	sst s0  }
0x18: {  	s0 =	sld [smem:$0x3F9A];
	_ =	swait.ge [sflag:s4], $0x0  }
0x19: {  	s7 =	sld [smem:$0x3F9B]  }
0x1a: {  	s8 =	sadd.s32 $0xFFFFE003, lr  }
0x1b: {  	s9 =	sadd.s32 $0xFFFFFEF7, lr;
	s5 =	simm.s32 $0xFFFFFFFF;
	p2 =	slt.u32 s8, $0xFFFFF086  }
0x1c: {  	p1 =	slt.u32 s9, $0xF7A;
	s5 =	simm.s32 @!p2 $0x0  }
0x1d: {  	s5 =	simm.s32 @p1 $0x1;
	p0 =	seq.s32 s7, s2  }
0x1e: {  	s7 =	smul.u32 @!p0 $0xF7A, s2;
	p2 =	seq.s32 @!p0 s5, $0x0  }
0x1f: {  	s9 =	smul.u32 $0xF7A, s1;
	s8 =	simm.s32 @!p0 $0x1BF5;
	p2 =	por !p2, p0  }
0x20: {  	[sflag:s8] =	ssyncset.s32 @!p0 $0xFFFFF086;
	s6 =	sadd.s32 @!p0 s3, s7;
	s7 =	simm.s32 @!p0 $0x108  }
0x21: {  	s3 =	sadd.s32 s3, s9;
	s6 =	sadd.s32 @!p0 $0x88, s6;
	s7 =	simm.s32 @p2 $0x1082  }
0x22: {  	[simem:s7], [sflag:s8] =	dma.local @!p0 [hbm:s6], $0xF7A  }
0x23: {  	s9 =	sor.u32 $0xD0000000, s2;
	s6 =	simm.s32 $0x108;
	_ =	swait.ge @!p0 [sflag:s8], $0x0  }
0x24: {  	s3 =	sadd.s32 $0x88, s3;
	s6 =	simm.s32 @!p1 $0x1082;
	[sflag:s4] =	ssyncset.s32 $0xFFFFF086  }
0x25: {  	[simem:s6], [sflag:s4] =	dma.local [hbm:s3], $0xF7A  }
0x26: {  	[smem:$0x3F9B] =	sst s1;
	(tag) =	ssettag s2;
	_ =	strace s9  }
0x27: {  	s1 =	sld [smem:$0x3FAB]  }
0x28: {  	s2 =	sld [smem:$0x3FAC]  }
0x29: {  	s4 =	sld [smem:$0x3FAE]  }
0x2a: {  	p0 =	seq.s32 s5, $0x0;
	s5 =	sld [smem:$0x3FAF]  }
0x2b: {  	s6 =	sld [smem:$0x3FB0]  }
0x2c: {  	s7 =	sld [smem:$0x3FB1]  }
0x2d: {  	s3 =	simm.s32 $0x108;
	s8 =	sld [smem:$0x3FB2]  }
0x2e: {  	s3 =	simm.s32 @!p0 $0x1082;
	s9 =	sld [smem:$0x3FB3]  }
0x2f: {  	lr =	sadd.s32 s0, s3;
	s0 =	sld [smem:$0x3FAA]  }
0x30: {  	s3 =	sld [smem:$0x3FAD]  }
0x31: {  	[smem:$0x3FB6] =	sst s10  }
0x32: {  	s10 =	sld [smem:$0x3FB4];
	_ =	sdelay $0x3  }
0x33: {  	p0 =	seq.s32 s10, $0x1;
	s10 =	sld [smem:$0x3FB6];
	_ =	sdelay $0x3  }
0x34: {  	[smem:$0x3FB6] =	sst s10  }
0x35: {  	s10 =	sld [smem:$0x3FB5];
	_ =	sdelay $0x3  }
0x36: {  	p1 =	seq.s32 s10, $0x1;
	s10 =	sld [smem:$0x3FB6];
	_ =	sdelay $0x3  }
0x37: {  	[smem:$0x3FB6] =	sst s10  }
0x38: {  	s10 =	sld [smem:$0x3FB7]  }
0x39: {  	_ = 	snop;
	(pc) =	sbr.ind lr, $3  }
0x3a: {  	_ = 	snop  }
0x3b: {  	_ = 	snop  }
0x3c: {  	p2 =	seq.s32 s10, $0x1;
	s10 =	sld [smem:$0x3FB6]  }
0x3d: {  	_ =	shalt  }
0x3e: {  	_ =	shalt  }
0x3f: {  	_ =	shalt  }
0x40: {  	_ =	shalt  }
0x41: {  	_ =	shalt  }
0x42: {  	_ =	shalt  }
0x43: {  	_ =	shalt  }
0x44: {  	_ =	shalt  }
0x45: {  	_ =	shalt  }
0x46: {  	_ =	shalt  }
0x47: {  	_ =	shalt  }
0x48: {  	_ =	shalt  }
0x49: {  	_ =	shalt  }
0x4a: {  	_ =	shalt  }
0x4b: {  	_ =	shalt  }
0x4c: {  	_ =	shalt  }
0x4d: {  	_ =	shalt  }
0x4e: {  	_ =	shalt  }
0x4f: {  	_ =	shalt  }
0x50: {  	_ =	shalt  }
0x51: {  	_ =	shalt  }
0x52: {  	_ =	shalt  }
0x53: {  	_ =	shalt  }
0x54: {  	_ =	shalt  }
0x55: {  	_ =	shalt  }
0x56: {  	_ =	shalt  }
0x57: {  	_ =	shalt  }
0x58: {  	_ =	shalt  }
0x59: {  	_ =	shalt  }
0x5a: {  	_ =	shalt  }
0x5b: {  	_ =	shalt  }
0x5c: {  	_ =	shalt  }
0x5d: {  	_ =	shalt  }
0x5e: {  	_ =	shalt  }
0x5f: {  	_ =	shalt  }
0x60: {  	_ =	shalt  }
0x61: {  	_ =	shalt  }
0x62: {  	_ =	shalt  }
0x63: {  	_ =	shalt  }
0x64: {  	_ =	shalt  }
0x65: {  	_ =	shalt  }
0x66: {  	_ =	shalt  }
0x67: {  	_ =	shalt  }
0x68: {  	_ =	shalt  }
0x69: {  	_ =	shalt  }
0x6a: {  	_ =	shalt  }
0x6b: {  	_ =	shalt  }
0x6c: {  	_ =	shalt  }
0x6d: {  	_ =	shalt  }
0x6e: {  	_ =	shalt  }
0x6f: {  	_ =	shalt  }
0x70: {  	_ =	shalt  }
0x71: {  	_ =	shalt  }
0x72: {  	_ =	shalt  }
0x73: {  	_ =	shalt  }
0x74: {  	_ =	shalt  }
0x75: {  	_ =	shalt  }
0x76: {  	_ =	shalt  }
0x77: {  	_ =	shalt  }
0x78: {  	_ =	shalt  }
0x79: {  	_ =	shalt  }
0x7a: {  	_ =	shalt  }
0x7b: {  	_ =	shalt  }
0x7c: {  	_ =	shalt  }
0x7d: {  	_ =	shalt  }
0x7e: {  	_ =	shalt  }
0x7f: {  	_ =	shalt  }
0x80: {  	_ =	shalt  }
0x81: {  	_ =	shalt  }
0x82: {  	_ =	shalt  }
0x83: {  	_ =	shalt  }
0x84: {  	_ =	shalt  }
0x85: {  	_ =	shalt  }
0x86: {  	_ =	shalt  }
0x87: {  	_ =	shalt  }
.Lfunc_end0:
.L_simem_size_0:
called_computation_lowered:
.L_overlay_start_0:
0x88: {  	s2 =	sld [smem:$0x3FD9]  }
0x89: {  	s3 =	sld [smem:$0x3FFE];
	_ =	sdelay $0x1  }
0x8a: {  	s1 =	srdreg.scid  }
0x8b: {  	s0 =	sand.u32 $0x1, s1  }
0x8c: {  	s17 =	sshll.u32 s0, $0xA;
	s2 =	sadd.s32 s3, s2  }
0x8d: {  	s2 =	sadd.s32 s2, s17  }
0x8e: {  	[smem:$0x3FC2] =	sst s2  }
0x8f: {  	_ = 	snop  }
0x90: {  	s2 =	sld [smem:$0x3FD0];
	(tm) =	ssettm $0x1  }
0x91: {  	s18 =	sld [smem:$0x3FFB];
	_ =	sdelay $0x3  }
0x92: {  	_ =	strace s18  }
0x93: {  	s3 =	sld [smem:$0x3FFC];
	_ =	sdelay $0x3  }
0x94: {  	_ =	strace s3  }
0x95: {  	s3 =	sld [smem:$0x3FFD];
	_ =	sdelay $0x3  }
0x96: {  	_ =	strace s3  }
0x97: {  	_ =	strace $0x8FFFFFFF  }
0x98: {  	s19 =	sld [smem:$0x3FDB];
	_ =	sdelay $0x1  }
0x99: {  	s4 =	simm.s32 $_scs_section_size  }
0x9a: {  	s5 =	simm.s32 $_size__tile_overlayer_lowered;
	s6 =	simm.s32 $_tile_overlayer_lowered  }
0x9b: {  	s22 =	simm.s32 $0x1BFF;
	s21 =	sshll.u32 s6, $0x1;
	s3 =	sadd.s32 s4, s19  }
0x9c: {  	s7 =	simm.s32 $0x0;
	s20 =	sshll.u32 s5, $0x1;
	s5 =	sadd.s32 s21, s3  }
0x9d: {  	[timem:s7], [sflag:s22] =	dma.local [hbm:s5], s20  }
0x9e: {  	_ =	swait.ge [sflag:s22], s20  }
0x9f: {  	s4 =	ssub.s32 $0x0, s20;
	[sflag:s22] =	ssyncset.done $0x0  }
0xa0: {  	[sflag:s22] =	ssyncadd.s32 s4;
	_ =	sdelay $0x1  }
0xa1: {  	s23 =	simm.s32 $0x1B8B  }
0xa2: {  	_ =	swait.ge [sflag:s23], $0x1  }
0xa3: {  	[sflag:s23] =	ssyncset.done $0x0  }
0xa4: {  	s25 =	simm.s32 $0x1B8E;
	s24 =	sld [smem:$0x3FFE];
	[sflag:s23] =	ssyncadd.s32 $0xFFFFFFFF  }
0xa5: {  	s26 =	simm.s32 $execute0_lowered;
	[smem:$0x3FD2] =	sst s25  }
0xa6: {  	s5 =	sshll.u32 s26, $0x1;
	_ =	strace $0x80000046;
	[dreg:$0x1] =	wrdreg $0xFFFFFFFF  }
0xa7: {  	s28 =	simm.s32 $_size_execute0_lowered;
	s3 =	sadd.s32 s3, s5;
	[dreg:$0x0] =	wrdreg $0x0  }
0xa8: {  	s5 =	sshll.u32 s28, $0x1;
	[dreg:$0x2] =	wrdreg s3  }
0xa9: {  	[dreg:$0x3] =	wrdreg s5  }
0xaa: {  	[dreg:$0x4] =	wrdreg $0xC0  }
0xab: {  	_ =	task [dreg:s7], $0x5FFFF  }
0xac: {  	[dreg:$0x1] =	wrdreg $0xFFFFFFFF  }
0xad: {  	[dreg:$0x0] =	wrdreg $0x60  }
0xae: {  	[dreg:$0x2] =	wrdreg s24  }
0xaf: {  	[dreg:$0x3] =	wrdreg s2  }
0xb0: {  	[dreg:$0x4] =	wrdreg $0x55000  }
0xb1: {  	[dreg:$0x5] =	wrdreg $0x9  }
0xb2: {  	_ =	task.clear_ibuf [dreg:s7], $0x6FFFF;
	_ =	strace $0x90000046  }
0xb3: {  	s29 =	simm.s32 $0x9;
	_ =	strace $0x80000048  }
0xb4: {  	_ =	swait.ge [sflag:s29], $0x1  }
0xb5: {  	[sflag:s29] =	ssyncadd.s32 $0xFFFFFFFF  }
0xb6: {  	_ =	strace $0x90000048  }
0xb7: {  	_ =	sfence  }
0xb8: {  	s30 =	sld [smem:$0x0];
	_ =	sdelay $0x2  }
0xb9: {  	s31 =	sshll.u32 s1, $0xD;
	s1 =	sshrl.u32 s1, $0x2  }
0xba: {  	s3 =	sand.u32 $0x4000, s31;
	s1 =	sadd.s32 s1, s30  }
0xbb: {  	s0 =	sor.u32 s3, s0;
	s1 =	sshll.u32 s1, $0x11  }
0xbc: {  	s0 =	sor.u32 s1, s0  }
0xbd: {  	s0 =	sadd.s32 $0x8F2B, s0  }
0xbe: {  	[sflag:s0] =	ssyncadd.remote.s32 $0x1  }
0xbf: {  	_ =	sfence.sel $0xFFFF  }
0xc0: {  	[dreg:$0x0] =	wrdreg $0xFFFFFFFF;
	(pc) =	sbr.abs _section_cstart, $3  }
0xc1: {  	[dreg:$0x1] =	wrdreg $0xFFFFFFFF  }
0xc2: {  	_ =	task.clear_ibuf [dreg:s7], $0x2FFFF;
	_ =	strace $0x9FFFFFFF  }
0xc3: {  	(tm) =	ssettm $0x7FFFFFFF  }
tec
execute0_lowered:
.L_overlay_start_1:
0x0: {  	(tag) =	ssettag $0x1  }
0x1: {  	s3 =	rddreg [dreg:$0x0]  }
0x2: {  	s6 =	rddreg [dreg:$0x1]  }
0x3: {  	s1 =	srdreg.scid;
	s0 =	stileid.u32  }
0x4: {  	s5 =	rddreg [dreg:$0x2];
	s2 =	simm.s32 $0x0;
	s12 =	simm.s32 $0x5000  }
0x5: {  	s13 =	simm.s32 $0x100;
	s14 =	simm.s32 $0x5280;
	s15 =	simm.s32 $0x0  }
0x6: {  	s4 =	sand.u32 $0x1, s1;
	s7 =	sshll.u32 s0, $0x1;
	s1 =	rddreg [dreg:$0x3]  }
0x7: {  	[smem:$0x7FF] =	sst s2;
	s9 =	sshrl.u32 s0, $0x3;
	s28 =	smul.u32 $0x500, s0  }
0x8: {  	s29 =	sshll.u32 s0, $0x7;
	s11 =	smul.u32 $0x5000, s0;
	s7 =	sor.u32 s4, s7  }
0x9: {  	_ =	strace $0x80000047;
	s8 =	ssub.s32 $0x2, s4;
	s26 =	smul.u32 $0x50000, s9  }
0xa: {  	s4 =	sshll.u32 s4, $0x7;
	s9 =	simm.s32 $0x2800;
	s7 =	smul.u32 $0x2800, s7  }
0xb: {  	s10 =	sshrl.u32 s8, $0x1;
	s4 =	sor.u32 s4, s28;
	s30 =	sshrl.u32 s11, $0x2  }
0xc: {  	s11 =	simm.s32 $0x400;
	s8 =	ssub.s32 s8, s10;
	s7 =	sshrl.u32 s7, $0x3  }
0xd: {  	s31 =	sshrl.u32 s4, $0x3;
	s3 =	sadd.s32 s3, s7;
	s7 =	sshrl.u32 s26, $0x2  }
0xe: {  	s10 =	sand.u32 $0x380, s29;
	s6 =	sadd.s32 s6, s31;
	s7 =	sadd.s32 s7, s5  }
0xf: {  	s3 =	sadd.s32 $0xCA00, s3;
	s5 =	sadd.s32 s30, s5;
	s4 =	sadd.s32 s10, s7  }
0x10: {  	v0 =	vimm.f32 $0.0e+00;
	v1 =	vimm.f32 $1.000000000e+00;
	s7 =	smax.u32 s8, $0x1;
	s8 =	simm.s32 $0x1;
	s10 =	simm.s32 $0x80  }
.LBB2_1:
0x11: {  	[tilespmem:s2], [sflag:$0x1] =	stream.linear.gather [hbm4b:s3+s2], $0x2800, $0x38;
	[tilespmem:$0x7D00] =	vst v63  }
0x12: {  	_ =	swait.ge [sflag:s8], $0x2800  }
0x13: {  	[sflag:s8] =	ssyncset.done $0x0  }
0x14: {  	s16 =	simm.s32 $0x0;
	[sflag:s8] =	ssyncadd.s32 $0xFFFFD800  }
.LBB2_2:
0x15: {  	p0 =	sne.s32 s16, $0x9FC0  }
.Ltmp0:
0x16: {  	_ = 	snop;
	(pc) =	sbr.rel @p0 .LBB2_2-.Ltmp0, $3  }
0x17: {  	_ =	sdelay $0x1  }
0x18: {  	s17 =	sshra.s32 s16, $0x2  }
0x19: {  	s16 =	sadd.s32 $0x40, s16;
	[tilespmem:s17+$0x2800] =	vst v0  }
0x1a: {  	s16 =	simm.s32 $0x1C0  }
.LBB2_4:
0x1b: {  	s17 =	sshra.s32 s16, $0x2  }
0x1c: {  	v2 =	vld [tilespmem:s17+$0xFFFFFF90];
	_ =	sdelay $0x7  }
0x1d: {  	[tilespmem:v2+s9+$0x0] =	vst.idx.add.f32.msk $0xffff, v1  }
0x1e: {  	v2 =	vld [tilespmem:s17+$0xFFFFFFA0];
	_ =	sdelay $0x7  }
0x1f: {  	[tilespmem:v2+s9+$0x0] =	vst.idx.add.f32.msk $0xffff, v1  }
0x20: {  	v2 =	vld [tilespmem:s17+$0xFFFFFFB0];
	_ =	sdelay $0x7  }
0x21: {  	[tilespmem:v2+s9+$0x0] =	vst.idx.add.f32.msk $0xffff, v1  }
0x22: {  	v2 =	vld [tilespmem:s17+$0xFFFFFFC0];
	_ =	sdelay $0x7  }
0x23: {  	[tilespmem:v2+s9+$0x0] =	vst.idx.add.f32.msk $0xffff, v1  }
0x24: {  	v2 =	vld [tilespmem:s17+$0xFFFFFFD0];
	_ =	sdelay $0x7  }
0x25: {  	[tilespmem:v2+s9+$0x0] =	vst.idx.add.f32.msk $0xffff, v1  }
0x26: {  	v2 =	vld [tilespmem:s17+$0xFFFFFFE0];
	_ =	sdelay $0x7  }
0x27: {  	[tilespmem:v2+s9+$0x0] =	vst.idx.add.f32.msk $0xffff, v1  }
0x28: {  	v2 =	vld [tilespmem:s17+$0xFFFFFFF0];
	_ =	sdelay $0x7  }
0x29: {  	[tilespmem:v2+s9+$0x0] =	vst.idx.add.f32.msk $0xffff, v1  }
0x2a: {  	v2 =	vld [tilespmem:s17+$0x0];
	_ =	sdelay $0x2  }
0x2b: {  	p0 =	sne.s32 s16, $0x9FC0  }
.Ltmp1:
0x2c: {  	_ = 	snop;
	(pc) =	sbr.rel @p0 .LBB2_4-.Ltmp1, $2  }
0x2d: {  	_ =	sdelay $0x2  }
0x2e: {  	s16 =	sadd.s32 $0x200, s16;
	[tilespmem:v2+s9+$0x0] =	vst.idx.add.f32.msk $0xffff, v1  }
0x2f: {  	[spmem:s4] =	stream.strided.scatter [tilespmem:s9], [sflag:$0x1], $0x2800, s11, s10, $0x38;
	[tilespmem:$0x7D00] =	vst v63  }
0x30: {  	_ =	swait.ge [sflag:s8], $0x2800  }
0x31: {  	[sflag:s8] =	ssyncset.done $0x0  }
0x32: {  	[sflag:s8] =	ssyncadd.s32 $0xFFFFD800  }
0x33: {  	[bflag:$0x0] =	sbarrier.arrive $0xFFFF  }
0x34: {  	[tilespmem:$0x5280] =	vst v0  }
0x35: {  	[tilespmem:$0x5290] =	vst v0  }
0x36: {  	[tilespmem:$0x52A0] =	vst v0  }
0x37: {  	[tilespmem:$0x52B0] =	vst v0  }
0x38: {  	[tilespmem:$0x52C0] =	vst v0  }
0x39: {  	[tilespmem:$0x52D0] =	vst v0  }
0x3a: {  	[tilespmem:$0x52E0] =	vst v0  }
0x3b: {  	[tilespmem:$0x52F0] =	vst v0  }
0x3c: {  	[tilespmem:$0x5300] =	vst v0  }
0x3d: {  	[tilespmem:$0x5310] =	vst v0  }
0x3e: {  	[tilespmem:$0x5320] =	vst v0  }
0x3f: {  	[tilespmem:$0x5330] =	vst v0  }
0x40: {  	[tilespmem:$0x5340] =	vst v0  }
0x41: {  	[tilespmem:$0x5350] =	vst v0  }
0x42: {  	[tilespmem:$0x5360] =	vst v0  }
0x43: {  	[tilespmem:$0x5370] =	vst v0  }
0x44: {  	[tilespmem:$0x5380] =	vst v0  }
0x45: {  	[tilespmem:$0x5390] =	vst v0  }
0x46: {  	[tilespmem:$0x53A0] =	vst v0  }
0x47: {  	[tilespmem:$0x53B0] =	vst v0  }
0x48: {  	[tilespmem:$0x53C0] =	vst v0  }
0x49: {  	[tilespmem:$0x53D0] =	vst v0  }
0x4a: {  	[tilespmem:$0x53E0] =	vst v0  }
0x4b: {  	[tilespmem:$0x53F0] =	vst v0  }
0x4c: {  	[tilespmem:$0x5400] =	vst v0  }
0x4d: {  	[tilespmem:$0x5410] =	vst v0  }
0x4e: {  	[tilespmem:$0x5420] =	vst v0  }
0x4f: {  	[tilespmem:$0x5430] =	vst v0  }
0x50: {  	[tilespmem:$0x5440] =	vst v0  }
0x51: {  	[tilespmem:$0x5450] =	vst v0  }
0x52: {  	[tilespmem:$0x5460] =	vst v0  }
0x53: {  	[tilespmem:$0x5470] =	vst v0  }
0x54: {  	[tilespmem:$0x5480] =	vst v0  }
0x55: {  	[tilespmem:$0x5490] =	vst v0  }
0x56: {  	[tilespmem:$0x54A0] =	vst v0  }
0x57: {  	[tilespmem:$0x54B0] =	vst v0  }
0x58: {  	[tilespmem:$0x54C0] =	vst v0  }
0x59: {  	[tilespmem:$0x54D0] =	vst v0  }
0x5a: {  	[tilespmem:$0x54E0] =	vst v0  }
0x5b: {  	s16 =	simm.s32 $0x0;
	[tilespmem:$0x54F0] =	vst v0  }
.LBB2_6:
0x5c: {  	s17 =	sshrl.u32 s16, $0x3  }
0x5d: {  	s17 =	smul.u32 $0x50000, s17;
	_ =	sdelay $0x1  }
0x5e: {  	s18 =	sshll.u32 s16, $0x7;
	s17 =	sshra.s32 s17, $0x2  }
0x5f: {  	s18 =	sand.u32 $0x380, s18;
	s17 =	sadd.s32 s17, s5  }
0x60: {  	s17 =	sadd.s32 s18, s17  }
0x61: {  	[tilespmem:s12], [sflag:$0x1] =	stream.strided.gather [spmem:s17], $0x280, s11, s10, $0x38;
	[tilespmem:$0x7D00] =	vst v63  }
0x62: {  	_ =	swait.ge [sflag:s8], $0x280  }
0x63: {  	[sflag:s8] =	ssyncset.done $0x0  }
0x64: {  	s17 =	simm.s32 $0x0;
	[sflag:s8] =	ssyncadd.s32 $0xFFFFFD80  }
0x65: {  	s18 =	simm.s32 $0x40;
	v2 =	vld [tilespmem:s17+$0x5000]  }
.LBB2_7:
0x66: {  	p0 =	sne.s32 s18, $0x9C0;
	v3 =	vld [tilespmem:s17+$0x5280];
	_ =	sdelay $0x2  }
.Ltmp2:
0x67: {  	(pc) =	sbr.rel @p0 .LBB2_7-.Ltmp2, $4  }
0x68: {  	_ = 	snop  }
0x69: {  	v3 =	vadd.f32 v2, v3  }
0x6a: {  	s19 =	sshra.s32 s18, $0x2  }
0x6b: {  	s18 =	sadd.s32 $0x40, s18;
	v2 =	vld [tilespmem:s19+$0x5000];
	[tilespmem:s17+$0x5280] =	vst v3;
	s17 =	smov.u32 s19  }
0x6c: {  	v3 =	vld [tilespmem:s17+$0x5280]  }
0x6d: {  	s16 =	sadd.s32 $0x1, s16  }
0x6e: {  	p0 =	sne.s32 s16, $0x10  }
.Ltmp3:
0x6f: {  	_ = 	snop;
	(pc) =	sbr.rel @p0 .LBB2_6-.Ltmp3, $3  }
0x70: {  	_ = 	snop  }
0x71: {  	v2 =	vadd.f32 v2, v3;
	_ =	sdelay $0x1  }
0x72: {  	[tilespmem:s17+$0x5280] =	vst v2  }
0x73: {  	s15 =	sadd.s32 $0x1, s15  }
0x74: {  	p0 =	sne.s32 s15, s7  }
.Ltmp4:
0x75: {  	_ = 	snop;
	(pc) =	sbr.rel @p0 .LBB2_1-.Ltmp4, $4  }
0x76: {  	[hbm4b:s6+s10] =	stream.strided.scatter [tilespmem:s14], [sflag:$0x1], $0x280, s13, s10, $0x38;
	[tilespmem:$0x7D00] =	vst v63  }
0x77: {  	_ =	swait.ge [sflag:s8], $0x280  }
0x78: {  	[sflag:s8] =	ssyncset.done $0x0  }
0x79: {  	[sflag:s8] =	ssyncadd.s32 $0xFFFFFD80  }
0x7a: {  	_ =	sfence.sel $0x180000  }
0x7b: {  	[bflag:$0x0] =	sbarrier.arrive $0xFFFF  }
0x7c: {  	p0 =	sne.s32 s0, $0x0;
	_ =	strace $0x90000047  }
0x7d: {  	s0 =	sadd.s32 @!p0 $0x100000, s1;
	[bflag:$0x2] =	sbarrier.arrive $0xFFFF  }
0x7e: {  	[sflag:s0] =	ssyncadd.tile.s32 @!p0 $0x1;
	_ =	shalt  }
.Lfunc_end2:
_tile_overlayer_lowered:
.L_overlay_start_2:
0x7f: {  	(tag) =	ssettag $0x2  }
0x80: {  	s0 =	rddreg [dreg:$0x0];
	s2 =	stileid.u32  }
0x81: {  	s1 =	rddreg [dreg:$0x1];
	p0 =	sne.s32 s2, $0x0  }
0x82: {  	s3 =	rddreg [dreg:$0x2];
	[bflag:$0x3] =	sbarrier.arrive $0xFFFF;
	s2 =	simm.s32 @!p0 $0x1C01  }
0x83: {  	[timem:s3], [sflag:s2] =	dma.local @!p0 [hbm:s0], s1  }
0x84: {  	s0 =	simm.s32 @!p0 $0x1  }
0x85: {  	_ =	swait.ge @!p0 [sflag:s0], s1  }
0x86: {  	s1 =	ssub.s32 @!p0 $0x0, s1;
	[sflag:s0] =	ssyncset.done @!p0 $0x0  }
0x87: {  	[sflag:s0] =	ssyncadd.s32 @!p0 s1  }
0x88: {  	[bflag:$0x3] =	sbarrier.arrive $0xFFFF  }
0x89: {  	_ =	shalt  }

</sc_bundles>
